<compile_context>
chip_gen: v7x
topology: tpu7x:2x2x1
jax: 0.10.2.dev20260603
libtpu: 0.0.44.dev20260713+nightly
codegen_flags: <defaults>
</compile_context>

<pallas_src>
import functools

import jax
import jax.numpy as jnp
from jax import lax
from jax.experimental import pallas as pl
from jax.experimental.pallas import tpu as pltpu
from jax.experimental.pallas import tpu_sc as plsc

B = 8
PER = 4096
STRIDE = 4
K = 16
C_IN = 256
C_OUT = 512
M = PER // STRIDE
N = B * M


_MSUB = 128


def _topk_body(tpc_ref, prow_ref, idx_ref, rel_ref, *, boff):
    tpc = tpc_ref[...]
    prow = prow_ref[0]
    d2 = None
    for c in range(3):
        diff = tpc[:, c:c + 1] - prow[c:c + 1, :]
        d2 = diff * diff if d2 is None else d2 + diff * diff
    iota = lax.broadcasted_iota(jnp.int32, (_MSUB, PER), 1)
    inf = jnp.float32(jnp.inf)
    for k in range(K):
        idxv = jnp.argmin(d2, axis=1).reshape(_MSUB, 1)
        d2 = jnp.where(iota == idxv, inf, d2)
        idx_ref[:, k:k + 1] = idxv + boff
    selb = jnp.isinf(d2)
    for c in range(3):
        m = jnp.max(jnp.where(selb, prow[c:c + 1, :], -inf),
                    axis=1, keepdims=True)
        rel_ref[:, c:c + 1] = m - tpc[:, c:c + 1]


def _topk_body_g(tpc_ref, prow_ref, idx_ref, rel_ref):
    _topk_body(tpc_ref, prow_ref, idx_ref, rel_ref,
               boff=pl.program_id(0) * PER)


def _run_topk(tpc, prow):
    return pl.pallas_call(
        _topk_body_g,
        grid=(B, M // _MSUB),
        in_specs=[
            pl.BlockSpec((_MSUB, 3), lambda b, s: (b * (M // _MSUB) + s, 0)),
            pl.BlockSpec((1, 3, PER), lambda b, s: (b, 0, 0)),
        ],
        out_specs=[
            pl.BlockSpec((_MSUB, K), lambda b, s: (b * (M // _MSUB) + s, 0)),
            pl.BlockSpec((_MSUB, 3), lambda b, s: (b * (M // _MSUB) + s, 0)),
        ],
        out_shape=[
            jax.ShapeDtypeStruct((N, K), jnp.int32),
            jax.ShapeDtypeStruct((N, 3), jnp.float32),
        ],
    )(tpc, prow)



_NW = 32
_TPW = N // _NW
_TPC = 8
_NCHUNK = _TPW // _TPC


def _sc_pool_body(x_hbm, idx_hbm, out_hbm, idx_v, rows_v, out_v):
    wid = lax.axis_index("s") * 2 + lax.axis_index("c")
    pltpu.sync_copy(idx_hbm.at[wid], idx_v)

    def chunk_body(cc, carry):
        pltpu.sync_copy(x_hbm.at[idx_v.at[cc]], rows_v)

        def tgt_body(t, carry2):
            for ch in range(C_IN // 16):
                sl = pl.ds(ch * 16, 16)
                acc = rows_v[t * K, sl]
                for r in range(1, K):
                    acc = jnp.maximum(acc, rows_v[t * K + r, sl])
                out_v[t, sl] = acc
            return carry2

        lax.fori_loop(0, _TPC, tgt_body, 0)
        pltpu.sync_copy(out_v, out_hbm.at[pl.ds(wid * _TPW + cc * _TPC, _TPC)])
        return carry

    lax.fori_loop(0, _NCHUNK, chunk_body, 0)


@functools.lru_cache(maxsize=1)
def _get_sc_pool():
    return pl.kernel(
        _sc_pool_body,
        out_type=jax.ShapeDtypeStruct((N, C_IN), jnp.float32),
        mesh=plsc.VectorSubcoreMesh(core_axis_name="c", subcore_axis_name="s"),
        scratch_types=[
            pltpu.VMEM((_NCHUNK, _TPC * K), jnp.int32),
            pltpu.VMEM((_TPC * K, C_IN), jnp.float32),
            pltpu.VMEM((_TPC, C_IN), jnp.float32),
        ],
    )



_RT = 512
_NT = N // _RT


def _mlp_body(rel_ref, feat_ref, w0_ref, w1_ref, h_ref, stats_ref):
    h = jnp.dot(feat_ref[...], w1_ref[...],
                preferred_element_type=jnp.float32)
    h = h + jnp.dot(rel_ref[...], w0_ref[...],
                    preferred_element_type=jnp.float32)
    h_ref[...] = h
    s1 = jnp.sum(h, axis=0, keepdims=True)
    s2 = jnp.sum(h * h, axis=0, keepdims=True)
    part = jnp.concatenate([s1, s2], axis=0)

    @pl.when(pl.program_id(0) == 0)
    def _init():
        stats_ref[...] = part

    @pl.when(pl.program_id(0) != 0)
    def _acc():
        stats_ref[...] += part


def _run_mlp(relp, feat, w0, w1):
    return pl.pallas_call(
        _mlp_body,
        grid=(_NT,),
        in_specs=[
            pl.BlockSpec((_RT, 8), lambda t: (t, 0)),
            pl.BlockSpec((_RT, C_IN), lambda t: (t, 0)),
            pl.BlockSpec((8, C_OUT), lambda t: (0, 0)),
            pl.BlockSpec((C_IN, C_OUT), lambda t: (0, 0)),
        ],
        out_specs=[
            pl.BlockSpec((_RT, C_OUT), lambda t: (t, 0)),
            pl.BlockSpec((2, C_OUT), lambda t: (0, 0)),
        ],
        out_shape=[
            jax.ShapeDtypeStruct((N, C_OUT), jnp.float32),
            jax.ShapeDtypeStruct((2, C_OUT), jnp.float32),
        ],
    )(relp, feat, w0, w1)


def _bn_body(h_ref, stats_ref, gamma_ref, beta_ref, out_ref):
    inv_n = jnp.float32(1.0 / N)
    mean = stats_ref[0:1, :] * inv_n
    var = stats_ref[1:2, :] * inv_n - mean * mean
    scale = gamma_ref[...] / jnp.sqrt(var + 1e-5)
    out_ref[...] = jnp.maximum((h_ref[...] - mean) * scale + beta_ref[...],
                               0.0)


def _run_bn(h, stats, gamma, beta):
    return pl.pallas_call(
        _bn_body,
        grid=(_NT,),
        in_specs=[
            pl.BlockSpec((_RT, C_OUT), lambda t: (t, 0)),
            pl.BlockSpec((2, C_OUT), lambda t: (0, 0)),
            pl.BlockSpec((1, C_OUT), lambda t: (0, 0)),
            pl.BlockSpec((1, C_OUT), lambda t: (0, 0)),
        ],
        out_specs=pl.BlockSpec((_RT, C_OUT), lambda t: (t, 0)),
        out_shape=jax.ShapeDtypeStruct((N, C_OUT), jnp.float32),
    )(h, stats, gamma, beta)



def kernel(p, x, o, W, gamma, beta):
    pb = p.reshape(B, PER, 3)
    tp = pb[:, ::STRIDE]
    tpc = tp.reshape(N, 3)
    prow = jnp.swapaxes(pb, 1, 2)

    idx, rel = _run_topk(tpc, prow)
    gidx = idx.reshape(_NW, _NCHUNK, _TPC * K)
    feat = _get_sc_pool()(x, gidx)

    relp = jnp.pad(rel, ((0, 0), (0, 5)))
    w0 = jnp.pad(W[:3], ((0, 5), (0, 0)))
    w1 = W[3:]
    h, stats = _run_mlp(relp, feat, w0, w1)
    out = _run_bn(h, stats, gamma.reshape(1, C_OUT), beta.reshape(1, C_OUT))

    return tpc, out, o // STRIDE

# --- scband reference (transcript-rebuilt; emitter-appended) ---
"""Pipeline reference for scband-transition-down-84052509982744 (READ-ONLY COPY).

The authoritative reference and input builder live on the scoring server;
editing this copy changes nothing except your own understanding.
"""

import jax, jax.numpy as jnp
import numpy as np

B = 8
PER = 4096
STRIDE = 4
K = 16
C_IN = 256
C_OUT = 512


def setup_inputs(seed: int = 0) -> dict:
    key = jax.random.key(seed)
    k1, k2, k3 = jax.random.split(key, 3)
    p = jax.random.uniform(k1, (B * PER, 3), dtype=jnp.float32) * 10.0
    x = jax.random.normal(k2, (B * PER, C_IN), dtype=jnp.float32)
    o = (jnp.arange(1, B + 1, dtype=jnp.int32) * PER)
    W = jax.random.normal(k3, (3 + C_IN, C_OUT), dtype=jnp.float32) * (1.0 / np.sqrt(3 + C_IN))
    gamma = jnp.ones((C_OUT,), dtype=jnp.float32)
    beta = jnp.zeros((C_OUT,), dtype=jnp.float32)
    return {"p": p, "x": x, "o": o, "W": W, "gamma": gamma, "beta": beta}


def _sample_and_pool(p, x):
    # sampler: deterministic stride subsample per batch segment (segments equal-sized)
    pb = p.reshape(B, PER, 3)
    xb = x.reshape(B, PER, C_IN)
    tp = pb[:, ::STRIDE]  # [B, M, 3] sampled target points
    # pooling: kNN max-pool with relative-xyz concat (with_xyz=True)
    d2 = jnp.sum((tp[:, :, None, :] - pb[:, None, :, :]) ** 2, axis=-1)  # [B, M, PER]
    _, idx = jax.lax.top_k(-d2, K)  # [B, M, K] nearest neighbor indices (per segment)
    nb_p = jax.vmap(lambda pts, i: pts[i])(pb, idx)   # [B, M, K, 3]
    nb_f = jax.vmap(lambda fts, i: fts[i])(xb, idx)   # [B, M, K, C_IN]
    rel = nb_p - tp[:, :, None, :]
    grouped = jnp.concatenate([rel, nb_f], axis=-1)   # [B, M, K, 3+C_IN]
    pooled = jnp.max(grouped, axis=2)                 # [B, M, 3+C_IN]
    M = PER // STRIDE
    return tp.reshape(B * M, 3), pooled.reshape(B * M, 3 + C_IN)


def reference(p, x, o, W, gamma, beta):
    n_p, pooled = _sample_and_pool(p, x)
    h = pooled @ W  # Linear(3+in_planes, out_planes, bias=False)
    # BatchNorm1d (training mode, batch statistics)
    mean = jnp.mean(h, axis=0)
    var = jnp.mean((h - mean) ** 2, axis=0)
    h = (h - mean) / jnp.sqrt(var + 1e-5) * gamma + beta
    h = jnp.maximum(h, 0.0)  # ReLU
    n_o = o // STRIDE
    return n_p, h, n_o

if __name__ == "__main__":
    import jax
    _d = setup_inputs()
    print(jax.jit(kernel)(*tuple(_d.values())))

</pallas_src>

<mosaic_0001>
#map = affine_map<(d0, d1) -> (0, 0)>
#map1 = affine_map<(d0, d1) -> (0, 0, 0)>
module attributes {stable_mosaic.version = 14 : i64} {
  func.func @_sc_pool_body(%arg0: i32, %arg1: i32, %arg2: memref<32768x256xf32, #tpu.memory_space<hbm>>, %arg3: memref<32x32x128xi32, #tpu.memory_space<hbm>>, %arg4: memref<8192x256xf32, #tpu.memory_space<hbm>>, %arg5: memref<32x128xi32, #tpu.memory_space<vmem>>, %arg6: memref<128x256xf32, #tpu.memory_space<vmem>>, %arg7: memref<8x256xf32, #tpu.memory_space<vmem>>) attributes {dimension_semantics = [#tpu.dimension_semantics<core_parallel>, #tpu.dimension_semantics<subcore_parallel>], iteration_bounds = array<i64: 2, 16>, scalar_prefetch = 0 : i64, scratch_operands = 3 : i64, tpu.core_type = #tpu.core_type<sc_vector_subcore>, window_params = [{transform_indices = #map}, {transform_indices = #map1}, {transform_indices = #map}]} {
    %mul3A = arith.constant 2 : i32
    %mul3A_0 = arith.muli %arg1, %mul3A : i32
    %add3A = arith.addi %mul3A_0, %arg0 : i32
    "tpu.region"() ({
      %run_scoped3A = tpu.sem_alloc : memref<!tpu.dma_semaphore, #tpu.memory_space<semaphore_mem>>
      %dma_start3A = arith.constant 0 : i32
      %dma_start3A_6 = arith.constant 0 : i32
      %dma_start3A_7 = tpu.memref_slice %arg3[%add3A, %dma_start3A, %dma_start3A_6] : memref<32x32x128xi32, #tpu.memory_space<hbm>> -> memref<1x32x128xi32, #tpu.memory_space<hbm>>
      %dma_start3A_8 = tpu.memref_squeeze %dma_start3A_7 : memref<1x32x128xi32, #tpu.memory_space<hbm>> -> memref<32x128xi32, #tpu.memory_space<hbm>>
      %dma_start3A_9 = arith.constant 0 : i32
      %dma_start3A_10 = arith.constant 0 : i32
      %dma_start3A_11 = tpu.memref_slice %arg3[%add3A, %dma_start3A_9, %dma_start3A_10] : memref<32x32x128xi32, #tpu.memory_space<hbm>> -> memref<1x32x128xi32, #tpu.memory_space<hbm>>
      %dma_start3A_12 = tpu.memref_squeeze %dma_start3A_11 : memref<1x32x128xi32, #tpu.memory_space<hbm>> -> memref<32x128xi32, #tpu.memory_space<hbm>>
      tpu.enqueue_dma source(%dma_start3A_12 : memref<32x128xi32, #tpu.memory_space<hbm>>) target(%arg5 : memref<32x128xi32, #tpu.memory_space<vmem>>) target_semaphore(%run_scoped3A : memref<!tpu.dma_semaphore, #tpu.memory_space<semaphore_mem>>)
      %dma_wait3A = arith.constant 0 : i32
      %dma_wait3A_13 = arith.constant 0 : i32
      %dma_wait3A_14 = tpu.memref_slice %arg3[%add3A, %dma_wait3A, %dma_wait3A_13] : memref<32x32x128xi32, #tpu.memory_space<hbm>> -> memref<1x32x128xi32, #tpu.memory_space<hbm>>
      %dma_wait3A_15 = tpu.memref_squeeze %dma_wait3A_14 : memref<1x32x128xi32, #tpu.memory_space<hbm>> -> memref<32x128xi32, #tpu.memory_space<hbm>>
      %dma_wait3A_16 = arith.constant 0 : i32
      %dma_wait3A_17 = arith.constant 0 : i32
      %dma_wait3A_18 = tpu.memref_slice %arg3[%add3A, %dma_wait3A_16, %dma_wait3A_17] : memref<32x32x128xi32, #tpu.memory_space<hbm>> -> memref<1x32x128xi32, #tpu.memory_space<hbm>>
      %dma_wait3A_19 = tpu.memref_squeeze %dma_wait3A_18 : memref<1x32x128xi32, #tpu.memory_space<hbm>> -> memref<32x128xi32, #tpu.memory_space<hbm>>
      tpu.wait_dma2 semaphore(%run_scoped3A : memref<!tpu.dma_semaphore, #tpu.memory_space<semaphore_mem>>) src(%dma_wait3A_19 : memref<32x128xi32, #tpu.memory_space<hbm>>) dst(%arg5 : memref<32x128xi32, #tpu.memory_space<vmem>>)
      tpu.yield
    }) : () -> ()
    %scan3A = arith.constant 0 : i32
    %scan3A_1 = arith.constant 0 : i32
    %scan3A_2 = arith.constant 32 : i32
    %scan3A_3 = arith.addi %scan3A_1, %scan3A_2 : i32
    %scan3A_4 = arith.constant 1 : i32
    scf.for %scan3A_6 = %scan3A_1 to %scan3A_3 step %scan3A_4  : i32 {
      "tpu.region"() ({
        %run_scoped3A = tpu.sem_alloc : memref<!tpu.dma_semaphore, #tpu.memory_space<semaphore_mem>>
        %dma_start3A = arith.constant 0 : i32
        %dma_start3A_18 = tpu.memref_slice %arg5[%scan3A_6, %dma_start3A] : memref<32x128xi32, #tpu.memory_space<vmem>> -> memref<1x128xi32, #tpu.memory_space<vmem>>
        %dma_start3A_19 = tpu.memref_squeeze %dma_start3A_18 : memref<1x128xi32, #tpu.memory_space<vmem>> -> memref<128xi32, #tpu.memory_space<vmem>>
        %dma_start3A_20 = arith.constant 0 : i32
        %dma_start3A_21 = arith.constant 0 : i32
        %dma_start3A_22 = tpu.memref_slice %arg2[%dma_start3A_20, %dma_start3A_21] : memref<32768x256xf32, #tpu.memory_space<hbm>> -> memref<32768x256xf32, #tpu.memory_space<hbm>>
        tpu.enqueue_indirect_dma source(%dma_start3A_22 : memref<32768x256xf32, #tpu.memory_space<hbm>>) target(%arg6 : memref<128x256xf32, #tpu.memory_space<vmem>>) offsets(%dma_start3A_19 : memref<128xi32, #tpu.memory_space<vmem>>) semaphore(%run_scoped3A : memref<!tpu.dma_semaphore, #tpu.memory_space<semaphore_mem>>)
        %dma_wait3A = arith.constant 0 : i32
        %dma_wait3A_23 = tpu.memref_slice %arg5[%scan3A_6, %dma_wait3A] : memref<32x128xi32, #tpu.memory_space<vmem>> -> memref<1x128xi32, #tpu.memory_space<vmem>>
        %dma_wait3A_24 = tpu.memref_squeeze %dma_wait3A_23 : memref<1x128xi32, #tpu.memory_space<vmem>> -> memref<128xi32, #tpu.memory_space<vmem>>
        %dma_wait3A_25 = arith.constant 0 : i32
        %dma_wait3A_26 = arith.constant 0 : i32
        %dma_wait3A_27 = tpu.memref_slice %arg2[%dma_wait3A_25, %dma_wait3A_26] : memref<32768x256xf32, #tpu.memory_space<hbm>> -> memref<32768x256xf32, #tpu.memory_space<hbm>>
        tpu.wait_indirect_dma semaphore(%run_scoped3A : memref<!tpu.dma_semaphore, #tpu.memory_space<semaphore_mem>>) src(%dma_wait3A_27 : memref<32768x256xf32, #tpu.memory_space<hbm>>) dst(%arg6 : memref<128x256xf32, #tpu.memory_space<vmem>>)
        tpu.yield
      }) : () -> ()
      %scan3A_7 = arith.constant 0 : i32
      %scan3A_8 = arith.constant 0 : i32
      %scan3A_9 = arith.constant 8 : i32
      %scan3A_10 = arith.addi %scan3A_8, %scan3A_9 : i32
      %scan3A_11 = arith.constant 1 : i32
      scf.for %scan3A_18 = %scan3A_8 to %scan3A_10 step %scan3A_11  : i32 {
        %mul3A_19 = arith.constant 16 : i32
        %mul3A_20 = arith.muli %scan3A_18, %mul3A_19 : i32
        %get3A = arith.index_cast %mul3A_20 : i32 to index
        %get3A_21 = arith.constant 0 : index
        %get3A_22 = tpu.vector_load %arg6[%get3A, %get3A_21] {strides = array<i32>} : memref<128x256xf32, #tpu.memory_space<vmem>>, vector<1x16xf32>,
        %get3A_23 = vector.shape_cast %get3A_22 : vector<1x16xf32> to vector<16xf32>
        %mul3A_24 = arith.constant 16 : i32
        %mul3A_25 = arith.muli %scan3A_18, %mul3A_24 : i32
        %add3A_26 = arith.constant 1 : i32
        %add3A_27 = arith.addi %mul3A_25, %add3A_26 : i32
        %get3A_28 = arith.index_cast %add3A_27 : i32 to index
        %get3A_29 = arith.constant 0 : index
        %get3A_30 = tpu.vector_load %arg6[%get3A_28, %get3A_29] {strides = array<i32>} : memref<128x256xf32, #tpu.memory_space<vmem>>, vector<1x16xf32>,
        %get3A_31 = vector.shape_cast %get3A_30 : vector<1x16xf32> to vector<16xf32>
        %max3A = arith.maximumf %get3A_23, %get3A_31 : vector<16xf32>
        %mul3A_32 = arith.constant 16 : i32
        %mul3A_33 = arith.muli %scan3A_18, %mul3A_32 : i32
        %add3A_34 = arith.constant 2 : i32
        %add3A_35 = arith.addi %mul3A_33, %add3A_34 : i32
        %get3A_36 = arith.index_cast %add3A_35 : i32 to index
        %get3A_37 = arith.constant 0 : index
        %get3A_38 = tpu.vector_load %arg6[%get3A_36, %get3A_37] {strides = array<i32>} : memref<128x256xf32, #tpu.memory_space<vmem>>, vector<1x16xf32>,
        %get3A_39 = vector.shape_cast %get3A_38 : vector<1x16xf32> to vector<16xf32>
        %max3A_40 = arith.maximumf %max3A, %get3A_39 : vector<16xf32>
        %mul3A_41 = arith.constant 16 : i32
        %mul3A_42 = arith.muli %scan3A_18, %mul3A_41 : i32
        %add3A_43 = arith.constant 3 : i32
        %add3A_44 = arith.addi %mul3A_42, %add3A_43 : i32
        %get3A_45 = arith.index_cast %add3A_44 : i32 to index
        %get3A_46 = arith.constant 0 : index
        %get3A_47 = tpu.vector_load %arg6[%get3A_45, %get3A_46] {strides = array<i32>} : memref<128x256xf32, #tpu.memory_space<vmem>>, vector<1x16xf32>,
        %get3A_48 = vector.shape_cast %get3A_47 : vector<1x16xf32> to vector<16xf32>
        %max3A_49 = arith.maximumf %max3A_40, %get3A_48 : vector<16xf32>
        %mul3A_50 = arith.constant 16 : i32
        %mul3A_51 = arith.muli %scan3A_18, %mul3A_50 : i32
        %add3A_52 = arith.constant 4 : i32
        %add3A_53 = arith.addi %mul3A_51, %add3A_52 : i32
        %get3A_54 = arith.index_cast %add3A_53 : i32 to index
        %get3A_55 = arith.constant 0 : index
        %get3A_56 = tpu.vector_load %arg6[%get3A_54, %get3A_55] {strides = array<i32>} : memref<128x256xf32, #tpu.memory_space<vmem>>, vector<1x16xf32>,
        %get3A_57 = vector.shape_cast %get3A_56 : vector<1x16xf32> to vector<16xf32>
        %max3A_58 = arith.maximumf %max3A_49, %get3A_57 : vector<16xf32>
        %mul3A_59 = arith.constant 16 : i32
        %mul3A_60 = arith.muli %scan3A_18, %mul3A_59 : i32
        %add3A_61 = arith.constant 5 : i32
        %add3A_62 = arith.addi %mul3A_60, %add3A_61 : i32
        %get3A_63 = arith.index_cast %add3A_62 : i32 to index
        %get3A_64 = arith.constant 0 : index
        %get3A_65 = tpu.vector_load %arg6[%get3A_63, %get3A_64] {strides = array<i32>} : memref<128x256xf32, #tpu.memory_space<vmem>>, vector<1x16xf32>,
        %get3A_66 = vector.shape_cast %get3A_65 : vector<1x16xf32> to vector<16xf32>
        %max3A_67 = arith.maximumf %max3A_58, %get3A_66 : vector<16xf32>
        %mul3A_68 = arith.constant 16 : i32
        %mul3A_69 = arith.muli %scan3A_18, %mul3A_68 : i32
        %add3A_70 = arith.constant 6 : i32
        %add3A_71 = arith.addi %mul3A_69, %add3A_70 : i32
        %get3A_72 = arith.index_cast %add3A_71 : i32 to index
        %get3A_73 = arith.constant 0 : index
        %get3A_74 = tpu.vector_load %arg6[%get3A_72, %get3A_73] {strides = array<i32>} : memref<128x256xf32, #tpu.memory_space<vmem>>, vector<1x16xf32>,
        %get3A_75 = vector.shape_cast %get3A_74 : vector<1x16xf32> to vector<16xf32>
        %max3A_76 = arith.maximumf %max3A_67, %get3A_75 : vector<16xf32>
        %mul3A_77 = arith.constant 16 : i32
        %mul3A_78 = arith.muli %scan3A_18, %mul3A_77 : i32
        %add3A_79 = arith.constant 7 : i32
        %add3A_80 = arith.addi %mul3A_78, %add3A_79 : i32
        %get3A_81 = arith.index_cast %add3A_80 : i32 to index
        %get3A_82 = arith.constant 0 : index
        %get3A_83 = tpu.vector_load %arg6[%get3A_81, %get3A_82] {strides = array<i32>} : memref<128x256xf32, #tpu.memory_space<vmem>>, vector<1x16xf32>,
        %get3A_84 = vector.shape_cast %get3A_83 : vector<1x16xf32> to vector<16xf32>
        %max3A_85 = arith.maximumf %max3A_76, %get3A_84 : vector<16xf32>
        %mul3A_86 = arith.constant 16 : i32
        %mul3A_87 = arith.muli %scan3A_18, %mul3A_86 : i32
        %add3A_88 = arith.constant 8 : i32
        %add3A_89 = arith.addi %mul3A_87, %add3A_88 : i32
        %get3A_90 = arith.index_cast %add3A_89 : i32 to index
        %get3A_91 = arith.constant 0 : index
        %get3A_92 = tpu.vector_load %arg6[%get3A_90, %get3A_91] {strides = array<i32>} : memref<128x256xf32, #tpu.memory_space<vmem>>, vector<1x16xf32>,
        %get3A_93 = vector.shape_cast %get3A_92 : vector<1x16xf32> to vector<16xf32>
        %max3A_94 = arith.maximumf %max3A_85, %get3A_93 : vector<16xf32>
        %mul3A_95 = arith.constant 16 : i32
        %mul3A_96 = arith.muli %scan3A_18, %mul3A_95 : i32
        %add3A_97 = arith.constant 9 : i32
        %add3A_98 = arith.addi %mul3A_96, %add3A_97 : i32
        %get3A_99 = arith.index_cast %add3A_98 : i32 to index
        %get3A_100 = arith.constant 0 : index
        %get3A_101 = tpu.vector_load %arg6[%get3A_99, %get3A_100] {strides = array<i32>} : memref<128x256xf32, #tpu.memory_space<vmem>>, vector<1x16xf32>,
        %get3A_102 = vector.shape_cast %get3A_101 : vector<1x16xf32> to vector<16xf32>
        %max3A_103 = arith.maximumf %max3A_94, %get3A_102 : vector<16xf32>
        %mul3A_104 = arith.constant 16 : i32
        %mul3A_105 = arith.muli %scan3A_18, %mul3A_104 : i32
        %add3A_106 = arith.constant 10 : i32
        %add3A_107 = arith.addi %mul3A_105, %add3A_106 : i32
        %get3A_108 = arith.index_cast %add3A_107 : i32 to index
        %get3A_109 = arith.constant 0 : index
        %get3A_110 = tpu.vector_load %arg6[%get3A_108, %get3A_109] {strides = array<i32>} : memref<128x256xf32, #tpu.memory_space<vmem>>, vector<1x16xf32>,
        %get3A_111 = vector.shape_cast %get3A_110 : vector<1x16xf32> to vector<16xf32>
        %max3A_112 = arith.maximumf %max3A_103, %get3A_111 : vector<16xf32>
        %mul3A_113 = arith.constant 16 : i32
        %mul3A_114 = arith.muli %scan3A_18, %mul3A_113 : i32
        %add3A_115 = arith.constant 11 : i32
        %add3A_116 = arith.addi %mul3A_114, %add3A_115 : i32
        %get3A_117 = arith.index_cast %add3A_116 : i32 to index
        %get3A_118 = arith.constant 0 : index
        %get3A_119 = tpu.vector_load %arg6[%get3A_117, %get3A_118] {strides = array<i32>} : memref<128x256xf32, #tpu.memory_space<vmem>>, vector<1x16xf32>,
        %get3A_120 = vector.shape_cast %get3A_119 : vector<1x16xf32> to vector<16xf32>
        %max3A_121 = arith.maximumf %max3A_112, %get3A_120 : vector<16xf32>
        %mul3A_122 = arith.constant 16 : i32
        %mul3A_123 = arith.muli %scan3A_18, %mul3A_122 : i32
        %add3A_124 = arith.constant 12 : i32
        %add3A_125 = arith.addi %mul3A_123, %add3A_124 : i32
        %get3A_126 = arith.index_cast %add3A_125 : i32 to index
        %get3A_127 = arith.constant 0 : index
        %get3A_128 = tpu.vector_load %arg6[%get3A_126, %get3A_127] {strides = array<i32>} : memref<128x256xf32, #tpu.memory_space<vmem>>, vector<1x16xf32>,
        %get3A_129 = vector.shape_cast %get3A_128 : vector<1x16xf32> to vector<16xf32>
        %max3A_130 = arith.maximumf %max3A_121, %get3A_129 : vector<16xf32>
        %mul3A_131 = arith.constant 16 : i32
        %mul3A_132 = arith.muli %scan3A_18, %mul3A_131 : i32
        %add3A_133 = arith.constant 13 : i32
        %add3A_134 = arith.addi %mul3A_132, %add3A_133 : i32
        %get3A_135 = arith.index_cast %add3A_134 : i32 to index
        %get3A_136 = arith.constant 0 : index
        %get3A_137 = tpu.vector_load %arg6[%get3A_135, %get3A_136] {strides = array<i32>} : memref<128x256xf32, #tpu.memory_space<vmem>>, vector<1x16xf32>,
        %get3A_138 = vector.shape_cast %get3A_137 : vector<1x16xf32> to vector<16xf32>
        %max3A_139 = arith.maximumf %max3A_130, %get3A_138 : vector<16xf32>
        %mul3A_140 = arith.constant 16 : i32
        %mul3A_141 = arith.muli %scan3A_18, %mul3A_140 : i32
        %add3A_142 = arith.constant 14 : i32
        %add3A_143 = arith.addi %mul3A_141, %add3A_142 : i32
        %get3A_144 = arith.index_cast %add3A_143 : i32 to index
        %get3A_145 = arith.constant 0 : index
        %get3A_146 = tpu.vector_load %arg6[%get3A_144, %get3A_145] {strides = array<i32>} : memref<128x256xf32, #tpu.memory_space<vmem>>, vector<1x16xf32>,
        %get3A_147 = vector.shape_cast %get3A_146 : vector<1x16xf32> to vector<16xf32>
        %max3A_148 = arith.maximumf %max3A_139, %get3A_147 : vector<16xf32>
        %mul3A_149 = arith.constant 16 : i32
        %mul3A_150 = arith.muli %scan3A_18, %mul3A_149 : i32
        %add3A_151 = arith.constant 15 : i32
        %add3A_152 = arith.addi %mul3A_150, %add3A_151 : i32
        %get3A_153 = arith.index_cast %add3A_152 : i32 to index
        %get3A_154 = arith.constant 0 : index
        %get3A_155 = tpu.vector_load %arg6[%get3A_153, %get3A_154] {strides = array<i32>} : memref<128x256xf32, #tpu.memory_space<vmem>>, vector<1x16xf32>,
        %get3A_156 = vector.shape_cast %get3A_155 : vector<1x16xf32> to vector<16xf32>
        %max3A_157 = arith.maximumf %max3A_148, %get3A_156 : vector<16xf32>
        %swap3A = arith.index_cast %scan3A_18 : i32 to index
        %swap3A_158 = arith.constant 0 : index
        %swap3A_159 = tpu.vector_load %arg7[%swap3A, %swap3A_158] {strides = array<i32>} : memref<8x256xf32, #tpu.memory_space<vmem>>, vector<1x16xf32>,
        %swap3A_160 = vector.shape_cast %swap3A_159 : vector<1x16xf32> to vector<16xf32>
        %swap3A_161 = vector.shape_cast %max3A_157 : vector<16xf32> to vector<1x16xf32>
        tpu.vector_store %arg7[%swap3A, %swap3A_158], %swap3A_161 {strides = array<i32>} : memref<8x256xf32, #tpu.memory_space<vmem>>, vector<1x16xf32>,
        %mul3A_162 = arith.constant 16 : i32
        %mul3A_163 = arith.muli %scan3A_18, %mul3A_162 : i32
        %get3A_164 = arith.index_cast %mul3A_163 : i32 to index
        %get3A_165 = arith.constant 16 : index
        %get3A_166 = tpu.vector_load %arg6[%get3A_164, %get3A_165] {strides = array<i32>} : memref<128x256xf32, #tpu.memory_space<vmem>>, vector<1x16xf32>,
        %get3A_167 = vector.shape_cast %get3A_166 : vector<1x16xf32> to vector<16xf32>
        %mul3A_168 = arith.constant 16 : i32
        %mul3A_169 = arith.muli %scan3A_18, %mul3A_168 : i32
        %add3A_170 = arith.constant 1 : i32
        %add3A_171 = arith.addi %mul3A_169, %add3A_170 : i32
        %get3A_172 = arith.index_cast %add3A_171 : i32 to index
        %get3A_173 = arith.constant 16 : index
        %get3A_174 = tpu.vector_load %arg6[%get3A_172, %get3A_173] {strides = array<i32>} : memref<128x256xf32, #tpu.memory_space<vmem>>, vector<1x16xf32>,
        %get3A_175 = vector.shape_cast %get3A_174 : vector<1x16xf32> to vector<16xf32>
        %max3A_176 = arith.maximumf %get3A_167, %get3A_175 : vector<16xf32>
        %mul3A_177 = arith.constant 16 : i32
        %mul3A_178 = arith.muli %scan3A_18, %mul3A_177 : i32
        %add3A_179 = arith.constant 2 : i32
        %add3A_180 = arith.addi %mul3A_178, %add3A_179 : i32
        %get3A_181 = arith.index_cast %add3A_180 : i32 to index
        %get3A_182 = arith.constant 16 : index
        %get3A_183 = tpu.vector_load %arg6[%get3A_181, %get3A_182] {strides = array<i32>} : memref<128x256xf32, #tpu.memory_space<vmem>>, vector<1x16xf32>,
        %get3A_184 = vector.shape_cast %get3A_183 : vector<1x16xf32> to vector<16xf32>
        %max3A_185 = arith.maximumf %max3A_176, %get3A_184 : vector<16xf32>
        %mul3A_186 = arith.constant 16 : i32
        %mul3A_187 = arith.muli %scan3A_18, %mul3A_186 : i32
        %add3A_188 = arith.constant 3 : i32
        %add3A_189 = arith.addi %mul3A_187, %add3A_188 : i32
        %get3A_190 = arith.index_cast %add3A_189 : i32 to index
        %get3A_191 = arith.constant 16 : index
        %get3A_192 = tpu.vector_load %arg6[%get3A_190, %get3A_191] {strides = array<i32>} : memref<128x256xf32, #tpu.memory_space<vmem>>, vector<1x16xf32>,
        %get3A_193 = vector.shape_cast %get3A_192 : vector<1x16xf32> to vector<16xf32>
        %max3A_194 = arith.maximumf %max3A_185, %get3A_193 : vector<16xf32>
        %mul3A_195 = arith.constant 16 : i32
        %mul3A_196 = arith.muli %scan3A_18, %mul3A_195 : i32
        %add3A_197 = arith.constant 4 : i32
        %add3A_198 = arith.addi %mul3A_196, %add3A_197 : i32
        %get3A_199 = arith.index_cast %add3A_198 : i32 to index
        %get3A_200 = arith.constant 16 : index
        %get3A_201 = tpu.vector_load %arg6[%get3A_199, %get3A_200] {strides = array<i32>} : memref<128x256xf32, #tpu.memory_space<vmem>>, vector<1x16xf32>,
        %get3A_202 = vector.shape_cast %get3A_201 : vector<1x16xf32> to vector<16xf32>
        %max3A_203 = arith.maximumf %max3A_194, %get3A_202 : vector<16xf32>
        %mul3A_204 = arith.constant 16 : i32
        %mul3A_205 = arith.muli %scan3A_18, %mul3A_204 : i32
        %add3A_206 = arith.constant 5 : i32
        %add3A_207 = arith.addi %mul3A_205, %add3A_206 : i32
        %get3A_208 = arith.index_cast %add3A_207 : i32 to index
        %get3A_209 = arith.constant 16 : index
        %get3A_210 = tpu.vector_load %arg6[%get3A_208, %get3A_209] {strides = array<i32>} : memref<128x256xf32, #tpu.memory_space<vmem>>, vector<1x16xf32>,
        %get3A_211 = vector.shape_cast %get3A_210 : vector<1x16xf32> to vector<16xf32>
        %max3A_212 = arith.maximumf %max3A_203, %get3A_211 : vector<16xf32>
        %mul3A_213 = arith.constant 16 : i32
        %mul3A_214 = arith.muli %scan3A_18, %mul3A_213 : i32
        %add3A_215 = arith.constant 6 : i32
        %add3A_216 = arith.addi %mul3A_214, %add3A_215 : i32
        %get3A_217 = arith.index_cast %add3A_216 : i32 to index
        %get3A_218 = arith.constant 16 : index
        %get3A_219 = tpu.vector_load %arg6[%get3A_217, %get3A_218] {strides = array<i32>} : memref<128x256xf32, #tpu.memory_space<vmem>>, vector<1x16xf32>,
        %get3A_220 = vector.shape_cast %get3A_219 : vector<1x16xf32> to vector<16xf32>
        %max3A_221 = arith.maximumf %max3A_212, %get3A_220 : vector<16xf32>
        %mul3A_222 = arith.constant 16 : i32
        %mul3A_223 = arith.muli %scan3A_18, %mul3A_222 : i32
        %add3A_224 = arith.constant 7 : i32
        %add3A_225 = arith.addi %mul3A_223, %add3A_224 : i32
        %get3A_226 = arith.index_cast %add3A_225 : i32 to index
        %get3A_227 = arith.constant 16 : index
        %get3A_228 = tpu.vector_load %arg6[%get3A_226, %get3A_227] {strides = array<i32>} : memref<128x256xf32, #tpu.memory_space<vmem>>, vector<1x16xf32>,
        %get3A_229 = vector.shape_cast %get3A_228 : vector<1x16xf32> to vector<16xf32>
        %max3A_230 = arith.maximumf %max3A_221, %get3A_229 : vector<16xf32>
        %mul3A_231 = arith.constant 16 : i32
        %mul3A_232 = arith.muli %scan3A_18, %mul3A_231 : i32
        %add3A_233 = arith.constant 8 : i32
        %add3A_234 = arith.addi %mul3A_232, %add3A_233 : i32
        %get3A_235 = arith.index_cast %add3A_234 : i32 to index
        %get3A_236 = arith.constant 16 : index
        %get3A_237 = tpu.vector_load %arg6[%get3A_235, %get3A_236] {strides = array<i32>} : memref<128x256xf32, #tpu.memory_space<vmem>>, vector<1x16xf32>,
        %get3A_238 = vector.shape_cast %get3A_237 : vector<1x16xf32> to vector<16xf32>
        %max3A_239 = arith.maximumf %max3A_230, %get3A_238 : vector<16xf32>
        %mul3A_240 = arith.constant 16 : i32
        %mul3A_241 = arith.muli %scan3A_18, %mul3A_240 : i32
        %add3A_242 = arith.constant 9 : i32
        %add3A_243 = arith.addi %mul3A_241, %add3A_242 : i32
        %get3A_244 = arith.index_cast %add3A_243 : i32 to index
        %get3A_245 = arith.constant 16 : index
        %get3A_246 = tpu.vector_load %arg6[%get3A_244, %get3A_245] {strides = array<i32>} : memref<128x256xf32, #tpu.memory_space<vmem>>, vector<1x16xf32>,
        %get3A_247 = vector.shape_cast %get3A_246 : vector<1x16xf32> to vector<16xf32>
        %max3A_248 = arith.maximumf %max3A_239, %get3A_247 : vector<16xf32>
        %mul3A_249 = arith.constant 16 : i32
        %mul3A_250 = arith.muli %scan3A_18, %mul3A_249 : i32
        %add3A_251 = arith.constant 10 : i32
        %add3A_252 = arith.addi %mul3A_250, %add3A_251 : i32
        %get3A_253 = arith.index_cast %add3A_252 : i32 to index
        %get3A_254 = arith.constant 16 : index
        %get3A_255 = tpu.vector_load %arg6[%get3A_253, %get3A_254] {strides = array<i32>} : memref<128x256xf32, #tpu.memory_space<vmem>>, vector<1x16xf32>,
        %get3A_256 = vector.shape_cast %get3A_255 : vector<1x16xf32> to vector<16xf32>
        %max3A_257 = arith.maximumf %max3A_248, %get3A_256 : vector<16xf32>
        %mul3A_258 = arith.constant 16 : i32
        %mul3A_259 = arith.muli %scan3A_18, %mul3A_258 : i32
        %add3A_260 = arith.constant 11 : i32
        %add3A_261 = arith.addi %mul3A_259, %add3A_260 : i32
        %get3A_262 = arith.index_cast %add3A_261 : i32 to index
        %get3A_263 = arith.constant 16 : index
        %get3A_264 = tpu.vector_load %arg6[%get3A_262, %get3A_263] {strides = array<i32>} : memref<128x256xf32, #tpu.memory_space<vmem>>, vector<1x16xf32>,
        %get3A_265 = vector.shape_cast %get3A_264 : vector<1x16xf32> to vector<16xf32>
        %max3A_266 = arith.maximumf %max3A_257, %get3A_265 : vector<16xf32>
        %mul3A_267 = arith.constant 16 : i32
        %mul3A_268 = arith.muli %scan3A_18, %mul3A_267 : i32
        %add3A_269 = arith.constant 12 : i32
        %add3A_270 = arith.addi %mul3A_268, %add3A_269 : i32
        %get3A_271 = arith.index_cast %add3A_270 : i32 to index
        %get3A_272 = arith.constant 16 : index
        %get3A_273 = tpu.vector_load %arg6[%get3A_271, %get3A_272] {strides = array<i32>} : memref<128x256xf32, #tpu.memory_space<vmem>>, vector<1x16xf32>,
        %get3A_274 = vector.shape_cast %get3A_273 : vector<1x16xf32> to vector<16xf32>
        %max3A_275 = arith.maximumf %max3A_266, %get3A_274 : vector<16xf32>
        %mul3A_276 = arith.constant 16 : i32
        %mul3A_277 = arith.muli %scan3A_18, %mul3A_276 : i32
        %add3A_278 = arith.constant 13 : i32
        %add3A_279 = arith.addi %mul3A_277, %add3A_278 : i32
        %get3A_280 = arith.index_cast %add3A_279 : i32 to index
        %get3A_281 = arith.constant 16 : index
        %get3A_282 = tpu.vector_load %arg6[%get3A_280, %get3A_281] {strides = array<i32>} : memref<128x256xf32, #tpu.memory_space<vmem>>, vector<1x16xf32>,
        %get3A_283 = vector.shape_cast %get3A_282 : vector<1x16xf32> to vector<16xf32>
        %max3A_284 = arith.maximumf %max3A_275, %get3A_283 : vector<16xf32>
        %mul3A_285 = arith.constant 16 : i32
        %mul3A_286 = arith.muli %scan3A_18, %mul3A_285 : i32
        %add3A_287 = arith.constant 14 : i32
        %add3A_288 = arith.addi %mul3A_286, %add3A_287 : i32
        %get3A_289 = arith.index_cast %add3A_288 : i32 to index
        %get3A_290 = arith.constant 16 : index
        %get3A_291 = tpu.vector_load %arg6[%get3A_289, %get3A_290] {strides = array<i32>} : memref<128x256xf32, #tpu.memory_space<vmem>>, vector<1x16xf32>,
        %get3A_292 = vector.shape_cast %get3A_291 : vector<1x16xf32> to vector<16xf32>
        %max3A_293 = arith.maximumf %max3A_284, %get3A_292 : vector<16xf32>
        %mul3A_294 = arith.constant 16 : i32
        %mul3A_295 = arith.muli %scan3A_18, %mul3A_294 : i32
        %add3A_296 = arith.constant 15 : i32
        %add3A_297 = arith.addi %mul3A_295, %add3A_296 : i32
        %get3A_298 = arith.index_cast %add3A_297 : i32 to index
        %get3A_299 = arith.constant 16 : index
        %get3A_300 = tpu.vector_load %arg6[%get3A_298, %get3A_299] {strides = array<i32>} : memref<128x256xf32, #tpu.memory_space<vmem>>, vector<1x16xf32>,
        %get3A_301 = vector.shape_cast %get3A_300 : vector<1x16xf32> to vector<16xf32>
        %max3A_302 = arith.maximumf %max3A_293, %get3A_301 : vector<16xf32>
        %swap3A_303 = arith.index_cast %scan3A_18 : i32 to index
        %swap3A_304 = arith.constant 16 : index
        %swap3A_305 = tpu.vector_load %arg7[%swap3A_303, %swap3A_304] {strides = array<i32>} : memref<8x256xf32, #tpu.memory_space<vmem>>, vector<1x16xf32>,
        %swap3A_306 = vector.shape_cast %swap3A_305 : vector<1x16xf32> to vector<16xf32>
        %swap3A_307 = vector.shape_cast %max3A_302 : vector<16xf32> to vector<1x16xf32>
        tpu.vector_store %arg7[%swap3A_303, %swap3A_304], %swap3A_307 {strides = array<i32>} : memref<8x256xf32, #tpu.memory_space<vmem>>, vector<1x16xf32>,
        %mul3A_308 = arith.constant 16 : i32
        %mul3A_309 = arith.muli %scan3A_18, %mul3A_308 : i32
        %get3A_310 = arith.index_cast %mul3A_309 : i32 to index
        %get3A_311 = arith.constant 32 : index
        %get3A_312 = tpu.vector_load %arg6[%get3A_310, %get3A_311] {strides = array<i32>} : memref<128x256xf32, #tpu.memory_space<vmem>>, vector<1x16xf32>,
        %get3A_313 = vector.shape_cast %get3A_312 : vector<1x16xf32> to vector<16xf32>
        %mul3A_314 = arith.constant 16 : i32
        %mul3A_315 = arith.muli %scan3A_18, %mul3A_314 : i32
        %add3A_316 = arith.constant 1 : i32
        %add3A_317 = arith.addi %mul3A_315, %add3A_316 : i32
        %get3A_318 = arith.index_cast %add3A_317 : i32 to index
        %get3A_319 = arith.constant 32 : index
        %get3A_320 = tpu.vector_load %arg6[%get3A_318, %get3A_319] {strides = array<i32>} : memref<128x256xf32, #tpu.memory_space<vmem>>, vector<1x16xf32>,
        %get3A_321 = vector.shape_cast %get3A_320 : vector<1x16xf32> to vector<16xf32>
        %max3A_322 = arith.maximumf %get3A_313, %get3A_321 : vector<16xf32>
        %mul3A_323 = arith.constant 16 : i32
        %mul3A_324 = arith.muli %scan3A_18, %mul3A_323 : i32
        %add3A_325 = arith.constant 2 : i32
        %add3A_326 = arith.addi %mul3A_324, %add3A_325 : i32
        %get3A_327 = arith.index_cast %add3A_326 : i32 to index
        %get3A_328 = arith.constant 32 : index
        %get3A_329 = tpu.vector_load %arg6[%get3A_327, %get3A_328] {strides = array<i32>} : memref<128x256xf32, #tpu.memory_space<vmem>>, vector<1x16xf32>,
        %get3A_330 = vector.shape_cast %get3A_329 : vector<1x16xf32> to vector<16xf32>
        %max3A_331 = arith.maximumf %max3A_322, %get3A_330 : vector<16xf32>
        %mul3A_332 = arith.constant 16 : i32
        %mul3A_333 = arith.muli %scan3A_18, %mul3A_332 : i32
        %add3A_334 = arith.constant 3 : i32
        %add3A_335 = arith.addi %mul3A_333, %add3A_334 : i32
        %get3A_336 = arith.index_cast %add3A_335 : i32 to index
        %get3A_337 = arith.constant 32 : index
        %get3A_338 = tpu.vector_load %arg6[%get3A_336, %get3A_337] {strides = array<i32>} : memref<128x256xf32, #tpu.memory_space<vmem>>, vector<1x16xf32>,
        %get3A_339 = vector.shape_cast %get3A_338 : vector<1x16xf32> to vector<16xf32>
        %max3A_340 = arith.maximumf %max3A_331, %get3A_339 : vector<16xf32>
        %mul3A_341 = arith.constant 16 : i32
        %mul3A_342 = arith.muli %scan3A_18, %mul3A_341 : i32
        %add3A_343 = arith.constant 4 : i32
        %add3A_344 = arith.addi %mul3A_342, %add3A_343 : i32
        %get3A_345 = arith.index_cast %add3A_344 : i32 to index
        %get3A_346 = arith.constant 32 : index
        %get3A_347 = tpu.vector_load %arg6[%get3A_345, %get3A_346] {strides = array<i32>} : memref<128x256xf32, #tpu.memory_space<vmem>>, vector<1x16xf32>,
        %get3A_348 = vector.shape_cast %get3A_347 : vector<1x16xf32> to vector<16xf32>
        %max3A_349 = arith.maximumf %max3A_340, %get3A_348 : vector<16xf32>
        %mul3A_350 = arith.constant 16 : i32
        %mul3A_351 = arith.muli %scan3A_18, %mul3A_350 : i32
        %add3A_352 = arith.constant 5 : i32
        %add3A_353 = arith.addi %mul3A_351, %add3A_352 : i32
        %get3A_354 = arith.index_cast %add3A_353 : i32 to index
        %get3A_355 = arith.constant 32 : index
        %get3A_356 = tpu.vector_load %arg6[%get3A_354, %get3A_355] {strides = array<i32>} : memref<128x256xf32, #tpu.memory_space<vmem>>, vector<1x16xf32>,
        %get3A_357 = vector.shape_cast %get3A_356 : vector<1x16xf32> to vector<16xf32>
        %max3A_358 = arith.maximumf %max3A_349, %get3A_357 : vector<16xf32>
        %mul3A_359 = arith.constant 16 : i32
        %mul3A_360 = arith.muli %scan3A_18, %mul3A_359 : i32
        %add3A_361 = arith.constant 6 : i32
        %add3A_362 = arith.addi %mul3A_360, %add3A_361 : i32
        %get3A_363 = arith.index_cast %add3A_362 : i32 to index
        %get3A_364 = arith.constant 32 : index
        %get3A_365 = tpu.vector_load %arg6[%get3A_363, %get3A_364] {strides = array<i32>} : memref<128x256xf32, #tpu.memory_space<vmem>>, vector<1x16xf32>,
        %get3A_366 = vector.shape_cast %get3A_365 : vector<1x16xf32> to vector<16xf32>
        %max3A_367 = arith.maximumf %max3A_358, %get3A_366 : vector<16xf32>
        %mul3A_368 = arith.constant 16 : i32
        %mul3A_369 = arith.muli %scan3A_18, %mul3A_368 : i32
        %add3A_370 = arith.constant 7 : i32
        %add3A_371 = arith.addi %mul3A_369, %add3A_370 : i32
        %get3A_372 = arith.index_cast %add3A_371 : i32 to index
        %get3A_373 = arith.constant 32 : index
        %get3A_374 = tpu.vector_load %arg6[%get3A_372, %get3A_373] {strides = array<i32>} : memref<128x256xf32, #tpu.memory_space<vmem>>, vector<1x16xf32>,
        %get3A_375 = vector.shape_cast %get3A_374 : vector<1x16xf32> to vector<16xf32>
        %max3A_376 = arith.maximumf %max3A_367, %get3A_375 : vector<16xf32>
        %mul3A_377 = arith.constant 16 : i32
        %mul3A_378 = arith.muli %scan3A_18, %mul3A_377 : i32
        %add3A_379 = arith.constant 8 : i32
        %add3A_380 = arith.addi %mul3A_378, %add3A_379 : i32
        %get3A_381 = arith.index_cast %add3A_380 : i32 to index
        %get3A_382 = arith.constant 32 : index
        %get3A_383 = tpu.vector_load %arg6[%get3A_381, %get3A_382] {strides = array<i32>} : memref<128x256xf32, #tpu.memory_space<vmem>>, vector<1x16xf32>,
        %get3A_384 = vector.shape_cast %get3A_383 : vector<1x16xf32> to vector<16xf32>
        %max3A_385 = arith.maximumf %max3A_376, %get3A_384 : vector<16xf32>
        %mul3A_386 = arith.constant 16 : i32
        %mul3A_387 = arith.muli %scan3A_18, %mul3A_386 : i32
        %add3A_388 = arith.constant 9 : i32
        %add3A_389 = arith.addi %mul3A_387, %add3A_388 : i32
        %get3A_390 = arith.index_cast %add3A_389 : i32 to index
        %get3A_391 = arith.constant 32 : index
        %get3A_392 = tpu.vector_load %arg6[%get3A_390, %get3A_391] {strides = array<i32>} : memref<128x256xf32, #tpu.memory_space<vmem>>, vector<1x16xf32>,
        %get3A_393 = vector.shape_cast %get3A_392 : vector<1x16xf32> to vector<16xf32>
        %max3A_394 = arith.maximumf %max3A_385, %get3A_393 : vector<16xf32>
        %mul3A_395 = arith.constant 16 : i32
        %mul3A_396 = arith.muli %scan3A_18, %mul3A_395 : i32
        %add3A_397 = arith.constant 10 : i32
        %add3A_398 = arith.addi %mul3A_396, %add3A_397 : i32
        %get3A_399 = arith.index_cast %add3A_398 : i32 to index
        %get3A_400 = arith.constant 32 : index
        %get3A_401 = tpu.vector_load %arg6[%get3A_399, %get3A_400] {strides = array<i32>} : memref<128x256xf32, #tpu.memory_space<vmem>>, vector<1x16xf32>,
        %get3A_402 = vector.shape_cast %get3A_401 : vector<1x16xf32> to vector<16xf32>
        %max3A_403 = arith.maximumf %max3A_394, %get3A_402 : vector<16xf32>
        %mul3A_404 = arith.constant 16 : i32
        %mul3A_405 = arith.muli %scan3A_18, %mul3A_404 : i32
        %add3A_406 = arith.constant 11 : i32
        %add3A_407 = arith.addi %mul3A_405, %add3A_406 : i32
        %get3A_408 = arith.index_cast %add3A_407 : i32 to index
        %get3A_409 = arith.constant 32 : index
        %get3A_410 = tpu.vector_load %arg6[%get3A_408, %get3A_409] {strides = array<i32>} : memref<128x256xf32, #tpu.memory_space<vmem>>, vector<1x16xf32>,
        %get3A_411 = vector.shape_cast %get3A_410 : vector<1x16xf32> to vector<16xf32>
        %max3A_412 = arith.maximumf %max3A_403, %get3A_411 : vector<16xf32>
        %mul3A_413 = arith.constant 16 : i32
        %mul3A_414 = arith.muli %scan3A_18, %mul3A_413 : i32
        %add3A_415 = arith.constant 12 : i32
        %add3A_416 = arith.addi %mul3A_414, %add3A_415 : i32
        %get3A_417 = arith.index_cast %add3A_416 : i32 to index
        %get3A_418 = arith.constant 32 : index
        %get3A_419 = tpu.vector_load %arg6[%get3A_417, %get3A_418] {strides = array<i32>} : memref<128x256xf32, #tpu.memory_space<vmem>>, vector<1x16xf32>,
        %get3A_420 = vector.shape_cast %get3A_419 : vector<1x16xf32> to vector<16xf32>
        %max3A_421 = arith.maximumf %max3A_412, %get3A_420 : vector<16xf32>
        %mul3A_422 = arith.constant 16 : i32
        %mul3A_423 = arith.muli %scan3A_18, %mul3A_422 : i32
        %add3A_424 = arith.constant 13 : i32
        %add3A_425 = arith.addi %mul3A_423, %add3A_424 : i32
        %get3A_426 = arith.index_cast %add3A_425 : i32 to index
        %get3A_427 = arith.constant 32 : index
        %get3A_428 = tpu.vector_load %arg6[%get3A_426, %get3A_427] {strides = array<i32>} : memref<128x256xf32, #tpu.memory_space<vmem>>, vector<1x16xf32>,
        %get3A_429 = vector.shape_cast %get3A_428 : vector<1x16xf32> to vector<16xf32>
        %max3A_430 = arith.maximumf %max3A_421, %get3A_429 : vector<16xf32>
        %mul3A_431 = arith.constant 16 : i32
        %mul3A_432 = arith.muli %scan3A_18, %mul3A_431 : i32
        %add3A_433 = arith.constant 14 : i32
        %add3A_434 = arith.addi %mul3A_432, %add3A_433 : i32
        %get3A_435 = arith.index_cast %add3A_434 : i32 to index
        %get3A_436 = arith.constant 32 : index
        %get3A_437 = tpu.vector_load %arg6[%get3A_435, %get3A_436] {strides = array<i32>} : memref<128x256xf32, #tpu.memory_space<vmem>>, vector<1x16xf32>,
        %get3A_438 = vector.shape_cast %get3A_437 : vector<1x16xf32> to vector<16xf32>
        %max3A_439 = arith.maximumf %max3A_430, %get3A_438 : vector<16xf32>
        %mul3A_440 = arith.constant 16 : i32
        %mul3A_441 = arith.muli %scan3A_18, %mul3A_440 : i32
        %add3A_442 = arith.constant 15 : i32
        %add3A_443 = arith.addi %mul3A_441, %add3A_442 : i32
        %get3A_444 = arith.index_cast %add3A_443 : i32 to index
        %get3A_445 = arith.constant 32 : index
        %get3A_446 = tpu.vector_load %arg6[%get3A_444, %get3A_445] {strides = array<i32>} : memref<128x256xf32, #tpu.memory_space<vmem>>, vector<1x16xf32>,
        %get3A_447 = vector.shape_cast %get3A_446 : vector<1x16xf32> to vector<16xf32>
        %max3A_448 = arith.maximumf %max3A_439, %get3A_447 : vector<16xf32>
        %swap3A_449 = arith.index_cast %scan3A_18 : i32 to index
        %swap3A_450 = arith.constant 32 : index
        %swap3A_451 = tpu.vector_load %arg7[%swap3A_449, %swap3A_450] {strides = array<i32>} : memref<8x256xf32, #tpu.memory_space<vmem>>, vector<1x16xf32>,
        %swap3A_452 = vector.shape_cast %swap3A_451 : vector<1x16xf32> to vector<16xf32>
        %swap3A_453 = vector.shape_cast %max3A_448 : vector<16xf32> to vector<1x16xf32>
        tpu.vector_store %arg7[%swap3A_449, %swap3A_450], %swap3A_453 {strides = array<i32>} : memref<8x256xf32, #tpu.memory_space<vmem>>, vector<1x16xf32>,
        %mul3A_454 = arith.constant 16 : i32
        %mul3A_455 = arith.muli %scan3A_18, %mul3A_454 : i32
        %get3A_456 = arith.index_cast %mul3A_455 : i32 to index
        %get3A_457 = arith.constant 48 : index
        %get3A_458 = tpu.vector_load %arg6[%get3A_456, %get3A_457] {strides = array<i32>} : memref<128x256xf32, #tpu.memory_space<vmem>>, vector<1x16xf32>,
        %get3A_459 = vector.shape_cast %get3A_458 : vector<1x16xf32> to vector<16xf32>
        %mul3A_460 = arith.constant 16 : i32
        %mul3A_461 = arith.muli %scan3A_18, %mul3A_460 : i32
        %add3A_462 = arith.constant 1 : i32
        %add3A_463 = arith.addi %mul3A_461, %add3A_462 : i32
        %get3A_464 = arith.index_cast %add3A_463 : i32 to index
        %get3A_465 = arith.constant 48 : index
        %get3A_466 = tpu.vector_load %arg6[%get3A_464, %get3A_465] {strides = array<i32>} : memref<128x256xf32, #tpu.memory_space<vmem>>, vector<1x16xf32>,
        %get3A_467 = vector.shape_cast %get3A_466 : vector<1x16xf32> to vector<16xf32>
        %max3A_468 = arith.maximumf %get3A_459, %get3A_467 : vector<16xf32>
        %mul3A_469 = arith.constant 16 : i32
        %mul3A_470 = arith.muli %scan3A_18, %mul3A_469 : i32
        %add3A_471 = arith.constant 2 : i32
        %add3A_472 = arith.addi %mul3A_470, %add3A_471 : i32
        %get3A_473 = arith.index_cast %add3A_472 : i32 to index
        %get3A_474 = arith.constant 48 : index
        %get3A_475 = tpu.vector_load %arg6[%get3A_473, %get3A_474] {strides = array<i32>} : memref<128x256xf32, #tpu.memory_space<vmem>>, vector<1x16xf32>,
        %get3A_476 = vector.shape_cast %get3A_475 : vector<1x16xf32> to vector<16xf32>
        %max3A_477 = arith.maximumf %max3A_468, %get3A_476 : vector<16xf32>
        %mul3A_478 = arith.constant 16 : i32
        %mul3A_479 = arith.muli %scan3A_18, %mul3A_478 : i32
        %add3A_480 = arith.constant 3 : i32
        %add3A_481 = arith.addi %mul3A_479, %add3A_480 : i32
        %get3A_482 = arith.index_cast %add3A_481 : i32 to index
        %get3A_483 = arith.constant 48 : index
        %get3A_484 = tpu.vector_load %arg6[%get3A_482, %get3A_483] {strides = array<i32>} : memref<128x256xf32, #tpu.memory_space<vmem>>, vector<1x16xf32>,
        %get3A_485 = vector.shape_cast %get3A_484 : vector<1x16xf32> to vector<16xf32>
        %max3A_486 = arith.maximumf %max3A_477, %get3A_485 : vector<16xf32>
        %mul3A_487 = arith.constant 16 : i32
        %mul3A_488 = arith.muli %scan3A_18, %mul3A_487 : i32
        %add3A_489 = arith.constant 4 : i32
        %add3A_490 = arith.addi %mul3A_488, %add3A_489 : i32
        %get3A_491 = arith.index_cast %add3A_490 : i32 to index
        %get3A_492 = arith.constant 48 : index
        %get3A_493 = tpu.vector_load %arg6[%get3A_491, %get3A_492] {strides = array<i32>} : memref<128x256xf32, #tpu.memory_space<vmem>>, vector<1x16xf32>,
        %get3A_494 = vector.shape_cast %get3A_493 : vector<1x16xf32> to vector<16xf32>
        %max3A_495 = arith.maximumf %max3A_486, %get3A_494 : vector<16xf32>
        %mul3A_496 = arith.constant 16 : i32
        %mul3A_497 = arith.muli %scan3A_18, %mul3A_496 : i32
        %add3A_498 = arith.constant 5 : i32
        %add3A_499 = arith.addi %mul3A_497, %add3A_498 : i32
        %get3A_500 = arith.index_cast %add3A_499 : i32 to index
        %get3A_501 = arith.constant 48 : index
        %get3A_502 = tpu.vector_load %arg6[%get3A_500, %get3A_501] {strides = array<i32>} : memref<128x256xf32, #tpu.memory_space<vmem>>, vector<1x16xf32>,
        %get3A_503 = vector.shape_cast %get3A_502 : vector<1x16xf32> to vector<16xf32>
        %max3A_504 = arith.maximumf %max3A_495, %get3A_503 : vector<16xf32>
        %mul3A_505 = arith.constant 16 : i32
        %mul3A_506 = arith.muli %scan3A_18, %mul3A_505 : i32
        %add3A_507 = arith.constant 6 : i32
        %add3A_508 = arith.addi %mul3A_506, %add3A_507 : i32
        %get3A_509 = arith.index_cast %add3A_508 : i32 to index
        %get3A_510 = arith.constant 48 : index
        %get3A_511 = tpu.vector_load %arg6[%get3A_509, %get3A_510] {strides = array<i32>} : memref<128x256xf32, #tpu.memory_space<vmem>>, vector<1x16xf32>,
        %get3A_512 = vector.shape_cast %get3A_511 : vector<1x16xf32> to vector<16xf32>
        %max3A_513 = arith.maximumf %max3A_504, %get3A_512 : vector<16xf32>
        %mul3A_514 = arith.constant 16 : i32
        %mul3A_515 = arith.muli %scan3A_18, %mul3A_514 : i32
        %add3A_516 = arith.constant 7 : i32
        %add3A_517 = arith.addi %mul3A_515, %add3A_516 : i32
        %get3A_518 = arith.index_cast %add3A_517 : i32 to index
        %get3A_519 = arith.constant 48 : index
        %get3A_520 = tpu.vector_load %arg6[%get3A_518, %get3A_519] {strides = array<i32>} : memref<128x256xf32, #tpu.memory_space<vmem>>, vector<1x16xf32>,
        %get3A_521 = vector.shape_cast %get3A_520 : vector<1x16xf32> to vector<16xf32>
        %max3A_522 = arith.maximumf %max3A_513, %get3A_521 : vector<16xf32>
        %mul3A_523 = arith.constant 16 : i32
        %mul3A_524 = arith.muli %scan3A_18, %mul3A_523 : i32
        %add3A_525 = arith.constant 8 : i32
        %add3A_526 = arith.addi %mul3A_524, %add3A_525 : i32
        %get3A_527 = arith.index_cast %add3A_526 : i32 to index
        %get3A_528 = arith.constant 48 : index
        %get3A_529 = tpu.vector_load %arg6[%get3A_527, %get3A_528] {strides = array<i32>} : memref<128x256xf32, #tpu.memory_space<vmem>>, vector<1x16xf32>,
        %get3A_530 = vector.shape_cast %get3A_529 : vector<1x16xf32> to vector<16xf32>
        %max3A_531 = arith.maximumf %max3A_522, %get3A_530 : vector<16xf32>
        %mul3A_532 = arith.constant 16 : i32
        %mul3A_533 = arith.muli %scan3A_18, %mul3A_532 : i32
        %add3A_534 = arith.constant 9 : i32
        %add3A_535 = arith.addi %mul3A_533, %add3A_534 : i32
        %get3A_536 = arith.index_cast %add3A_535 : i32 to index
        %get3A_537 = arith.constant 48 : index
        %get3A_538 = tpu.vector_load %arg6[%get3A_536, %get3A_537] {strides = array<i32>} : memref<128x256xf32, #tpu.memory_space<vmem>>, vector<1x16xf32>,
        %get3A_539 = vector.shape_cast %get3A_538 : vector<1x16xf32> to vector<16xf32>
        %max3A_540 = arith.maximumf %max3A_531, %get3A_539 : vector<16xf32>
        %mul3A_541 = arith.constant 16 : i32
        %mul3A_542 = arith.muli %scan3A_18, %mul3A_541 : i32
        %add3A_543 = arith.constant 10 : i32
        %add3A_544 = arith.addi %mul3A_542, %add3A_543 : i32
        %get3A_545 = arith.index_cast %add3A_544 : i32 to index
        %get3A_546 = arith.constant 48 : index
        %get3A_547 = tpu.vector_load %arg6[%get3A_545, %get3A_546] {strides = array<i32>} : memref<128x256xf32, #tpu.memory_space<vmem>>, vector<1x16xf32>,
        %get3A_548 = vector.shape_cast %get3A_547 : vector<1x16xf32> to vector<16xf32>
        %max3A_549 = arith.maximumf %max3A_540, %get3A_548 : vector<16xf32>
        %mul3A_550 = arith.constant 16 : i32
        %mul3A_551 = arith.muli %scan3A_18, %mul3A_550 : i32
        %add3A_552 = arith.constant 11 : i32
        %add3A_553 = arith.addi %mul3A_551, %add3A_552 : i32
        %get3A_554 = arith.index_cast %add3A_553 : i32 to index
        %get3A_555 = arith.constant 48 : index
        %get3A_556 = tpu.vector_load %arg6[%get3A_554, %get3A_555] {strides = array<i32>} : memref<128x256xf32, #tpu.memory_space<vmem>>, vector<1x16xf32>,
        %get3A_557 = vector.shape_cast %get3A_556 : vector<1x16xf32> to vector<16xf32>
        %max3A_558 = arith.maximumf %max3A_549, %get3A_557 : vector<16xf32>
        %mul3A_559 = arith.constant 16 : i32
        %mul3A_560 = arith.muli %scan3A_18, %mul3A_559 : i32
        %add3A_561 = arith.constant 12 : i32
        %add3A_562 = arith.addi %mul3A_560, %add3A_561 : i32
        %get3A_563 = arith.index_cast %add3A_562 : i32 to index
        %get3A_564 = arith.constant 48 : index
        %get3A_565 = tpu.vector_load %arg6[%get3A_563, %get3A_564] {strides = array<i32>} : memref<128x256xf32, #tpu.memory_space<vmem>>, vector<1x16xf32>,
        %get3A_566 = vector.shape_cast %get3A_565 : vector<1x16xf32> to vector<16xf32>
        %max3A_567 = arith.maximumf %max3A_558, %get3A_566 : vector<16xf32>
        %mul3A_568 = arith.constant 16 : i32
        %mul3A_569 = arith.muli %scan3A_18, %mul3A_568 : i32
        %add3A_570 = arith.constant 13 : i32
        %add3A_571 = arith.addi %mul3A_569, %add3A_570 : i32
        %get3A_572 = arith.index_cast %add3A_571 : i32 to index
        %get3A_573 = arith.constant 48 : index
        %get3A_574 = tpu.vector_load %arg6[%get3A_572, %get3A_573] {strides = array<i32>} : memref<128x256xf32, #tpu.memory_space<vmem>>, vector<1x16xf32>,
        %get3A_575 = vector.shape_cast %get3A_574 : vector<1x16xf32> to vector<16xf32>
        %max3A_576 = arith.maximumf %max3A_567, %get3A_575 : vector<16xf32>
        %mul3A_577 = arith.constant 16 : i32
        %mul3A_578 = arith.muli %scan3A_18, %mul3A_577 : i32
        %add3A_579 = arith.constant 14 : i32
        %add3A_580 = arith.addi %mul3A_578, %add3A_579 : i32
        %get3A_581 = arith.index_cast %add3A_580 : i32 to index
        %get3A_582 = arith.constant 48 : index
        %get3A_583 = tpu.vector_load %arg6[%get3A_581, %get3A_582] {strides = array<i32>} : memref<128x256xf32, #tpu.memory_space<vmem>>, vector<1x16xf32>,
        %get3A_584 = vector.shape_cast %get3A_583 : vector<1x16xf32> to vector<16xf32>
        %max3A_585 = arith.maximumf %max3A_576, %get3A_584 : vector<16xf32>
        %mul3A_586 = arith.constant 16 : i32
        %mul3A_587 = arith.muli %scan3A_18, %mul3A_586 : i32
        %add3A_588 = arith.constant 15 : i32
        %add3A_589 = arith.addi %mul3A_587, %add3A_588 : i32
        %get3A_590 = arith.index_cast %add3A_589 : i32 to index
        %get3A_591 = arith.constant 48 : index
        %get3A_592 = tpu.vector_load %arg6[%get3A_590, %get3A_591] {strides = array<i32>} : memref<128x256xf32, #tpu.memory_space<vmem>>, vector<1x16xf32>,
        %get3A_593 = vector.shape_cast %get3A_592 : vector<1x16xf32> to vector<16xf32>
        %max3A_594 = arith.maximumf %max3A_585, %get3A_593 : vector<16xf32>
        %swap3A_595 = arith.index_cast %scan3A_18 : i32 to index
        %swap3A_596 = arith.constant 48 : index
        %swap3A_597 = tpu.vector_load %arg7[%swap3A_595, %swap3A_596] {strides = array<i32>} : memref<8x256xf32, #tpu.memory_space<vmem>>, vector<1x16xf32>,
        %swap3A_598 = vector.shape_cast %swap3A_597 : vector<1x16xf32> to vector<16xf32>
        %swap3A_599 = vector.shape_cast %max3A_594 : vector<16xf32> to vector<1x16xf32>
        tpu.vector_store %arg7[%swap3A_595, %swap3A_596], %swap3A_599 {strides = array<i32>} : memref<8x256xf32, #tpu.memory_space<vmem>>, vector<1x16xf32>,
        %mul3A_600 = arith.constant 16 : i32
        %mul3A_601 = arith.muli %scan3A_18, %mul3A_600 : i32
        %get3A_602 = arith.index_cast %mul3A_601 : i32 to index
        %get3A_603 = arith.constant 64 : index
        %get3A_604 = tpu.vector_load %arg6[%get3A_602, %get3A_603] {strides = array<i32>} : memref<128x256xf32, #tpu.memory_space<vmem>>, vector<1x16xf32>,
        %get3A_605 = vector.shape_cast %get3A_604 : vector<1x16xf32> to vector<16xf32>
        %mul3A_606 = arith.constant 16 : i32
        %mul3A_607 = arith.muli %scan3A_18, %mul3A_606 : i32
        %add3A_608 = arith.constant 1 : i32
        %add3A_609 = arith.addi %mul3A_607, %add3A_608 : i32
        %get3A_610 = arith.index_cast %add3A_609 : i32 to index
        %get3A_611 = arith.constant 64 : index
        %get3A_612 = tpu.vector_load %arg6[%get3A_610, %get3A_611] {strides = array<i32>} : memref<128x256xf32, #tpu.memory_space<vmem>>, vector<1x16xf32>,
        %get3A_613 = vector.shape_cast %get3A_612 : vector<1x16xf32> to vector<16xf32>
        %max3A_614 = arith.maximumf %get3A_605, %get3A_613 : vector<16xf32>
        %mul3A_615 = arith.constant 16 : i32
        %mul3A_616 = arith.muli %scan3A_18, %mul3A_615 : i32
        %add3A_617 = arith.constant 2 : i32
        %add3A_618 = arith.addi %mul3A_616, %add3A_617 : i32
        %get3A_619 = arith.index_cast %add3A_618 : i32 to index
        %get3A_620 = arith.constant 64 : index
        %get3A_621 = tpu.vector_load %arg6[%get3A_619, %get3A_620] {strides = array<i32>} : memref<128x256xf32, #tpu.memory_space<vmem>>, vector<1x16xf32>,
        %get3A_622 = vector.shape_cast %get3A_621 : vector<1x16xf32> to vector<16xf32>
        %max3A_623 = arith.maximumf %max3A_614, %get3A_622 : vector<16xf32>
        %mul3A_624 = arith.constant 16 : i32
        %mul3A_625 = arith.muli %scan3A_18, %mul3A_624 : i32
        %add3A_626 = arith.constant 3 : i32
        %add3A_627 = arith.addi %mul3A_625, %add3A_626 : i32
        %get3A_628 = arith.index_cast %add3A_627 : i32 to index
        %get3A_629 = arith.constant 64 : index
        %get3A_630 = tpu.vector_load %arg6[%get3A_628, %get3A_629] {strides = array<i32>} : memref<128x256xf32, #tpu.memory_space<vmem>>, vector<1x16xf32>,
        %get3A_631 = vector.shape_cast %get3A_630 : vector<1x16xf32> to vector<16xf32>
        %max3A_632 = arith.maximumf %max3A_623, %get3A_631 : vector<16xf32>
        %mul3A_633 = arith.constant 16 : i32
        %mul3A_634 = arith.muli %scan3A_18, %mul3A_633 : i32
        %add3A_635 = arith.constant 4 : i32
        %add3A_636 = arith.addi %mul3A_634, %add3A_635 : i32
        %get3A_637 = arith.index_cast %add3A_636 : i32 to index
        %get3A_638 = arith.constant 64 : index
        %get3A_639 = tpu.vector_load %arg6[%get3A_637, %get3A_638] {strides = array<i32>} : memref<128x256xf32, #tpu.memory_space<vmem>>, vector<1x16xf32>,
        %get3A_640 = vector.shape_cast %get3A_639 : vector<1x16xf32> to vector<16xf32>
        %max3A_641 = arith.maximumf %max3A_632, %get3A_640 : vector<16xf32>
        %mul3A_642 = arith.constant 16 : i32
        %mul3A_643 = arith.muli %scan3A_18, %mul3A_642 : i32
        %add3A_644 = arith.constant 5 : i32
        %add3A_645 = arith.addi %mul3A_643, %add3A_644 : i32
        %get3A_646 = arith.index_cast %add3A_645 : i32 to index
        %get3A_647 = arith.constant 64 : index
        %get3A_648 = tpu.vector_load %arg6[%get3A_646, %get3A_647] {strides = array<i32>} : memref<128x256xf32, #tpu.memory_space<vmem>>, vector<1x16xf32>,
        %get3A_649 = vector.shape_cast %get3A_648 : vector<1x16xf32> to vector<16xf32>
        %max3A_650 = arith.maximumf %max3A_641, %get3A_649 : vector<16xf32>
        %mul3A_651 = arith.constant 16 : i32
        %mul3A_652 = arith.muli %scan3A_18, %mul3A_651 : i32
        %add3A_653 = arith.constant 6 : i32
        %add3A_654 = arith.addi %mul3A_652, %add3A_653 : i32
        %get3A_655 = arith.index_cast %add3A_654 : i32 to index
        %get3A_656 = arith.constant 64 : index
        %get3A_657 = tpu.vector_load %arg6[%get3A_655, %get3A_656] {strides = array<i32>} : memref<128x256xf32, #tpu.memory_space<vmem>>, vector<1x16xf32>,
        %get3A_658 = vector.shape_cast %get3A_657 : vector<1x16xf32> to vector<16xf32>
        %max3A_659 = arith.maximumf %max3A_650, %get3A_658 : vector<16xf32>
        %mul3A_660 = arith.constant 16 : i32
        %mul3A_661 = arith.muli %scan3A_18, %mul3A_660 : i32
        %add3A_662 = arith.constant 7 : i32
        %add3A_663 = arith.addi %mul3A_661, %add3A_662 : i32
        %get3A_664 = arith.index_cast %add3A_663 : i32 to index
        %get3A_665 = arith.constant 64 : index
        %get3A_666 = tpu.vector_load %arg6[%get3A_664, %get3A_665] {strides = array<i32>} : memref<128x256xf32, #tpu.memory_space<vmem>>, vector<1x16xf32>,
        %get3A_667 = vector.shape_cast %get3A_666 : vector<1x16xf32> to vector<16xf32>
        %max3A_668 = arith.maximumf %max3A_659, %get3A_667 : vector<16xf32>
        %mul3A_669 = arith.constant 16 : i32
        %mul3A_670 = arith.muli %scan3A_18, %mul3A_669 : i32
        %add3A_671 = arith.constant 8 : i32
        %add3A_672 = arith.addi %mul3A_670, %add3A_671 : i32
        %get3A_673 = arith.index_cast %add3A_672 : i32 to index
        %get3A_674 = arith.constant 64 : index
        %get3A_675 = tpu.vector_load %arg6[%get3A_673, %get3A_674] {strides = array<i32>} : memref<128x256xf32, #tpu.memory_space<vmem>>, vector<1x16xf32>,
        %get3A_676 = vector.shape_cast %get3A_675 : vector<1x16xf32> to vector<16xf32>
        %max3A_677 = arith.maximumf %max3A_668, %get3A_676 : vector<16xf32>
        %mul3A_678 = arith.constant 16 : i32
        %mul3A_679 = arith.muli %scan3A_18, %mul3A_678 : i32
        %add3A_680 = arith.constant 9 : i32
        %add3A_681 = arith.addi %mul3A_679, %add3A_680 : i32
        %get3A_682 = arith.index_cast %add3A_681 : i32 to index
        %get3A_683 = arith.constant 64 : index
        %get3A_684 = tpu.vector_load %arg6[%get3A_682, %get3A_683] {strides = array<i32>} : memref<128x256xf32, #tpu.memory_space<vmem>>, vector<1x16xf32>,
        %get3A_685 = vector.shape_cast %get3A_684 : vector<1x16xf32> to vector<16xf32>
        %max3A_686 = arith.maximumf %max3A_677, %get3A_685 : vector<16xf32>
        %mul3A_687 = arith.constant 16 : i32
        %mul3A_688 = arith.muli %scan3A_18, %mul3A_687 : i32
        %add3A_689 = arith.constant 10 : i32
        %add3A_690 = arith.addi %mul3A_688, %add3A_689 : i32
        %get3A_691 = arith.index_cast %add3A_690 : i32 to index
        %get3A_692 = arith.constant 64 : index
        %get3A_693 = tpu.vector_load %arg6[%get3A_691, %get3A_692] {strides = array<i32>} : memref<128x256xf32, #tpu.memory_space<vmem>>, vector<1x16xf32>,
        %get3A_694 = vector.shape_cast %get3A_693 : vector<1x16xf32> to vector<16xf32>
        %max3A_695 = arith.maximumf %max3A_686, %get3A_694 : vector<16xf32>
        %mul3A_696 = arith.constant 16 : i32
        %mul3A_697 = arith.muli %scan3A_18, %mul3A_696 : i32
        %add3A_698 = arith.constant 11 : i32
        %add3A_699 = arith.addi %mul3A_697, %add3A_698 : i32
        %get3A_700 = arith.index_cast %add3A_699 : i32 to index
        %get3A_701 = arith.constant 64 : index
        %get3A_702 = tpu.vector_load %arg6[%get3A_700, %get3A_701] {strides = array<i32>} : memref<128x256xf32, #tpu.memory_space<vmem>>, vector<1x16xf32>,
        %get3A_703 = vector.shape_cast %get3A_702 : vector<1x16xf32> to vector<16xf32>
        %max3A_704 = arith.maximumf %max3A_695, %get3A_703 : vector<16xf32>
        %mul3A_705 = arith.constant 16 : i32
        %mul3A_706 = arith.muli %scan3A_18, %mul3A_705 : i32
        %add3A_707 = arith.constant 12 : i32
        %add3A_708 = arith.addi %mul3A_706, %add3A_707 : i32
        %get3A_709 = arith.index_cast %add3A_708 : i32 to index
        %get3A_710 = arith.constant 64 : index
        %get3A_711 = tpu.vector_load %arg6[%get3A_709, %get3A_710] {strides = array<i32>} : memref<128x256xf32, #tpu.memory_space<vmem>>, vector<1x16xf32>,
        %get3A_712 = vector.shape_cast %get3A_711 : vector<1x16xf32> to vector<16xf32>
        %max3A_713 = arith.maximumf %max3A_704, %get3A_712 : vector<16xf32>
        %mul3A_714 = arith.constant 16 : i32
        %mul3A_715 = arith.muli %scan3A_18, %mul3A_714 : i32
        %add3A_716 = arith.constant 13 : i32
        %add3A_717 = arith.addi %mul3A_715, %add3A_716 : i32
        %get3A_718 = arith.index_cast %add3A_717 : i32 to index
        %get3A_719 = arith.constant 64 : index
        %get3A_720 = tpu.vector_load %arg6[%get3A_718, %get3A_719] {strides = array<i32>} : memref<128x256xf32, #tpu.memory_space<vmem>>, vector<1x16xf32>,
        %get3A_721 = vector.shape_cast %get3A_720 : vector<1x16xf32> to vector<16xf32>
        %max3A_722 = arith.maximumf %max3A_713, %get3A_721 : vector<16xf32>
        %mul3A_723 = arith.constant 16 : i32
        %mul3A_724 = arith.muli %scan3A_18, %mul3A_723 : i32
        %add3A_725 = arith.constant 14 : i32
        %add3A_726 = arith.addi %mul3A_724, %add3A_725 : i32
        %get3A_727 = arith.index_cast %add3A_726 : i32 to index
        %get3A_728 = arith.constant 64 : index
        %get3A_729 = tpu.vector_load %arg6[%get3A_727, %get3A_728] {strides = array<i32>} : memref<128x256xf32, #tpu.memory_space<vmem>>, vector<1x16xf32>,
        %get3A_730 = vector.shape_cast %get3A_729 : vector<1x16xf32> to vector<16xf32>
        %max3A_731 = arith.maximumf %max3A_722, %get3A_730 : vector<16xf32>
        %mul3A_732 = arith.constant 16 : i32
        %mul3A_733 = arith.muli %scan3A_18, %mul3A_732 : i32
        %add3A_734 = arith.constant 15 : i32
        %add3A_735 = arith.addi %mul3A_733, %add3A_734 : i32
        %get3A_736 = arith.index_cast %add3A_735 : i32 to index
        %get3A_737 = arith.constant 64 : index
        %get3A_738 = tpu.vector_load %arg6[%get3A_736, %get3A_737] {strides = array<i32>} : memref<128x256xf32, #tpu.memory_space<vmem>>, vector<1x16xf32>,
        %get3A_739 = vector.shape_cast %get3A_738 : vector<1x16xf32> to vector<16xf32>
        %max3A_740 = arith.maximumf %max3A_731, %get3A_739 : vector<16xf32>
        %swap3A_741 = arith.index_cast %scan3A_18 : i32 to index
        %swap3A_742 = arith.constant 64 : index
        %swap3A_743 = tpu.vector_load %arg7[%swap3A_741, %swap3A_742] {strides = array<i32>} : memref<8x256xf32, #tpu.memory_space<vmem>>, vector<1x16xf32>,
        %swap3A_744 = vector.shape_cast %swap3A_743 : vector<1x16xf32> to vector<16xf32>
        %swap3A_745 = vector.shape_cast %max3A_740 : vector<16xf32> to vector<1x16xf32>
        tpu.vector_store %arg7[%swap3A_741, %swap3A_742], %swap3A_745 {strides = array<i32>} : memref<8x256xf32, #tpu.memory_space<vmem>>, vector<1x16xf32>,
        %mul3A_746 = arith.constant 16 : i32
        %mul3A_747 = arith.muli %scan3A_18, %mul3A_746 : i32
        %get3A_748 = arith.index_cast %mul3A_747 : i32 to index
        %get3A_749 = arith.constant 80 : index
        %get3A_750 = tpu.vector_load %arg6[%get3A_748, %get3A_749] {strides = array<i32>} : memref<128x256xf32, #tpu.memory_space<vmem>>, vector<1x16xf32>,
        %get3A_751 = vector.shape_cast %get3A_750 : vector<1x16xf32> to vector<16xf32>
        %mul3A_752 = arith.constant 16 : i32
        %mul3A_753 = arith.muli %scan3A_18, %mul3A_752 : i32
        %add3A_754 = arith.constant 1 : i32
        %add3A_755 = arith.addi %mul3A_753, %add3A_754 : i32
        %get3A_756 = arith.index_cast %add3A_755 : i32 to index
        %get3A_757 = arith.constant 80 : index
        %get3A_758 = tpu.vector_load %arg6[%get3A_756, %get3A_757] {strides = array<i32>} : memref<128x256xf32, #tpu.memory_space<vmem>>, vector<1x16xf32>,
        %get3A_759 = vector.shape_cast %get3A_758 : vector<1x16xf32> to vector<16xf32>
        %max3A_760 = arith.maximumf %get3A_751, %get3A_759 : vector<16xf32>
        %mul3A_761 = arith.constant 16 : i32
        %mul3A_762 = arith.muli %scan3A_18, %mul3A_761 : i32
        %add3A_763 = arith.constant 2 : i32
        %add3A_764 = arith.addi %mul3A_762, %add3A_763 : i32
        %get3A_765 = arith.index_cast %add3A_764 : i32 to index
        %get3A_766 = arith.constant 80 : index
        %get3A_767 = tpu.vector_load %arg6[%get3A_765, %get3A_766] {strides = array<i32>} : memref<128x256xf32, #tpu.memory_space<vmem>>, vector<1x16xf32>,
        %get3A_768 = vector.shape_cast %get3A_767 : vector<1x16xf32> to vector<16xf32>
        %max3A_769 = arith.maximumf %max3A_760, %get3A_768 : vector<16xf32>
        %mul3A_770 = arith.constant 16 : i32
        %mul3A_771 = arith.muli %scan3A_18, %mul3A_770 : i32
        %add3A_772 = arith.constant 3 : i32
        %add3A_773 = arith.addi %mul3A_771, %add3A_772 : i32
        %get3A_774 = arith.index_cast %add3A_773 : i32 to index
        %get3A_775 = arith.constant 80 : index
        %get3A_776 = tpu.vector_load %arg6[%get3A_774, %get3A_775] {strides = array<i32>} : memref<128x256xf32, #tpu.memory_space<vmem>>, vector<1x16xf32>,
        %get3A_777 = vector.shape_cast %get3A_776 : vector<1x16xf32> to vector<16xf32>
        %max3A_778 = arith.maximumf %max3A_769, %get3A_777 : vector<16xf32>
        %mul3A_779 = arith.constant 16 : i32
        %mul3A_780 = arith.muli %scan3A_18, %mul3A_779 : i32
        %add3A_781 = arith.constant 4 : i32
        %add3A_782 = arith.addi %mul3A_780, %add3A_781 : i32
        %get3A_783 = arith.index_cast %add3A_782 : i32 to index
        %get3A_784 = arith.constant 80 : index
        %get3A_785 = tpu.vector_load %arg6[%get3A_783, %get3A_784] {strides = array<i32>} : memref<128x256xf32, #tpu.memory_space<vmem>>, vector<1x16xf32>,
        %get3A_786 = vector.shape_cast %get3A_785 : vector<1x16xf32> to vector<16xf32>
        %max3A_787 = arith.maximumf %max3A_778, %get3A_786 : vector<16xf32>
        %mul3A_788 = arith.constant 16 : i32
        %mul3A_789 = arith.muli %scan3A_18, %mul3A_788 : i32
        %add3A_790 = arith.constant 5 : i32
        %add3A_791 = arith.addi %mul3A_789, %add3A_790 : i32
        %get3A_792 = arith.index_cast %add3A_791 : i32 to index
        %get3A_793 = arith.constant 80 : index
        %get3A_794 = tpu.vector_load %arg6[%get3A_792, %get3A_793] {strides = array<i32>} : memref<128x256xf32, #tpu.memory_space<vmem>>, vector<1x16xf32>,
        %get3A_795 = vector.shape_cast %get3A_794 : vector<1x16xf32> to vector<16xf32>
        %max3A_796 = arith.maximumf %max3A_787, %get3A_795 : vector<16xf32>
        %mul3A_797 = arith.constant 16 : i32
        %mul3A_798 = arith.muli %scan3A_18, %mul3A_797 : i32
        %add3A_799 = arith.constant 6 : i32
        %add3A_800 = arith.addi %mul3A_798, %add3A_799 : i32
        %get3A_801 = arith.index_cast %add3A_800 : i32 to index
        %get3A_802 = arith.constant 80 : index
        %get3A_803 = tpu.vector_load %arg6[%get3A_801, %get3A_802] {strides = array<i32>} : memref<128x256xf32, #tpu.memory_space<vmem>>, vector<1x16xf32>,
        %get3A_804 = vector.shape_cast %get3A_803 : vector<1x16xf32> to vector<16xf32>
        %max3A_805 = arith.maximumf %max3A_796, %get3A_804 : vector<16xf32>
        %mul3A_806 = arith.constant 16 : i32
        %mul3A_807 = arith.muli %scan3A_18, %mul3A_806 : i32
        %add3A_808 = arith.constant 7 : i32
        %add3A_809 = arith.addi %mul3A_807, %add3A_808 : i32
        %get3A_810 = arith.index_cast %add3A_809 : i32 to index
        %get3A_811 = arith.constant 80 : index
        %get3A_812 = tpu.vector_load %arg6[%get3A_810, %get3A_811] {strides = array<i32>} : memref<128x256xf32, #tpu.memory_space<vmem>>, vector<1x16xf32>,
        %get3A_813 = vector.shape_cast %get3A_812 : vector<1x16xf32> to vector<16xf32>
        %max3A_814 = arith.maximumf %max3A_805, %get3A_813 : vector<16xf32>
        %mul3A_815 = arith.constant 16 : i32
        %mul3A_816 = arith.muli %scan3A_18, %mul3A_815 : i32
        %add3A_817 = arith.constant 8 : i32
        %add3A_818 = arith.addi %mul3A_816, %add3A_817 : i32
        %get3A_819 = arith.index_cast %add3A_818 : i32 to index
        %get3A_820 = arith.constant 80 : index
        %get3A_821 = tpu.vector_load %arg6[%get3A_819, %get3A_820] {strides = array<i32>} : memref<128x256xf32, #tpu.memory_space<vmem>>, vector<1x16xf32>,
        %get3A_822 = vector.shape_cast %get3A_821 : vector<1x16xf32> to vector<16xf32>
        %max3A_823 = arith.maximumf %max3A_814, %get3A_822 : vector<16xf32>
        %mul3A_824 = arith.constant 16 : i32
        %mul3A_825 = arith.muli %scan3A_18, %mul3A_824 : i32
        %add3A_826 = arith.constant 9 : i32
        %add3A_827 = arith.addi %mul3A_825, %add3A_826 : i32
        %get3A_828 = arith.index_cast %add3A_827 : i32 to index
        %get3A_829 = arith.constant 80 : index
        %get3A_830 = tpu.vector_load %arg6[%get3A_828, %get3A_829] {strides = array<i32>} : memref<128x256xf32, #tpu.memory_space<vmem>>, vector<1x16xf32>,
        %get3A_831 = vector.shape_cast %get3A_830 : vector<1x16xf32> to vector<16xf32>
        %max3A_832 = arith.maximumf %max3A_823, %get3A_831 : vector<16xf32>
        %mul3A_833 = arith.constant 16 : i32
        %mul3A_834 = arith.muli %scan3A_18, %mul3A_833 : i32
        %add3A_835 = arith.constant 10 : i32
        %add3A_836 = arith.addi %mul3A_834, %add3A_835 : i32
        %get3A_837 = arith.index_cast %add3A_836 : i32 to index
        %get3A_838 = arith.constant 80 : index
        %get3A_839 = tpu.vector_load %arg6[%get3A_837, %get3A_838] {strides = array<i32>} : memref<128x256xf32, #tpu.memory_space<vmem>>, vector<1x16xf32>,
        %get3A_840 = vector.shape_cast %get3A_839 : vector<1x16xf32> to vector<16xf32>
        %max3A_841 = arith.maximumf %max3A_832, %get3A_840 : vector<16xf32>
        %mul3A_842 = arith.constant 16 : i32
        %mul3A_843 = arith.muli %scan3A_18, %mul3A_842 : i32
        %add3A_844 = arith.constant 11 : i32
        %add3A_845 = arith.addi %mul3A_843, %add3A_844 : i32
        %get3A_846 = arith.index_cast %add3A_845 : i32 to index
        %get3A_847 = arith.constant 80 : index
        %get3A_848 = tpu.vector_load %arg6[%get3A_846, %get3A_847] {strides = array<i32>} : memref<128x256xf32, #tpu.memory_space<vmem>>, vector<1x16xf32>,
        %get3A_849 = vector.shape_cast %get3A_848 : vector<1x16xf32> to vector<16xf32>
        %max3A_850 = arith.maximumf %max3A_841, %get3A_849 : vector<16xf32>
        %mul3A_851 = arith.constant 16 : i32
        %mul3A_852 = arith.muli %scan3A_18, %mul3A_851 : i32
        %add3A_853 = arith.constant 12 : i32
        %add3A_854 = arith.addi %mul3A_852, %add3A_853 : i32
        %get3A_855 = arith.index_cast %add3A_854 : i32 to index
        %get3A_856 = arith.constant 80 : index
        %get3A_857 = tpu.vector_load %arg6[%get3A_855, %get3A_856] {strides = array<i32>} : memref<128x256xf32, #tpu.memory_space<vmem>>, vector<1x16xf32>,
        %get3A_858 = vector.shape_cast %get3A_857 : vector<1x16xf32> to vector<16xf32>
        %max3A_859 = arith.maximumf %max3A_850, %get3A_858 : vector<16xf32>
        %mul3A_860 = arith.constant 16 : i32
        %mul3A_861 = arith.muli %scan3A_18, %mul3A_860 : i32
        %add3A_862 = arith.constant 13 : i32
        %add3A_863 = arith.addi %mul3A_861, %add3A_862 : i32
        %get3A_864 = arith.index_cast %add3A_863 : i32 to index
        %get3A_865 = arith.constant 80 : index
        %get3A_866 = tpu.vector_load %arg6[%get3A_864, %get3A_865] {strides = array<i32>} : memref<128x256xf32, #tpu.memory_space<vmem>>, vector<1x16xf32>,
        %get3A_867 = vector.shape_cast %get3A_866 : vector<1x16xf32> to vector<16xf32>
        %max3A_868 = arith.maximumf %max3A_859, %get3A_867 : vector<16xf32>
        %mul3A_869 = arith.constant 16 : i32
        %mul3A_870 = arith.muli %scan3A_18, %mul3A_869 : i32
        %add3A_871 = arith.constant 14 : i32
        %add3A_872 = arith.addi %mul3A_870, %add3A_871 : i32
        %get3A_873 = arith.index_cast %add3A_872 : i32 to index
        %get3A_874 = arith.constant 80 : index
        %get3A_875 = tpu.vector_load %arg6[%get3A_873, %get3A_874] {strides = array<i32>} : memref<128x256xf32, #tpu.memory_space<vmem>>, vector<1x16xf32>,
        %get3A_876 = vector.shape_cast %get3A_875 : vector<1x16xf32> to vector<16xf32>
        %max3A_877 = arith.maximumf %max3A_868, %get3A_876 : vector<16xf32>
        %mul3A_878 = arith.constant 16 : i32
        %mul3A_879 = arith.muli %scan3A_18, %mul3A_878 : i32
        %add3A_880 = arith.constant 15 : i32
        %add3A_881 = arith.addi %mul3A_879, %add3A_880 : i32
        %get3A_882 = arith.index_cast %add3A_881 : i32 to index
        %get3A_883 = arith.constant 80 : index
        %get3A_884 = tpu.vector_load %arg6[%get3A_882, %get3A_883] {strides = array<i32>} : memref<128x256xf32, #tpu.memory_space<vmem>>, vector<1x16xf32>,
        %get3A_885 = vector.shape_cast %get3A_884 : vector<1x16xf32> to vector<16xf32>
        %max3A_886 = arith.maximumf %max3A_877, %get3A_885 : vector<16xf32>
        %swap3A_887 = arith.index_cast %scan3A_18 : i32 to index
        %swap3A_888 = arith.constant 80 : index
        %swap3A_889 = tpu.vector_load %arg7[%swap3A_887, %swap3A_888] {strides = array<i32>} : memref<8x256xf32, #tpu.memory_space<vmem>>, vector<1x16xf32>,
        %swap3A_890 = vector.shape_cast %swap3A_889 : vector<1x16xf32> to vector<16xf32>
        %swap3A_891 = vector.shape_cast %max3A_886 : vector<16xf32> to vector<1x16xf32>
        tpu.vector_store %arg7[%swap3A_887, %swap3A_888], %swap3A_891 {strides = array<i32>} : memref<8x256xf32, #tpu.memory_space<vmem>>, vector<1x16xf32>,
        %mul3A_892 = arith.constant 16 : i32
        %mul3A_893 = arith.muli %scan3A_18, %mul3A_892 : i32
        %get3A_894 = arith.index_cast %mul3A_893 : i32 to index
        %get3A_895 = arith.constant 96 : index
        %get3A_896 = tpu.vector_load %arg6[%get3A_894, %get3A_895] {strides = array<i32>} : memref<128x256xf32, #tpu.memory_space<vmem>>, vector<1x16xf32>,
        %get3A_897 = vector.shape_cast %get3A_896 : vector<1x16xf32> to vector<16xf32>
        %mul3A_898 = arith.constant 16 : i32
        %mul3A_899 = arith.muli %scan3A_18, %mul3A_898 : i32
        %add3A_900 = arith.constant 1 : i32
        %add3A_901 = arith.addi %mul3A_899, %add3A_900 : i32
        %get3A_902 = arith.index_cast %add3A_901 : i32 to index
        %get3A_903 = arith.constant 96 : index
        %get3A_904 = tpu.vector_load %arg6[%get3A_902, %get3A_903] {strides = array<i32>} : memref<128x256xf32, #tpu.memory_space<vmem>>, vector<1x16xf32>,
        %get3A_905 = vector.shape_cast %get3A_904 : vector<1x16xf32> to vector<16xf32>
        %max3A_906 = arith.maximumf %get3A_897, %get3A_905 : vector<16xf32>
        %mul3A_907 = arith.constant 16 : i32
        %mul3A_908 = arith.muli %scan3A_18, %mul3A_907 : i32
        %add3A_909 = arith.constant 2 : i32
        %add3A_910 = arith.addi %mul3A_908, %add3A_909 : i32
        %get3A_911 = arith.index_cast %add3A_910 : i32 to index
        %get3A_912 = arith.constant 96 : index
        %get3A_913 = tpu.vector_load %arg6[%get3A_911, %get3A_912] {strides = array<i32>} : memref<128x256xf32, #tpu.memory_space<vmem>>, vector<1x16xf32>,
        %get3A_914 = vector.shape_cast %get3A_913 : vector<1x16xf32> to vector<16xf32>
        %max3A_915 = arith.maximumf %max3A_906, %get3A_914 : vector<16xf32>
        %mul3A_916 = arith.constant 16 : i32
        %mul3A_917 = arith.muli %scan3A_18, %mul3A_916 : i32
        %add3A_918 = arith.constant 3 : i32
        %add3A_919 = arith.addi %mul3A_917, %add3A_918 : i32
        %get3A_920 = arith.index_cast %add3A_919 : i32 to index
        %get3A_921 = arith.constant 96 : index
        %get3A_922 = tpu.vector_load %arg6[%get3A_920, %get3A_921] {strides = array<i32>} : memref<128x256xf32, #tpu.memory_space<vmem>>, vector<1x16xf32>,
        %get3A_923 = vector.shape_cast %get3A_922 : vector<1x16xf32> to vector<16xf32>
        %max3A_924 = arith.maximumf %max3A_915, %get3A_923 : vector<16xf32>
        %mul3A_925 = arith.constant 16 : i32
        %mul3A_926 = arith.muli %scan3A_18, %mul3A_925 : i32
        %add3A_927 = arith.constant 4 : i32
        %add3A_928 = arith.addi %mul3A_926, %add3A_927 : i32
        %get3A_929 = arith.index_cast %add3A_928 : i32 to index
        %get3A_930 = arith.constant 96 : index
        %get3A_931 = tpu.vector_load %arg6[%get3A_929, %get3A_930] {strides = array<i32>} : memref<128x256xf32, #tpu.memory_space<vmem>>, vector<1x16xf32>,
        %get3A_932 = vector.shape_cast %get3A_931 : vector<1x16xf32> to vector<16xf32>
        %max3A_933 = arith.maximumf %max3A_924, %get3A_932 : vector<16xf32>
        %mul3A_934 = arith.constant 16 : i32
        %mul3A_935 = arith.muli %scan3A_18, %mul3A_934 : i32
        %add3A_936 = arith.constant 5 : i32
        %add3A_937 = arith.addi %mul3A_935, %add3A_936 : i32
        %get3A_938 = arith.index_cast %add3A_937 : i32 to index
        %get3A_939 = arith.constant 96 : index
        %get3A_940 = tpu.vector_load %arg6[%get3A_938, %get3A_939] {strides = array<i32>} : memref<128x256xf32, #tpu.memory_space<vmem>>, vector<1x16xf32>,
        %get3A_941 = vector.shape_cast %get3A_940 : vector<1x16xf32> to vector<16xf32>
        %max3A_942 = arith.maximumf %max3A_933, %get3A_941 : vector<16xf32>
        %mul3A_943 = arith.constant 16 : i32
        %mul3A_944 = arith.muli %scan3A_18, %mul3A_943 : i32
        %add3A_945 = arith.constant 6 : i32
        %add3A_946 = arith.addi %mul3A_944, %add3A_945 : i32
        %get3A_947 = arith.index_cast %add3A_946 : i32 to index
        %get3A_948 = arith.constant 96 : index
        %get3A_949 = tpu.vector_load %arg6[%get3A_947, %get3A_948] {strides = array<i32>} : memref<128x256xf32, #tpu.memory_space<vmem>>, vector<1x16xf32>,
        %get3A_950 = vector.shape_cast %get3A_949 : vector<1x16xf32> to vector<16xf32>
        %max3A_951 = arith.maximumf %max3A_942, %get3A_950 : vector<16xf32>
        %mul3A_952 = arith.constant 16 : i32
        %mul3A_953 = arith.muli %scan3A_18, %mul3A_952 : i32
        %add3A_954 = arith.constant 7 : i32
        %add3A_955 = arith.addi %mul3A_953, %add3A_954 : i32
        %get3A_956 = arith.index_cast %add3A_955 : i32 to index
        %get3A_957 = arith.constant 96 : index
        %get3A_958 = tpu.vector_load %arg6[%get3A_956, %get3A_957] {strides = array<i32>} : memref<128x256xf32, #tpu.memory_space<vmem>>, vector<1x16xf32>,
        %get3A_959 = vector.shape_cast %get3A_958 : vector<1x16xf32> to vector<16xf32>
        %max3A_960 = arith.maximumf %max3A_951, %get3A_959 : vector<16xf32>
        %mul3A_961 = arith.constant 16 : i32
        %mul3A_962 = arith.muli %scan3A_18, %mul3A_961 : i32
        %add3A_963 = arith.constant 8 : i32
        %add3A_964 = arith.addi %mul3A_962, %add3A_963 : i32
        %get3A_965 = arith.index_cast %add3A_964 : i32 to index
        %get3A_966 = arith.constant 96 : index
        %get3A_967 = tpu.vector_load %arg6[%get3A_965, %get3A_966] {strides = array<i32>} : memref<128x256xf32, #tpu.memory_space<vmem>>, vector<1x16xf32>,
        %get3A_968 = vector.shape_cast %get3A_967 : vector<1x16xf32> to vector<16xf32>
        %max3A_969 = arith.maximumf %max3A_960, %get3A_968 : vector<16xf32>
        %mul3A_970 = arith.constant 16 : i32
        %mul3A_971 = arith.muli %scan3A_18, %mul3A_970 : i32
        %add3A_972 = arith.constant 9 : i32
        %add3A_973 = arith.addi %mul3A_971, %add3A_972 : i32
        %get3A_974 = arith.index_cast %add3A_973 : i32 to index
        %get3A_975 = arith.constant 96 : index
        %get3A_976 = tpu.vector_load %arg6[%get3A_974, %get3A_975] {strides = array<i32>} : memref<128x256xf32, #tpu.memory_space<vmem>>, vector<1x16xf32>,
        %get3A_977 = vector.shape_cast %get3A_976 : vector<1x16xf32> to vector<16xf32>
        %max3A_978 = arith.maximumf %max3A_969, %get3A_977 : vector<16xf32>
        %mul3A_979 = arith.constant 16 : i32
        %mul3A_980 = arith.muli %scan3A_18, %mul3A_979 : i32
        %add3A_981 = arith.constant 10 : i32
        %add3A_982 = arith.addi %mul3A_980, %add3A_981 : i32
        %get3A_983 = arith.index_cast %add3A_982 : i32 to index
        %get3A_984 = arith.constant 96 : index
        %get3A_985 = tpu.vector_load %arg6[%get3A_983, %get3A_984] {strides = array<i32>} : memref<128x256xf32, #tpu.memory_space<vmem>>, vector<1x16xf32>,
        %get3A_986 = vector.shape_cast %get3A_985 : vector<1x16xf32> to vector<16xf32>
        %max3A_987 = arith.maximumf %max3A_978, %get3A_986 : vector<16xf32>
        %mul3A_988 = arith.constant 16 : i32
        %mul3A_989 = arith.muli %scan3A_18, %mul3A_988 : i32
        %add3A_990 = arith.constant 11 : i32
        %add3A_991 = arith.addi %mul3A_989, %add3A_990 : i32
        %get3A_992 = arith.index_cast %add3A_991 : i32 to index
        %get3A_993 = arith.constant 96 : index
        %get3A_994 = tpu.vector_load %arg6[%get3A_992, %get3A_993] {strides = array<i32>} : memref<128x256xf32, #tpu.memory_space<vmem>>, vector<1x16xf32>,
        %get3A_995 = vector.shape_cast %get3A_994 : vector<1x16xf32> to vector<16xf32>
        %max3A_996 = arith.maximumf %max3A_987, %get3A_995 : vector<16xf32>
        %mul3A_997 = arith.constant 16 : i32
        %mul3A_998 = arith.muli %scan3A_18, %mul3A_997 : i32
        %add3A_999 = arith.constant 12 : i32
        %add3A_1000 = arith.addi %mul3A_998, %add3A_999 : i32
        %get3A_1001 = arith.index_cast %add3A_1000 : i32 to index
        %get3A_1002 = arith.constant 96 : index
        %get3A_1003 = tpu.vector_load %arg6[%get3A_1001, %get3A_1002] {strides = array<i32>} : memref<128x256xf32, #tpu.memory_space<vmem>>, vector<1x16xf32>,
        %get3A_1004 = vector.shape_cast %get3A_1003 : vector<1x16xf32> to vector<16xf32>
        %max3A_1005 = arith.maximumf %max3A_996, %get3A_1004 : vector<16xf32>
        %mul3A_1006 = arith.constant 16 : i32
        %mul3A_1007 = arith.muli %scan3A_18, %mul3A_1006 : i32
        %add3A_1008 = arith.constant 13 : i32
        %add3A_1009 = arith.addi %mul3A_1007, %add3A_1008 : i32
        %get3A_1010 = arith.index_cast %add3A_1009 : i32 to index
        %get3A_1011 = arith.constant 96 : index
        %get3A_1012 = tpu.vector_load %arg6[%get3A_1010, %get3A_1011] {strides = array<i32>} : memref<128x256xf32, #tpu.memory_space<vmem>>, vector<1x16xf32>,
        %get3A_1013 = vector.shape_cast %get3A_1012 : vector<1x16xf32> to vector<16xf32>
        %max3A_1014 = arith.maximumf %max3A_1005, %get3A_1013 : vector<16xf32>
        %mul3A_1015 = arith.constant 16 : i32
        %mul3A_1016 = arith.muli %scan3A_18, %mul3A_1015 : i32
        %add3A_1017 = arith.constant 14 : i32
        %add3A_1018 = arith.addi %mul3A_1016, %add3A_1017 : i32
        %get3A_1019 = arith.index_cast %add3A_1018 : i32 to index
        %get3A_1020 = arith.constant 96 : index
        %get3A_1021 = tpu.vector_load %arg6[%get3A_1019, %get3A_1020] {strides = array<i32>} : memref<128x256xf32, #tpu.memory_space<vmem>>, vector<1x16xf32>,
        %get3A_1022 = vector.shape_cast %get3A_1021 : vector<1x16xf32> to vector<16xf32>
        %max3A_1023 = arith.maximumf %max3A_1014, %get3A_1022 : vector<16xf32>
        %mul3A_1024 = arith.constant 16 : i32
        %mul3A_1025 = arith.muli %scan3A_18, %mul3A_1024 : i32
        %add3A_1026 = arith.constant 15 : i32
        %add3A_1027 = arith.addi %mul3A_1025, %add3A_1026 : i32
        %get3A_1028 = arith.index_cast %add3A_1027 : i32 to index
        %get3A_1029 = arith.constant 96 : index
        %get3A_1030 = tpu.vector_load %arg6[%get3A_1028, %get3A_1029] {strides = array<i32>} : memref<128x256xf32, #tpu.memory_space<vmem>>, vector<1x16xf32>,
        %get3A_1031 = vector.shape_cast %get3A_1030 : vector<1x16xf32> to vector<16xf32>
        %max3A_1032 = arith.maximumf %max3A_1023, %get3A_1031 : vector<16xf32>
        %swap3A_1033 = arith.index_cast %scan3A_18 : i32 to index
        %swap3A_1034 = arith.constant 96 : index
        %swap3A_1035 = tpu.vector_load %arg7[%swap3A_1033, %swap3A_1034] {strides = array<i32>} : memref<8x256xf32, #tpu.memory_space<vmem>>, vector<1x16xf32>,
        %swap3A_1036 = vector.shape_cast %swap3A_1035 : vector<1x16xf32> to vector<16xf32>
        %swap3A_1037 = vector.shape_cast %max3A_1032 : vector<16xf32> to vector<1x16xf32>
        tpu.vector_store %arg7[%swap3A_1033, %swap3A_1034], %swap3A_1037 {strides = array<i32>} : memref<8x256xf32, #tpu.memory_space<vmem>>, vector<1x16xf32>,
        %mul3A_1038 = arith.constant 16 : i32
        %mul3A_1039 = arith.muli %scan3A_18, %mul3A_1038 : i32
        %get3A_1040 = arith.index_cast %mul3A_1039 : i32 to index
        %get3A_1041 = arith.constant 112 : index
        %get3A_1042 = tpu.vector_load %arg6[%get3A_1040, %get3A_1041] {strides = array<i32>} : memref<128x256xf32, #tpu.memory_space<vmem>>, vector<1x16xf32>,
        %get3A_1043 = vector.shape_cast %get3A_1042 : vector<1x16xf32> to vector<16xf32>
        %mul3A_1044 = arith.constant 16 : i32
        %mul3A_1045 = arith.muli %scan3A_18, %mul3A_1044 : i32
        %add3A_1046 = arith.constant 1 : i32
        %add3A_1047 = arith.addi %mul3A_1045, %add3A_1046 : i32
        %get3A_1048 = arith.index_cast %add3A_1047 : i32 to index
        %get3A_1049 = arith.constant 112 : index
        %get3A_1050 = tpu.vector_load %arg6[%get3A_1048, %get3A_1049] {strides = array<i32>} : memref<128x256xf32, #tpu.memory_space<vmem>>, vector<1x16xf32>,
        %get3A_1051 = vector.shape_cast %get3A_1050 : vector<1x16xf32> to vector<16xf32>
        %max3A_1052 = arith.maximumf %get3A_1043, %get3A_1051 : vector<16xf32>
        %mul3A_1053 = arith.constant 16 : i32
        %mul3A_1054 = arith.muli %scan3A_18, %mul3A_1053 : i32
        %add3A_1055 = arith.constant 2 : i32
        %add3A_1056 = arith.addi %mul3A_1054, %add3A_1055 : i32
        %get3A_1057 = arith.index_cast %add3A_1056 : i32 to index
        %get3A_1058 = arith.constant 112 : index
        %get3A_1059 = tpu.vector_load %arg6[%get3A_1057, %get3A_1058] {strides = array<i32>} : memref<128x256xf32, #tpu.memory_space<vmem>>, vector<1x16xf32>,
        %get3A_1060 = vector.shape_cast %get3A_1059 : vector<1x16xf32> to vector<16xf32>
        %max3A_1061 = arith.maximumf %max3A_1052, %get3A_1060 : vector<16xf32>
        %mul3A_1062 = arith.constant 16 : i32
        %mul3A_1063 = arith.muli %scan3A_18, %mul3A_1062 : i32
        %add3A_1064 = arith.constant 3 : i32
        %add3A_1065 = arith.addi %mul3A_1063, %add3A_1064 : i32
        %get3A_1066 = arith.index_cast %add3A_1065 : i32 to index
        %get3A_1067 = arith.constant 112 : index
        %get3A_1068 = tpu.vector_load %arg6[%get3A_1066, %get3A_1067] {strides = array<i32>} : memref<128x256xf32, #tpu.memory_space<vmem>>, vector<1x16xf32>,
        %get3A_1069 = vector.shape_cast %get3A_1068 : vector<1x16xf32> to vector<16xf32>
        %max3A_1070 = arith.maximumf %max3A_1061, %get3A_1069 : vector<16xf32>
        %mul3A_1071 = arith.constant 16 : i32
        %mul3A_1072 = arith.muli %scan3A_18, %mul3A_1071 : i32
        %add3A_1073 = arith.constant 4 : i32
        %add3A_1074 = arith.addi %mul3A_1072, %add3A_1073 : i32
        %get3A_1075 = arith.index_cast %add3A_1074 : i32 to index
        %get3A_1076 = arith.constant 112 : index
        %get3A_1077 = tpu.vector_load %arg6[%get3A_1075, %get3A_1076] {strides = array<i32>} : memref<128x256xf32, #tpu.memory_space<vmem>>, vector<1x16xf32>,
        %get3A_1078 = vector.shape_cast %get3A_1077 : vector<1x16xf32> to vector<16xf32>
        %max3A_1079 = arith.maximumf %max3A_1070, %get3A_1078 : vector<16xf32>
        %mul3A_1080 = arith.constant 16 : i32
        %mul3A_1081 = arith.muli %scan3A_18, %mul3A_1080 : i32
        %add3A_1082 = arith.constant 5 : i32
        %add3A_1083 = arith.addi %mul3A_1081, %add3A_1082 : i32
        %get3A_1084 = arith.index_cast %add3A_1083 : i32 to index
        %get3A_1085 = arith.constant 112 : index
        %get3A_1086 = tpu.vector_load %arg6[%get3A_1084, %get3A_1085] {strides = array<i32>} : memref<128x256xf32, #tpu.memory_space<vmem>>, vector<1x16xf32>,
        %get3A_1087 = vector.shape_cast %get3A_1086 : vector<1x16xf32> to vector<16xf32>
        %max3A_1088 = arith.maximumf %max3A_1079, %get3A_1087 : vector<16xf32>
        %mul3A_1089 = arith.constant 16 : i32
        %mul3A_1090 = arith.muli %scan3A_18, %mul3A_1089 : i32
        %add3A_1091 = arith.constant 6 : i32
        %add3A_1092 = arith.addi %mul3A_1090, %add3A_1091 : i32
        %get3A_1093 = arith.index_cast %add3A_1092 : i32 to index
        %get3A_1094 = arith.constant 112 : index
        %get3A_1095 = tpu.vector_load %arg6[%get3A_1093, %get3A_1094] {strides = array<i32>} : memref<128x256xf32, #tpu.memory_space<vmem>>, vector<1x16xf32>,
        %get3A_1096 = vector.shape_cast %get3A_1095 : vector<1x16xf32> to vector<16xf32>
        %max3A_1097 = arith.maximumf %max3A_1088, %get3A_1096 : vector<16xf32>
        %mul3A_1098 = arith.constant 16 : i32
        %mul3A_1099 = arith.muli %scan3A_18, %mul3A_1098 : i32
        %add3A_1100 = arith.constant 7 : i32
        %add3A_1101 = arith.addi %mul3A_1099, %add3A_1100 : i32
        %get3A_1102 = arith.index_cast %add3A_1101 : i32 to index
        %get3A_1103 = arith.constant 112 : index
        %get3A_1104 = tpu.vector_load %arg6[%get3A_1102, %get3A_1103] {strides = array<i32>} : memref<128x256xf32, #tpu.memory_space<vmem>>, vector<1x16xf32>,
        %get3A_1105 = vector.shape_cast %get3A_1104 : vector<1x16xf32> to vector<16xf32>
        %max3A_1106 = arith.maximumf %max3A_1097, %get3A_1105 : vector<16xf32>
        %mul3A_1107 = arith.constant 16 : i32
        %mul3A_1108 = arith.muli %scan3A_18, %mul3A_1107 : i32
        %add3A_1109 = arith.constant 8 : i32
        %add3A_1110 = arith.addi %mul3A_1108, %add3A_1109 : i32
        %get3A_1111 = arith.index_cast %add3A_1110 : i32 to index
        %get3A_1112 = arith.constant 112 : index
        %get3A_1113 = tpu.vector_load %arg6[%get3A_1111, %get3A_1112] {strides = array<i32>} : memref<128x256xf32, #tpu.memory_space<vmem>>, vector<1x16xf32>,
        %get3A_1114 = vector.shape_cast %get3A_1113 : vector<1x16xf32> to vector<16xf32>
        %max3A_1115 = arith.maximumf %max3A_1106, %get3A_1114 : vector<16xf32>
        %mul3A_1116 = arith.constant 16 : i32
        %mul3A_1117 = arith.muli %scan3A_18, %mul3A_1116 : i32
        %add3A_1118 = arith.constant 9 : i32
        %add3A_1119 = arith.addi %mul3A_1117, %add3A_1118 : i32
        %get3A_1120 = arith.index_cast %add3A_1119 : i32 to index
        %get3A_1121 = arith.constant 112 : index
        %get3A_1122 = tpu.vector_load %arg6[%get3A_1120, %get3A_1121] {strides = array<i32>} : memref<128x256xf32, #tpu.memory_space<vmem>>, vector<1x16xf32>,
        %get3A_1123 = vector.shape_cast %get3A_1122 : vector<1x16xf32> to vector<16xf32>
        %max3A_1124 = arith.maximumf %max3A_1115, %get3A_1123 : vector<16xf32>
        %mul3A_1125 = arith.constant 16 : i32
        %mul3A_1126 = arith.muli %scan3A_18, %mul3A_1125 : i32
        %add3A_1127 = arith.constant 10 : i32
        %add3A_1128 = arith.addi %mul3A_1126, %add3A_1127 : i32
        %get3A_1129 = arith.index_cast %add3A_1128 : i32 to index
        %get3A_1130 = arith.constant 112 : index
        %get3A_1131 = tpu.vector_load %arg6[%get3A_1129, %get3A_1130] {strides = array<i32>} : memref<128x256xf32, #tpu.memory_space<vmem>>, vector<1x16xf32>,
        %get3A_1132 = vector.shape_cast %get3A_1131 : vector<1x16xf32> to vector<16xf32>
        %max3A_1133 = arith.maximumf %max3A_1124, %get3A_1132 : vector<16xf32>
        %mul3A_1134 = arith.constant 16 : i32
        %mul3A_1135 = arith.muli %scan3A_18, %mul3A_1134 : i32
        %add3A_1136 = arith.constant 11 : i32
        %add3A_1137 = arith.addi %mul3A_1135, %add3A_1136 : i32
        %get3A_1138 = arith.index_cast %add3A_1137 : i32 to index
        %get3A_1139 = arith.constant 112 : index
        %get3A_1140 = tpu.vector_load %arg6[%get3A_1138, %get3A_1139] {strides = array<i32>} : memref<128x256xf32, #tpu.memory_space<vmem>>, vector<1x16xf32>,
        %get3A_1141 = vector.shape_cast %get3A_1140 : vector<1x16xf32> to vector<16xf32>
        %max3A_1142 = arith.maximumf %max3A_1133, %get3A_1141 : vector<16xf32>
        %mul3A_1143 = arith.constant 16 : i32
        %mul3A_1144 = arith.muli %scan3A_18, %mul3A_1143 : i32
        %add3A_1145 = arith.constant 12 : i32
        %add3A_1146 = arith.addi %mul3A_1144, %add3A_1145 : i32
        %get3A_1147 = arith.index_cast %add3A_1146 : i32 to index
        %get3A_1148 = arith.constant 112 : index
        %get3A_1149 = tpu.vector_load %arg6[%get3A_1147, %get3A_1148] {strides = array<i32>} : memref<128x256xf32, #tpu.memory_space<vmem>>, vector<1x16xf32>,
        %get3A_1150 = vector.shape_cast %get3A_1149 : vector<1x16xf32> to vector<16xf32>
        %max3A_1151 = arith.maximumf %max3A_1142, %get3A_1150 : vector<16xf32>
        %mul3A_1152 = arith.constant 16 : i32
        %mul3A_1153 = arith.muli %scan3A_18, %mul3A_1152 : i32
        %add3A_1154 = arith.constant 13 : i32
        %add3A_1155 = arith.addi %mul3A_1153, %add3A_1154 : i32
        %get3A_1156 = arith.index_cast %add3A_1155 : i32 to index
        %get3A_1157 = arith.constant 112 : index
        %get3A_1158 = tpu.vector_load %arg6[%get3A_1156, %get3A_1157] {strides = array<i32>} : memref<128x256xf32, #tpu.memory_space<vmem>>, vector<1x16xf32>,
        %get3A_1159 = vector.shape_cast %get3A_1158 : vector<1x16xf32> to vector<16xf32>
        %max3A_1160 = arith.maximumf %max3A_1151, %get3A_1159 : vector<16xf32>
        %mul3A_1161 = arith.constant 16 : i32
        %mul3A_1162 = arith.muli %scan3A_18, %mul3A_1161 : i32
        %add3A_1163 = arith.constant 14 : i32
        %add3A_1164 = arith.addi %mul3A_1162, %add3A_1163 : i32
        %get3A_1165 = arith.index_cast %add3A_1164 : i32 to index
        %get3A_1166 = arith.constant 112 : index
        %get3A_1167 = tpu.vector_load %arg6[%get3A_1165, %get3A_1166] {strides = array<i32>} : memref<128x256xf32, #tpu.memory_space<vmem>>, vector<1x16xf32>,
        %get3A_1168 = vector.shape_cast %get3A_1167 : vector<1x16xf32> to vector<16xf32>
        %max3A_1169 = arith.maximumf %max3A_1160, %get3A_1168 : vector<16xf32>
        %mul3A_1170 = arith.constant 16 : i32
        %mul3A_1171 = arith.muli %scan3A_18, %mul3A_1170 : i32
        %add3A_1172 = arith.constant 15 : i32
        %add3A_1173 = arith.addi %mul3A_1171, %add3A_1172 : i32
        %get3A_1174 = arith.index_cast %add3A_1173 : i32 to index
        %get3A_1175 = arith.constant 112 : index
        %get3A_1176 = tpu.vector_load %arg6[%get3A_1174, %get3A_1175] {strides = array<i32>} : memref<128x256xf32, #tpu.memory_space<vmem>>, vector<1x16xf32>,
        %get3A_1177 = vector.shape_cast %get3A_1176 : vector<1x16xf32> to vector<16xf32>
        %max3A_1178 = arith.maximumf %max3A_1169, %get3A_1177 : vector<16xf32>
        %swap3A_1179 = arith.index_cast %scan3A_18 : i32 to index
        %swap3A_1180 = arith.constant 112 : index
        %swap3A_1181 = tpu.vector_load %arg7[%swap3A_1179, %swap3A_1180] {strides = array<i32>} : memref<8x256xf32, #tpu.memory_space<vmem>>, vector<1x16xf32>,
        %swap3A_1182 = vector.shape_cast %swap3A_1181 : vector<1x16xf32> to vector<16xf32>
        %swap3A_1183 = vector.shape_cast %max3A_1178 : vector<16xf32> to vector<1x16xf32>
        tpu.vector_store %arg7[%swap3A_1179, %swap3A_1180], %swap3A_1183 {strides = array<i32>} : memref<8x256xf32, #tpu.memory_space<vmem>>, vector<1x16xf32>,
        %mul3A_1184 = arith.constant 16 : i32
        %mul3A_1185 = arith.muli %scan3A_18, %mul3A_1184 : i32
        %get3A_1186 = arith.index_cast %mul3A_1185 : i32 to index
        %get3A_1187 = arith.constant 128 : index
        %get3A_1188 = tpu.vector_load %arg6[%get3A_1186, %get3A_1187] {strides = array<i32>} : memref<128x256xf32, #tpu.memory_space<vmem>>, vector<1x16xf32>,
        %get3A_1189 = vector.shape_cast %get3A_1188 : vector<1x16xf32> to vector<16xf32>
        %mul3A_1190 = arith.constant 16 : i32
        %mul3A_1191 = arith.muli %scan3A_18, %mul3A_1190 : i32
        %add3A_1192 = arith.constant 1 : i32
        %add3A_1193 = arith.addi %mul3A_1191, %add3A_1192 : i32
        %get3A_1194 = arith.index_cast %add3A_1193 : i32 to index
        %get3A_1195 = arith.constant 128 : index
        %get3A_1196 = tpu.vector_load %arg6[%get3A_1194, %get3A_1195] {strides = array<i32>} : memref<128x256xf32, #tpu.memory_space<vmem>>, vector<1x16xf32>,
        %get3A_1197 = vector.shape_cast %get3A_1196 : vector<1x16xf32> to vector<16xf32>
        %max3A_1198 = arith.maximumf %get3A_1189, %get3A_1197 : vector<16xf32>
        %mul3A_1199 = arith.constant 16 : i32
        %mul3A_1200 = arith.muli %scan3A_18, %mul3A_1199 : i32
        %add3A_1201 = arith.constant 2 : i32
        %add3A_1202 = arith.addi %mul3A_1200, %add3A_1201 : i32
        %get3A_1203 = arith.index_cast %add3A_1202 : i32 to index
        %get3A_1204 = arith.constant 128 : index
        %get3A_1205 = tpu.vector_load %arg6[%get3A_1203, %get3A_1204] {strides = array<i32>} : memref<128x256xf32, #tpu.memory_space<vmem>>, vector<1x16xf32>,
        %get3A_1206 = vector.shape_cast %get3A_1205 : vector<1x16xf32> to vector<16xf32>
        %max3A_1207 = arith.maximumf %max3A_1198, %get3A_1206 : vector<16xf32>
        %mul3A_1208 = arith.constant 16 : i32
        %mul3A_1209 = arith.muli %scan3A_18, %mul3A_1208 : i32
        %add3A_1210 = arith.constant 3 : i32
        %add3A_1211 = arith.addi %mul3A_1209, %add3A_1210 : i32
        %get3A_1212 = arith.index_cast %add3A_1211 : i32 to index
        %get3A_1213 = arith.constant 128 : index
        %get3A_1214 = tpu.vector_load %arg6[%get3A_1212, %get3A_1213] {strides = array<i32>} : memref<128x256xf32, #tpu.memory_space<vmem>>, vector<1x16xf32>,
        %get3A_1215 = vector.shape_cast %get3A_1214 : vector<1x16xf32> to vector<16xf32>
        %max3A_1216 = arith.maximumf %max3A_1207, %get3A_1215 : vector<16xf32>
        %mul3A_1217 = arith.constant 16 : i32
        %mul3A_1218 = arith.muli %scan3A_18, %mul3A_1217 : i32
        %add3A_1219 = arith.constant 4 : i32
        %add3A_1220 = arith.addi %mul3A_1218, %add3A_1219 : i32
        %get3A_1221 = arith.index_cast %add3A_1220 : i32 to index
        %get3A_1222 = arith.constant 128 : index
        %get3A_1223 = tpu.vector_load %arg6[%get3A_1221, %get3A_1222] {strides = array<i32>} : memref<128x256xf32, #tpu.memory_space<vmem>>, vector<1x16xf32>,
        %get3A_1224 = vector.shape_cast %get3A_1223 : vector<1x16xf32> to vector<16xf32>
        %max3A_1225 = arith.maximumf %max3A_1216, %get3A_1224 : vector<16xf32>
        %mul3A_1226 = arith.constant 16 : i32
        %mul3A_1227 = arith.muli %scan3A_18, %mul3A_1226 : i32
        %add3A_1228 = arith.constant 5 : i32
        %add3A_1229 = arith.addi %mul3A_1227, %add3A_1228 : i32
        %get3A_1230 = arith.index_cast %add3A_1229 : i32 to index
        %get3A_1231 = arith.constant 128 : index
        %get3A_1232 = tpu.vector_load %arg6[%get3A_1230, %get3A_1231] {strides = array<i32>} : memref<128x256xf32, #tpu.memory_space<vmem>>, vector<1x16xf32>,
        %get3A_1233 = vector.shape_cast %get3A_1232 : vector<1x16xf32> to vector<16xf32>
        %max3A_1234 = arith.maximumf %max3A_1225, %get3A_1233 : vector<16xf32>
        %mul3A_1235 = arith.constant 16 : i32
        %mul3A_1236 = arith.muli %scan3A_18, %mul3A_1235 : i32
        %add3A_1237 = arith.constant 6 : i32
        %add3A_1238 = arith.addi %mul3A_1236, %add3A_1237 : i32
        %get3A_1239 = arith.index_cast %add3A_1238 : i32 to index
        %get3A_1240 = arith.constant 128 : index
        %get3A_1241 = tpu.vector_load %arg6[%get3A_1239, %get3A_1240] {strides = array<i32>} : memref<128x256xf32, #tpu.memory_space<vmem>>, vector<1x16xf32>,
        %get3A_1242 = vector.shape_cast %get3A_1241 : vector<1x16xf32> to vector<16xf32>
        %max3A_1243 = arith.maximumf %max3A_1234, %get3A_1242 : vector<16xf32>
        %mul3A_1244 = arith.constant 16 : i32
        %mul3A_1245 = arith.muli %scan3A_18, %mul3A_1244 : i32
        %add3A_1246 = arith.constant 7 : i32
        %add3A_1247 = arith.addi %mul3A_1245, %add3A_1246 : i32
        %get3A_1248 = arith.index_cast %add3A_1247 : i32 to index
        %get3A_1249 = arith.constant 128 : index
        %get3A_1250 = tpu.vector_load %arg6[%get3A_1248, %get3A_1249] {strides = array<i32>} : memref<128x256xf32, #tpu.memory_space<vmem>>, vector<1x16xf32>,
        %get3A_1251 = vector.shape_cast %get3A_1250 : vector<1x16xf32> to vector<16xf32>
        %max3A_1252 = arith.maximumf %max3A_1243, %get3A_1251 : vector<16xf32>
        %mul3A_1253 = arith.constant 16 : i32
        %mul3A_1254 = arith.muli %scan3A_18, %mul3A_1253 : i32
        %add3A_1255 = arith.constant 8 : i32
        %add3A_1256 = arith.addi %mul3A_1254, %add3A_1255 : i32
        %get3A_1257 = arith.index_cast %add3A_1256 : i32 to index
        %get3A_1258 = arith.constant 128 : index
        %get3A_1259 = tpu.vector_load %arg6[%get3A_1257, %get3A_1258] {strides = array<i32>} : memref<128x256xf32, #tpu.memory_space<vmem>>, vector<1x16xf32>,
        %get3A_1260 = vector.shape_cast %get3A_1259 : vector<1x16xf32> to vector<16xf32>
        %max3A_1261 = arith.maximumf %max3A_1252, %get3A_1260 : vector<16xf32>
        %mul3A_1262 = arith.constant 16 : i32
        %mul3A_1263 = arith.muli %scan3A_18, %mul3A_1262 : i32
        %add3A_1264 = arith.constant 9 : i32
        %add3A_1265 = arith.addi %mul3A_1263, %add3A_1264 : i32
        %get3A_1266 = arith.index_cast %add3A_1265 : i32 to index
        %get3A_1267 = arith.constant 128 : index
        %get3A_1268 = tpu.vector_load %arg6[%get3A_1266, %get3A_1267] {strides = array<i32>} : memref<128x256xf32, #tpu.memory_space<vmem>>, vector<1x16xf32>,
        %get3A_1269 = vector.shape_cast %get3A_1268 : vector<1x16xf32> to vector<16xf32>
        %max3A_1270 = arith.maximumf %max3A_1261, %get3A_1269 : vector<16xf32>
        %mul3A_1271 = arith.constant 16 : i32
        %mul3A_1272 = arith.muli %scan3A_18, %mul3A_1271 : i32
        %add3A_1273 = arith.constant 10 : i32
        %add3A_1274 = arith.addi %mul3A_1272, %add3A_1273 : i32
        %get3A_1275 = arith.index_cast %add3A_1274 : i32 to index
        %get3A_1276 = arith.constant 128 : index
        %get3A_1277 = tpu.vector_load %arg6[%get3A_1275, %get3A_1276] {strides = array<i32>} : memref<128x256xf32, #tpu.memory_space<vmem>>, vector<1x16xf32>,
        %get3A_1278 = vector.shape_cast %get3A_1277 : vector<1x16xf32> to vector<16xf32>
        %max3A_1279 = arith.maximumf %max3A_1270, %get3A_1278 : vector<16xf32>
        %mul3A_1280 = arith.constant 16 : i32
        %mul3A_1281 = arith.muli %scan3A_18, %mul3A_1280 : i32
        %add3A_1282 = arith.constant 11 : i32
        %add3A_1283 = arith.addi %mul3A_1281, %add3A_1282 : i32
        %get3A_1284 = arith.index_cast %add3A_1283 : i32 to index
        %get3A_1285 = arith.constant 128 : index
        %get3A_1286 = tpu.vector_load %arg6[%get3A_1284, %get3A_1285] {strides = array<i32>} : memref<128x256xf32, #tpu.memory_space<vmem>>, vector<1x16xf32>,
        %get3A_1287 = vector.shape_cast %get3A_1286 : vector<1x16xf32> to vector<16xf32>
        %max3A_1288 = arith.maximumf %max3A_1279, %get3A_1287 : vector<16xf32>
        %mul3A_1289 = arith.constant 16 : i32
        %mul3A_1290 = arith.muli %scan3A_18, %mul3A_1289 : i32
        %add3A_1291 = arith.constant 12 : i32
        %add3A_1292 = arith.addi %mul3A_1290, %add3A_1291 : i32
        %get3A_1293 = arith.index_cast %add3A_1292 : i32 to index
        %get3A_1294 = arith.constant 128 : index
        %get3A_1295 = tpu.vector_load %arg6[%get3A_1293, %get3A_1294] {strides = array<i32>} : memref<128x256xf32, #tpu.memory_space<vmem>>, vector<1x16xf32>,
        %get3A_1296 = vector.shape_cast %get3A_1295 : vector<1x16xf32> to vector<16xf32>
        %max3A_1297 = arith.maximumf %max3A_1288, %get3A_1296 : vector<16xf32>
        %mul3A_1298 = arith.constant 16 : i32
        %mul3A_1299 = arith.muli %scan3A_18, %mul3A_1298 : i32
        %add3A_1300 = arith.constant 13 : i32
        %add3A_1301 = arith.addi %mul3A_1299, %add3A_1300 : i32
        %get3A_1302 = arith.index_cast %add3A_1301 : i32 to index
        %get3A_1303 = arith.constant 128 : index
        %get3A_1304 = tpu.vector_load %arg6[%get3A_1302, %get3A_1303] {strides = array<i32>} : memref<128x256xf32, #tpu.memory_space<vmem>>, vector<1x16xf32>,
        %get3A_1305 = vector.shape_cast %get3A_1304 : vector<1x16xf32> to vector<16xf32>
        %max3A_1306 = arith.maximumf %max3A_1297, %get3A_1305 : vector<16xf32>
        %mul3A_1307 = arith.constant 16 : i32
        %mul3A_1308 = arith.muli %scan3A_18, %mul3A_1307 : i32
        %add3A_1309 = arith.constant 14 : i32
        %add3A_1310 = arith.addi %mul3A_1308, %add3A_1309 : i32
        %get3A_1311 = arith.index_cast %add3A_1310 : i32 to index
        %get3A_1312 = arith.constant 128 : index
        %get3A_1313 = tpu.vector_load %arg6[%get3A_1311, %get3A_1312] {strides = array<i32>} : memref<128x256xf32, #tpu.memory_space<vmem>>, vector<1x16xf32>,
        %get3A_1314 = vector.shape_cast %get3A_1313 : vector<1x16xf32> to vector<16xf32>
        %max3A_1315 = arith.maximumf %max3A_1306, %get3A_1314 : vector<16xf32>
        %mul3A_1316 = arith.constant 16 : i32
        %mul3A_1317 = arith.muli %scan3A_18, %mul3A_1316 : i32
        %add3A_1318 = arith.constant 15 : i32
        %add3A_1319 = arith.addi %mul3A_1317, %add3A_1318 : i32
        %get3A_1320 = arith.index_cast %add3A_1319 : i32 to index
        %get3A_1321 = arith.constant 128 : index
        %get3A_1322 = tpu.vector_load %arg6[%get3A_1320, %get3A_1321] {strides = array<i32>} : memref<128x256xf32, #tpu.memory_space<vmem>>, vector<1x16xf32>,
        %get3A_1323 = vector.shape_cast %get3A_1322 : vector<1x16xf32> to vector<16xf32>
        %max3A_1324 = arith.maximumf %max3A_1315, %get3A_1323 : vector<16xf32>
        %swap3A_1325 = arith.index_cast %scan3A_18 : i32 to index
        %swap3A_1326 = arith.constant 128 : index
        %swap3A_1327 = tpu.vector_load %arg7[%swap3A_1325, %swap3A_1326] {strides = array<i32>} : memref<8x256xf32, #tpu.memory_space<vmem>>, vector<1x16xf32>,
        %swap3A_1328 = vector.shape_cast %swap3A_1327 : vector<1x16xf32> to vector<16xf32>
        %swap3A_1329 = vector.shape_cast %max3A_1324 : vector<16xf32> to vector<1x16xf32>
        tpu.vector_store %arg7[%swap3A_1325, %swap3A_1326], %swap3A_1329 {strides = array<i32>} : memref<8x256xf32, #tpu.memory_space<vmem>>, vector<1x16xf32>,
        %mul3A_1330 = arith.constant 16 : i32
        %mul3A_1331 = arith.muli %scan3A_18, %mul3A_1330 : i32
        %get3A_1332 = arith.index_cast %mul3A_1331 : i32 to index
        %get3A_1333 = arith.constant 144 : index
        %get3A_1334 = tpu.vector_load %arg6[%get3A_1332, %get3A_1333] {strides = array<i32>} : memref<128x256xf32, #tpu.memory_space<vmem>>, vector<1x16xf32>,
        %get3A_1335 = vector.shape_cast %get3A_1334 : vector<1x16xf32> to vector<16xf32>
        %mul3A_1336 = arith.constant 16 : i32
        %mul3A_1337 = arith.muli %scan3A_18, %mul3A_1336 : i32
        %add3A_1338 = arith.constant 1 : i32
        %add3A_1339 = arith.addi %mul3A_1337, %add3A_1338 : i32
        %get3A_1340 = arith.index_cast %add3A_1339 : i32 to index
        %get3A_1341 = arith.constant 144 : index
        %get3A_1342 = tpu.vector_load %arg6[%get3A_1340, %get3A_1341] {strides = array<i32>} : memref<128x256xf32, #tpu.memory_space<vmem>>, vector<1x16xf32>,
        %get3A_1343 = vector.shape_cast %get3A_1342 : vector<1x16xf32> to vector<16xf32>
        %max3A_1344 = arith.maximumf %get3A_1335, %get3A_1343 : vector<16xf32>
        %mul3A_1345 = arith.constant 16 : i32
        %mul3A_1346 = arith.muli %scan3A_18, %mul3A_1345 : i32
        %add3A_1347 = arith.constant 2 : i32
        %add3A_1348 = arith.addi %mul3A_1346, %add3A_1347 : i32
        %get3A_1349 = arith.index_cast %add3A_1348 : i32 to index
        %get3A_1350 = arith.constant 144 : index
        %get3A_1351 = tpu.vector_load %arg6[%get3A_1349, %get3A_1350] {strides = array<i32>} : memref<128x256xf32, #tpu.memory_space<vmem>>, vector<1x16xf32>,
        %get3A_1352 = vector.shape_cast %get3A_1351 : vector<1x16xf32> to vector<16xf32>
        %max3A_1353 = arith.maximumf %max3A_1344, %get3A_1352 : vector<16xf32>
        %mul3A_1354 = arith.constant 16 : i32
        %mul3A_1355 = arith.muli %scan3A_18, %mul3A_1354 : i32
        %add3A_1356 = arith.constant 3 : i32
        %add3A_1357 = arith.addi %mul3A_1355, %add3A_1356 : i32
        %get3A_1358 = arith.index_cast %add3A_1357 : i32 to index
        %get3A_1359 = arith.constant 144 : index
        %get3A_1360 = tpu.vector_load %arg6[%get3A_1358, %get3A_1359] {strides = array<i32>} : memref<128x256xf32, #tpu.memory_space<vmem>>, vector<1x16xf32>,
        %get3A_1361 = vector.shape_cast %get3A_1360 : vector<1x16xf32> to vector<16xf32>
        %max3A_1362 = arith.maximumf %max3A_1353, %get3A_1361 : vector<16xf32>
        %mul3A_1363 = arith.constant 16 : i32
        %mul3A_1364 = arith.muli %scan3A_18, %mul3A_1363 : i32
        %add3A_1365 = arith.constant 4 : i32
        %add3A_1366 = arith.addi %mul3A_1364, %add3A_1365 : i32
        %get3A_1367 = arith.index_cast %add3A_1366 : i32 to index
        %get3A_1368 = arith.constant 144 : index
        %get3A_1369 = tpu.vector_load %arg6[%get3A_1367, %get3A_1368] {strides = array<i32>} : memref<128x256xf32, #tpu.memory_space<vmem>>, vector<1x16xf32>,
        %get3A_1370 = vector.shape_cast %get3A_1369 : vector<1x16xf32> to vector<16xf32>
        %max3A_1371 = arith.maximumf %max3A_1362, %get3A_1370 : vector<16xf32>
        %mul3A_1372 = arith.constant 16 : i32
        %mul3A_1373 = arith.muli %scan3A_18, %mul3A_1372 : i32
        %add3A_1374 = arith.constant 5 : i32
        %add3A_1375 = arith.addi %mul3A_1373, %add3A_1374 : i32
        %get3A_1376 = arith.index_cast %add3A_1375 : i32 to index
        %get3A_1377 = arith.constant 144 : index
        %get3A_1378 = tpu.vector_load %arg6[%get3A_1376, %get3A_1377] {strides = array<i32>} : memref<128x256xf32, #tpu.memory_space<vmem>>, vector<1x16xf32>,
        %get3A_1379 = vector.shape_cast %get3A_1378 : vector<1x16xf32> to vector<16xf32>
        %max3A_1380 = arith.maximumf %max3A_1371, %get3A_1379 : vector<16xf32>
        %mul3A_1381 = arith.constant 16 : i32
        %mul3A_1382 = arith.muli %scan3A_18, %mul3A_1381 : i32
        %add3A_1383 = arith.constant 6 : i32
        %add3A_1384 = arith.addi %mul3A_1382, %add3A_1383 : i32
        %get3A_1385 = arith.index_cast %add3A_1384 : i32 to index
        %get3A_1386 = arith.constant 144 : index
        %get3A_1387 = tpu.vector_load %arg6[%get3A_1385, %get3A_1386] {strides = array<i32>} : memref<128x256xf32, #tpu.memory_space<vmem>>, vector<1x16xf32>,
        %get3A_1388 = vector.shape_cast %get3A_1387 : vector<1x16xf32> to vector<16xf32>
        %max3A_1389 = arith.maximumf %max3A_1380, %get3A_1388 : vector<16xf32>
        %mul3A_1390 = arith.constant 16 : i32
        %mul3A_1391 = arith.muli %scan3A_18, %mul3A_1390 : i32
        %add3A_1392 = arith.constant 7 : i32
        %add3A_1393 = arith.addi %mul3A_1391, %add3A_1392 : i32
        %get3A_1394 = arith.index_cast %add3A_1393 : i32 to index
        %get3A_1395 = arith.constant 144 : index
        %get3A_1396 = tpu.vector_load %arg6[%get3A_1394, %get3A_1395] {strides = array<i32>} : memref<128x256xf32, #tpu.memory_space<vmem>>, vector<1x16xf32>,
        %get3A_1397 = vector.shape_cast %get3A_1396 : vector<1x16xf32> to vector<16xf32>
        %max3A_1398 = arith.maximumf %max3A_1389, %get3A_1397 : vector<16xf32>
        %mul3A_1399 = arith.constant 16 : i32
        %mul3A_1400 = arith.muli %scan3A_18, %mul3A_1399 : i32
        %add3A_1401 = arith.constant 8 : i32
        %add3A_1402 = arith.addi %mul3A_1400, %add3A_1401 : i32
        %get3A_1403 = arith.index_cast %add3A_1402 : i32 to index
        %get3A_1404 = arith.constant 144 : index
        %get3A_1405 = tpu.vector_load %arg6[%get3A_1403, %get3A_1404] {strides = array<i32>} : memref<128x256xf32, #tpu.memory_space<vmem>>, vector<1x16xf32>,
        %get3A_1406 = vector.shape_cast %get3A_1405 : vector<1x16xf32> to vector<16xf32>
        %max3A_1407 = arith.maximumf %max3A_1398, %get3A_1406 : vector<16xf32>
        %mul3A_1408 = arith.constant 16 : i32
        %mul3A_1409 = arith.muli %scan3A_18, %mul3A_1408 : i32
        %add3A_1410 = arith.constant 9 : i32
        %add3A_1411 = arith.addi %mul3A_1409, %add3A_1410 : i32
        %get3A_1412 = arith.index_cast %add3A_1411 : i32 to index
        %get3A_1413 = arith.constant 144 : index
        %get3A_1414 = tpu.vector_load %arg6[%get3A_1412, %get3A_1413] {strides = array<i32>} : memref<128x256xf32, #tpu.memory_space<vmem>>, vector<1x16xf32>,
        %get3A_1415 = vector.shape_cast %get3A_1414 : vector<1x16xf32> to vector<16xf32>
        %max3A_1416 = arith.maximumf %max3A_1407, %get3A_1415 : vector<16xf32>
        %mul3A_1417 = arith.constant 16 : i32
        %mul3A_1418 = arith.muli %scan3A_18, %mul3A_1417 : i32
        %add3A_1419 = arith.constant 10 : i32
        %add3A_1420 = arith.addi %mul3A_1418, %add3A_1419 : i32
        %get3A_1421 = arith.index_cast %add3A_1420 : i32 to index
        %get3A_1422 = arith.constant 144 : index
        %get3A_1423 = tpu.vector_load %arg6[%get3A_1421, %get3A_1422] {strides = array<i32>} : memref<128x256xf32, #tpu.memory_space<vmem>>, vector<1x16xf32>,
        %get3A_1424 = vector.shape_cast %get3A_1423 : vector<1x16xf32> to vector<16xf32>
        %max3A_1425 = arith.maximumf %max3A_1416, %get3A_1424 : vector<16xf32>
        %mul3A_1426 = arith.constant 16 : i32
        %mul3A_1427 = arith.muli %scan3A_18, %mul3A_1426 : i32
        %add3A_1428 = arith.constant 11 : i32
        %add3A_1429 = arith.addi %mul3A_1427, %add3A_1428 : i32
        %get3A_1430 = arith.index_cast %add3A_1429 : i32 to index
        %get3A_1431 = arith.constant 144 : index
        %get3A_1432 = tpu.vector_load %arg6[%get3A_1430, %get3A_1431] {strides = array<i32>} : memref<128x256xf32, #tpu.memory_space<vmem>>, vector<1x16xf32>,
        %get3A_1433 = vector.shape_cast %get3A_1432 : vector<1x16xf32> to vector<16xf32>
        %max3A_1434 = arith.maximumf %max3A_1425, %get3A_1433 : vector<16xf32>
        %mul3A_1435 = arith.constant 16 : i32
        %mul3A_1436 = arith.muli %scan3A_18, %mul3A_1435 : i32
        %add3A_1437 = arith.constant 12 : i32
        %add3A_1438 = arith.addi %mul3A_1436, %add3A_1437 : i32
        %get3A_1439 = arith.index_cast %add3A_1438 : i32 to index
        %get3A_1440 = arith.constant 144 : index
        %get3A_1441 = tpu.vector_load %arg6[%get3A_1439, %get3A_1440] {strides = array<i32>} : memref<128x256xf32, #tpu.memory_space<vmem>>, vector<1x16xf32>,
        %get3A_1442 = vector.shape_cast %get3A_1441 : vector<1x16xf32> to vector<16xf32>
        %max3A_1443 = arith.maximumf %max3A_1434, %get3A_1442 : vector<16xf32>
        %mul3A_1444 = arith.constant 16 : i32
        %mul3A_1445 = arith.muli %scan3A_18, %mul3A_1444 : i32
        %add3A_1446 = arith.constant 13 : i32
        %add3A_1447 = arith.addi %mul3A_1445, %add3A_1446 : i32
        %get3A_1448 = arith.index_cast %add3A_1447 : i32 to index
        %get3A_1449 = arith.constant 144 : index
        %get3A_1450 = tpu.vector_load %arg6[%get3A_1448, %get3A_1449] {strides = array<i32>} : memref<128x256xf32, #tpu.memory_space<vmem>>, vector<1x16xf32>,
        %get3A_1451 = vector.shape_cast %get3A_1450 : vector<1x16xf32> to vector<16xf32>
        %max3A_1452 = arith.maximumf %max3A_1443, %get3A_1451 : vector<16xf32>
        %mul3A_1453 = arith.constant 16 : i32
        %mul3A_1454 = arith.muli %scan3A_18, %mul3A_1453 : i32
        %add3A_1455 = arith.constant 14 : i32
        %add3A_1456 = arith.addi %mul3A_1454, %add3A_1455 : i32
        %get3A_1457 = arith.index_cast %add3A_1456 : i32 to index
        %get3A_1458 = arith.constant 144 : index
        %get3A_1459 = tpu.vector_load %arg6[%get3A_1457, %get3A_1458] {strides = array<i32>} : memref<128x256xf32, #tpu.memory_space<vmem>>, vector<1x16xf32>,
        %get3A_1460 = vector.shape_cast %get3A_1459 : vector<1x16xf32> to vector<16xf32>
        %max3A_1461 = arith.maximumf %max3A_1452, %get3A_1460 : vector<16xf32>
        %mul3A_1462 = arith.constant 16 : i32
        %mul3A_1463 = arith.muli %scan3A_18, %mul3A_1462 : i32
        %add3A_1464 = arith.constant 15 : i32
        %add3A_1465 = arith.addi %mul3A_1463, %add3A_1464 : i32
        %get3A_1466 = arith.index_cast %add3A_1465 : i32 to index
        %get3A_1467 = arith.constant 144 : index
        %get3A_1468 = tpu.vector_load %arg6[%get3A_1466, %get3A_1467] {strides = array<i32>} : memref<128x256xf32, #tpu.memory_space<vmem>>, vector<1x16xf32>,
        %get3A_1469 = vector.shape_cast %get3A_1468 : vector<1x16xf32> to vector<16xf32>
        %max3A_1470 = arith.maximumf %max3A_1461, %get3A_1469 : vector<16xf32>
        %swap3A_1471 = arith.index_cast %scan3A_18 : i32 to index
        %swap3A_1472 = arith.constant 144 : index
        %swap3A_1473 = tpu.vector_load %arg7[%swap3A_1471, %swap3A_1472] {strides = array<i32>} : memref<8x256xf32, #tpu.memory_space<vmem>>, vector<1x16xf32>,
        %swap3A_1474 = vector.shape_cast %swap3A_1473 : vector<1x16xf32> to vector<16xf32>
        %swap3A_1475 = vector.shape_cast %max3A_1470 : vector<16xf32> to vector<1x16xf32>
        tpu.vector_store %arg7[%swap3A_1471, %swap3A_1472], %swap3A_1475 {strides = array<i32>} : memref<8x256xf32, #tpu.memory_space<vmem>>, vector<1x16xf32>,
        %mul3A_1476 = arith.constant 16 : i32
        %mul3A_1477 = arith.muli %scan3A_18, %mul3A_1476 : i32
        %get3A_1478 = arith.index_cast %mul3A_1477 : i32 to index
        %get3A_1479 = arith.constant 160 : index
        %get3A_1480 = tpu.vector_load %arg6[%get3A_1478, %get3A_1479] {strides = array<i32>} : memref<128x256xf32, #tpu.memory_space<vmem>>, vector<1x16xf32>,
        %get3A_1481 = vector.shape_cast %get3A_1480 : vector<1x16xf32> to vector<16xf32>
        %mul3A_1482 = arith.constant 16 : i32
        %mul3A_1483 = arith.muli %scan3A_18, %mul3A_1482 : i32
        %add3A_1484 = arith.constant 1 : i32
        %add3A_1485 = arith.addi %mul3A_1483, %add3A_1484 : i32
        %get3A_1486 = arith.index_cast %add3A_1485 : i32 to index
        %get3A_1487 = arith.constant 160 : index
        %get3A_1488 = tpu.vector_load %arg6[%get3A_1486, %get3A_1487] {strides = array<i32>} : memref<128x256xf32, #tpu.memory_space<vmem>>, vector<1x16xf32>,
        %get3A_1489 = vector.shape_cast %get3A_1488 : vector<1x16xf32> to vector<16xf32>
        %max3A_1490 = arith.maximumf %get3A_1481, %get3A_1489 : vector<16xf32>
        %mul3A_1491 = arith.constant 16 : i32
        %mul3A_1492 = arith.muli %scan3A_18, %mul3A_1491 : i32
        %add3A_1493 = arith.constant 2 : i32
        %add3A_1494 = arith.addi %mul3A_1492, %add3A_1493 : i32
        %get3A_1495 = arith.index_cast %add3A_1494 : i32 to index
        %get3A_1496 = arith.constant 160 : index
        %get3A_1497 = tpu.vector_load %arg6[%get3A_1495, %get3A_1496] {strides = array<i32>} : memref<128x256xf32, #tpu.memory_space<vmem>>, vector<1x16xf32>,
        %get3A_1498 = vector.shape_cast %get3A_1497 : vector<1x16xf32> to vector<16xf32>
        %max3A_1499 = arith.maximumf %max3A_1490, %get3A_1498 : vector<16xf32>
        %mul3A_1500 = arith.constant 16 : i32
        %mul3A_1501 = arith.muli %scan3A_18, %mul3A_1500 : i32
        %add3A_1502 = arith.constant 3 : i32
        %add3A_1503 = arith.addi %mul3A_1501, %add3A_1502 : i32
        %get3A_1504 = arith.index_cast %add3A_1503 : i32 to index
        %get3A_1505 = arith.constant 160 : index
        %get3A_1506 = tpu.vector_load %arg6[%get3A_1504, %get3A_1505] {strides = array<i32>} : memref<128x256xf32, #tpu.memory_space<vmem>>, vector<1x16xf32>,
        %get3A_1507 = vector.shape_cast %get3A_1506 : vector<1x16xf32> to vector<16xf32>
        %max3A_1508 = arith.maximumf %max3A_1499, %get3A_1507 : vector<16xf32>
        %mul3A_1509 = arith.constant 16 : i32
        %mul3A_1510 = arith.muli %scan3A_18, %mul3A_1509 : i32
        %add3A_1511 = arith.constant 4 : i32
        %add3A_1512 = arith.addi %mul3A_1510, %add3A_1511 : i32
        %get3A_1513 = arith.index_cast %add3A_1512 : i32 to index
        %get3A_1514 = arith.constant 160 : index
        %get3A_1515 = tpu.vector_load %arg6[%get3A_1513, %get3A_1514] {strides = array<i32>} : memref<128x256xf32, #tpu.memory_space<vmem>>, vector<1x16xf32>,
        %get3A_1516 = vector.shape_cast %get3A_1515 : vector<1x16xf32> to vector<16xf32>
        %max3A_1517 = arith.maximumf %max3A_1508, %get3A_1516 : vector<16xf32>
        %mul3A_1518 = arith.constant 16 : i32
        %mul3A_1519 = arith.muli %scan3A_18, %mul3A_1518 : i32
        %add3A_1520 = arith.constant 5 : i32
        %add3A_1521 = arith.addi %mul3A_1519, %add3A_1520 : i32
        %get3A_1522 = arith.index_cast %add3A_1521 : i32 to index
        %get3A_1523 = arith.constant 160 : index
        %get3A_1524 = tpu.vector_load %arg6[%get3A_1522, %get3A_1523] {strides = array<i32>} : memref<128x256xf32, #tpu.memory_space<vmem>>, vector<1x16xf32>,
        %get3A_1525 = vector.shape_cast %get3A_1524 : vector<1x16xf32> to vector<16xf32>
        %max3A_1526 = arith.maximumf %max3A_1517, %get3A_1525 : vector<16xf32>
        %mul3A_1527 = arith.constant 16 : i32
        %mul3A_1528 = arith.muli %scan3A_18, %mul3A_1527 : i32
        %add3A_1529 = arith.constant 6 : i32
        %add3A_1530 = arith.addi %mul3A_1528, %add3A_1529 : i32
        %get3A_1531 = arith.index_cast %add3A_1530 : i32 to index
        %get3A_1532 = arith.constant 160 : index
        %get3A_1533 = tpu.vector_load %arg6[%get3A_1531, %get3A_1532] {strides = array<i32>} : memref<128x256xf32, #tpu.memory_space<vmem>>, vector<1x16xf32>,
        %get3A_1534 = vector.shape_cast %get3A_1533 : vector<1x16xf32> to vector<16xf32>
        %max3A_1535 = arith.maximumf %max3A_1526, %get3A_1534 : vector<16xf32>
        %mul3A_1536 = arith.constant 16 : i32
        %mul3A_1537 = arith.muli %scan3A_18, %mul3A_1536 : i32
        %add3A_1538 = arith.constant 7 : i32
        %add3A_1539 = arith.addi %mul3A_1537, %add3A_1538 : i32
        %get3A_1540 = arith.index_cast %add3A_1539 : i32 to index
        %get3A_1541 = arith.constant 160 : index
        %get3A_1542 = tpu.vector_load %arg6[%get3A_1540, %get3A_1541] {strides = array<i32>} : memref<128x256xf32, #tpu.memory_space<vmem>>, vector<1x16xf32>,
        %get3A_1543 = vector.shape_cast %get3A_1542 : vector<1x16xf32> to vector<16xf32>
        %max3A_1544 = arith.maximumf %max3A_1535, %get3A_1543 : vector<16xf32>
        %mul3A_1545 = arith.constant 16 : i32
        %mul3A_1546 = arith.muli %scan3A_18, %mul3A_1545 : i32
        %add3A_1547 = arith.constant 8 : i32
        %add3A_1548 = arith.addi %mul3A_1546, %add3A_1547 : i32
        %get3A_1549 = arith.index_cast %add3A_1548 : i32 to index
        %get3A_1550 = arith.constant 160 : index
        %get3A_1551 = tpu.vector_load %arg6[%get3A_1549, %get3A_1550] {strides = array<i32>} : memref<128x256xf32, #tpu.memory_space<vmem>>, vector<1x16xf32>,
        %get3A_1552 = vector.shape_cast %get3A_1551 : vector<1x16xf32> to vector<16xf32>
        %max3A_1553 = arith.maximumf %max3A_1544, %get3A_1552 : vector<16xf32>
        %mul3A_1554 = arith.constant 16 : i32
        %mul3A_1555 = arith.muli %scan3A_18, %mul3A_1554 : i32
        %add3A_1556 = arith.constant 9 : i32
        %add3A_1557 = arith.addi %mul3A_1555, %add3A_1556 : i32
        %get3A_1558 = arith.index_cast %add3A_1557 : i32 to index
        %get3A_1559 = arith.constant 160 : index
        %get3A_1560 = tpu.vector_load %arg6[%get3A_1558, %get3A_1559] {strides = array<i32>} : memref<128x256xf32, #tpu.memory_space<vmem>>, vector<1x16xf32>,
        %get3A_1561 = vector.shape_cast %get3A_1560 : vector<1x16xf32> to vector<16xf32>
        %max3A_1562 = arith.maximumf %max3A_1553, %get3A_1561 : vector<16xf32>
        %mul3A_1563 = arith.constant 16 : i32
        %mul3A_1564 = arith.muli %scan3A_18, %mul3A_1563 : i32
        %add3A_1565 = arith.constant 10 : i32
        %add3A_1566 = arith.addi %mul3A_1564, %add3A_1565 : i32
        %get3A_1567 = arith.index_cast %add3A_1566 : i32 to index
        %get3A_1568 = arith.constant 160 : index
        %get3A_1569 = tpu.vector_load %arg6[%get3A_1567, %get3A_1568] {strides = array<i32>} : memref<128x256xf32, #tpu.memory_space<vmem>>, vector<1x16xf32>,
        %get3A_1570 = vector.shape_cast %get3A_1569 : vector<1x16xf32> to vector<16xf32>
        %max3A_1571 = arith.maximumf %max3A_1562, %get3A_1570 : vector<16xf32>
        %mul3A_1572 = arith.constant 16 : i32
        %mul3A_1573 = arith.muli %scan3A_18, %mul3A_1572 : i32
        %add3A_1574 = arith.constant 11 : i32
        %add3A_1575 = arith.addi %mul3A_1573, %add3A_1574 : i32
        %get3A_1576 = arith.index_cast %add3A_1575 : i32 to index
        %get3A_1577 = arith.constant 160 : index
        %get3A_1578 = tpu.vector_load %arg6[%get3A_1576, %get3A_1577] {strides = array<i32>} : memref<128x256xf32, #tpu.memory_space<vmem>>, vector<1x16xf32>,
        %get3A_1579 = vector.shape_cast %get3A_1578 : vector<1x16xf32> to vector<16xf32>
        %max3A_1580 = arith.maximumf %max3A_1571, %get3A_1579 : vector<16xf32>
        %mul3A_1581 = arith.constant 16 : i32
        %mul3A_1582 = arith.muli %scan3A_18, %mul3A_1581 : i32
        %add3A_1583 = arith.constant 12 : i32
        %add3A_1584 = arith.addi %mul3A_1582, %add3A_1583 : i32
        %get3A_1585 = arith.index_cast %add3A_1584 : i32 to index
        %get3A_1586 = arith.constant 160 : index
        %get3A_1587 = tpu.vector_load %arg6[%get3A_1585, %get3A_1586] {strides = array<i32>} : memref<128x256xf32, #tpu.memory_space<vmem>>, vector<1x16xf32>,
        %get3A_1588 = vector.shape_cast %get3A_1587 : vector<1x16xf32> to vector<16xf32>
        %max3A_1589 = arith.maximumf %max3A_1580, %get3A_1588 : vector<16xf32>
        %mul3A_1590 = arith.constant 16 : i32
        %mul3A_1591 = arith.muli %scan3A_18, %mul3A_1590 : i32
        %add3A_1592 = arith.constant 13 : i32
        %add3A_1593 = arith.addi %mul3A_1591, %add3A_1592 : i32
        %get3A_1594 = arith.index_cast %add3A_1593 : i32 to index
        %get3A_1595 = arith.constant 160 : index
        %get3A_1596 = tpu.vector_load %arg6[%get3A_1594, %get3A_1595] {strides = array<i32>} : memref<128x256xf32, #tpu.memory_space<vmem>>, vector<1x16xf32>,
        %get3A_1597 = vector.shape_cast %get3A_1596 : vector<1x16xf32> to vector<16xf32>
        %max3A_1598 = arith.maximumf %max3A_1589, %get3A_1597 : vector<16xf32>
        %mul3A_1599 = arith.constant 16 : i32
        %mul3A_1600 = arith.muli %scan3A_18, %mul3A_1599 : i32
        %add3A_1601 = arith.constant 14 : i32
        %add3A_1602 = arith.addi %mul3A_1600, %add3A_1601 : i32
        %get3A_1603 = arith.index_cast %add3A_1602 : i32 to index
        %get3A_1604 = arith.constant 160 : index
        %get3A_1605 = tpu.vector_load %arg6[%get3A_1603, %get3A_1604] {strides = array<i32>} : memref<128x256xf32, #tpu.memory_space<vmem>>, vector<1x16xf32>,
        %get3A_1606 = vector.shape_cast %get3A_1605 : vector<1x16xf32> to vector<16xf32>
        %max3A_1607 = arith.maximumf %max3A_1598, %get3A_1606 : vector<16xf32>
        %mul3A_1608 = arith.constant 16 : i32
        %mul3A_1609 = arith.muli %scan3A_18, %mul3A_1608 : i32
        %add3A_1610 = arith.constant 15 : i32
        %add3A_1611 = arith.addi %mul3A_1609, %add3A_1610 : i32
        %get3A_1612 = arith.index_cast %add3A_1611 : i32 to index
        %get3A_1613 = arith.constant 160 : index
        %get3A_1614 = tpu.vector_load %arg6[%get3A_1612, %get3A_1613] {strides = array<i32>} : memref<128x256xf32, #tpu.memory_space<vmem>>, vector<1x16xf32>,
        %get3A_1615 = vector.shape_cast %get3A_1614 : vector<1x16xf32> to vector<16xf32>
        %max3A_1616 = arith.maximumf %max3A_1607, %get3A_1615 : vector<16xf32>
        %swap3A_1617 = arith.index_cast %scan3A_18 : i32 to index
        %swap3A_1618 = arith.constant 160 : index
        %swap3A_1619 = tpu.vector_load %arg7[%swap3A_1617, %swap3A_1618] {strides = array<i32>} : memref<8x256xf32, #tpu.memory_space<vmem>>, vector<1x16xf32>,
        %swap3A_1620 = vector.shape_cast %swap3A_1619 : vector<1x16xf32> to vector<16xf32>
        %swap3A_1621 = vector.shape_cast %max3A_1616 : vector<16xf32> to vector<1x16xf32>
        tpu.vector_store %arg7[%swap3A_1617, %swap3A_1618], %swap3A_1621 {strides = array<i32>} : memref<8x256xf32, #tpu.memory_space<vmem>>, vector<1x16xf32>,
        %mul3A_1622 = arith.constant 16 : i32
        %mul3A_1623 = arith.muli %scan3A_18, %mul3A_1622 : i32
        %get3A_1624 = arith.index_cast %mul3A_1623 : i32 to index
        %get3A_1625 = arith.constant 176 : index
        %get3A_1626 = tpu.vector_load %arg6[%get3A_1624, %get3A_1625] {strides = array<i32>} : memref<128x256xf32, #tpu.memory_space<vmem>>, vector<1x16xf32>,
        %get3A_1627 = vector.shape_cast %get3A_1626 : vector<1x16xf32> to vector<16xf32>
        %mul3A_1628 = arith.constant 16 : i32
        %mul3A_1629 = arith.muli %scan3A_18, %mul3A_1628 : i32
        %add3A_1630 = arith.constant 1 : i32
        %add3A_1631 = arith.addi %mul3A_1629, %add3A_1630 : i32
        %get3A_1632 = arith.index_cast %add3A_1631 : i32 to index
        %get3A_1633 = arith.constant 176 : index
        %get3A_1634 = tpu.vector_load %arg6[%get3A_1632, %get3A_1633] {strides = array<i32>} : memref<128x256xf32, #tpu.memory_space<vmem>>, vector<1x16xf32>,
        %get3A_1635 = vector.shape_cast %get3A_1634 : vector<1x16xf32> to vector<16xf32>
        %max3A_1636 = arith.maximumf %get3A_1627, %get3A_1635 : vector<16xf32>
        %mul3A_1637 = arith.constant 16 : i32
        %mul3A_1638 = arith.muli %scan3A_18, %mul3A_1637 : i32
        %add3A_1639 = arith.constant 2 : i32
        %add3A_1640 = arith.addi %mul3A_1638, %add3A_1639 : i32
        %get3A_1641 = arith.index_cast %add3A_1640 : i32 to index
        %get3A_1642 = arith.constant 176 : index
        %get3A_1643 = tpu.vector_load %arg6[%get3A_1641, %get3A_1642] {strides = array<i32>} : memref<128x256xf32, #tpu.memory_space<vmem>>, vector<1x16xf32>,
        %get3A_1644 = vector.shape_cast %get3A_1643 : vector<1x16xf32> to vector<16xf32>
        %max3A_1645 = arith.maximumf %max3A_1636, %get3A_1644 : vector<16xf32>
        %mul3A_1646 = arith.constant 16 : i32
        %mul3A_1647 = arith.muli %scan3A_18, %mul3A_1646 : i32
        %add3A_1648 = arith.constant 3 : i32
        %add3A_1649 = arith.addi %mul3A_1647, %add3A_1648 : i32
        %get3A_1650 = arith.index_cast %add3A_1649 : i32 to index
        %get3A_1651 = arith.constant 176 : index
        %get3A_1652 = tpu.vector_load %arg6[%get3A_1650, %get3A_1651] {strides = array<i32>} : memref<128x256xf32, #tpu.memory_space<vmem>>, vector<1x16xf32>,
        %get3A_1653 = vector.shape_cast %get3A_1652 : vector<1x16xf32> to vector<16xf32>
        %max3A_1654 = arith.maximumf %max3A_1645, %get3A_1653 : vector<16xf32>
        %mul3A_1655 = arith.constant 16 : i32
        %mul3A_1656 = arith.muli %scan3A_18, %mul3A_1655 : i32
        %add3A_1657 = arith.constant 4 : i32
        %add3A_1658 = arith.addi %mul3A_1656, %add3A_1657 : i32
        %get3A_1659 = arith.index_cast %add3A_1658 : i32 to index
        %get3A_1660 = arith.constant 176 : index
        %get3A_1661 = tpu.vector_load %arg6[%get3A_1659, %get3A_1660] {strides = array<i32>} : memref<128x256xf32, #tpu.memory_space<vmem>>, vector<1x16xf32>,
        %get3A_1662 = vector.shape_cast %get3A_1661 : vector<1x16xf32> to vector<16xf32>
        %max3A_1663 = arith.maximumf %max3A_1654, %get3A_1662 : vector<16xf32>
        %mul3A_1664 = arith.constant 16 : i32
        %mul3A_1665 = arith.muli %scan3A_18, %mul3A_1664 : i32
        %add3A_1666 = arith.constant 5 : i32
        %add3A_1667 = arith.addi %mul3A_1665, %add3A_1666 : i32
        %get3A_1668 = arith.index_cast %add3A_1667 : i32 to index
        %get3A_1669 = arith.constant 176 : index
        %get3A_1670 = tpu.vector_load %arg6[%get3A_1668, %get3A_1669] {strides = array<i32>} : memref<128x256xf32, #tpu.memory_space<vmem>>, vector<1x16xf32>,
        %get3A_1671 = vector.shape_cast %get3A_1670 : vector<1x16xf32> to vector<16xf32>
        %max3A_1672 = arith.maximumf %max3A_1663, %get3A_1671 : vector<16xf32>
        %mul3A_1673 = arith.constant 16 : i32
        %mul3A_1674 = arith.muli %scan3A_18, %mul3A_1673 : i32
        %add3A_1675 = arith.constant 6 : i32
        %add3A_1676 = arith.addi %mul3A_1674, %add3A_1675 : i32
        %get3A_1677 = arith.index_cast %add3A_1676 : i32 to index
        %get3A_1678 = arith.constant 176 : index
        %get3A_1679 = tpu.vector_load %arg6[%get3A_1677, %get3A_1678] {strides = array<i32>} : memref<128x256xf32, #tpu.memory_space<vmem>>, vector<1x16xf32>,
        %get3A_1680 = vector.shape_cast %get3A_1679 : vector<1x16xf32> to vector<16xf32>
        %max3A_1681 = arith.maximumf %max3A_1672, %get3A_1680 : vector<16xf32>
        %mul3A_1682 = arith.constant 16 : i32
        %mul3A_1683 = arith.muli %scan3A_18, %mul3A_1682 : i32
        %add3A_1684 = arith.constant 7 : i32
        %add3A_1685 = arith.addi %mul3A_1683, %add3A_1684 : i32
        %get3A_1686 = arith.index_cast %add3A_1685 : i32 to index
        %get3A_1687 = arith.constant 176 : index
        %get3A_1688 = tpu.vector_load %arg6[%get3A_1686, %get3A_1687] {strides = array<i32>} : memref<128x256xf32, #tpu.memory_space<vmem>>, vector<1x16xf32>,
        %get3A_1689 = vector.shape_cast %get3A_1688 : vector<1x16xf32> to vector<16xf32>
        %max3A_1690 = arith.maximumf %max3A_1681, %get3A_1689 : vector<16xf32>
        %mul3A_1691 = arith.constant 16 : i32
        %mul3A_1692 = arith.muli %scan3A_18, %mul3A_1691 : i32
        %add3A_1693 = arith.constant 8 : i32
        %add3A_1694 = arith.addi %mul3A_1692, %add3A_1693 : i32
        %get3A_1695 = arith.index_cast %add3A_1694 : i32 to index
        %get3A_1696 = arith.constant 176 : index
        %get3A_1697 = tpu.vector_load %arg6[%get3A_1695, %get3A_1696] {strides = array<i32>} : memref<128x256xf32, #tpu.memory_space<vmem>>, vector<1x16xf32>,
        %get3A_1698 = vector.shape_cast %get3A_1697 : vector<1x16xf32> to vector<16xf32>
        %max3A_1699 = arith.maximumf %max3A_1690, %get3A_1698 : vector<16xf32>
        %mul3A_1700 = arith.constant 16 : i32
        %mul3A_1701 = arith.muli %scan3A_18, %mul3A_1700 : i32
        %add3A_1702 = arith.constant 9 : i32
        %add3A_1703 = arith.addi %mul3A_1701, %add3A_1702 : i32
        %get3A_1704 = arith.index_cast %add3A_1703 : i32 to index
        %get3A_1705 = arith.constant 176 : index
        %get3A_1706 = tpu.vector_load %arg6[%get3A_1704, %get3A_1705] {strides = array<i32>} : memref<128x256xf32, #tpu.memory_space<vmem>>, vector<1x16xf32>,
        %get3A_1707 = vector.shape_cast %get3A_1706 : vector<1x16xf32> to vector<16xf32>
        %max3A_1708 = arith.maximumf %max3A_1699, %get3A_1707 : vector<16xf32>
        %mul3A_1709 = arith.constant 16 : i32
        %mul3A_1710 = arith.muli %scan3A_18, %mul3A_1709 : i32
        %add3A_1711 = arith.constant 10 : i32
        %add3A_1712 = arith.addi %mul3A_1710, %add3A_1711 : i32
        %get3A_1713 = arith.index_cast %add3A_1712 : i32 to index
        %get3A_1714 = arith.constant 176 : index
        %get3A_1715 = tpu.vector_load %arg6[%get3A_1713, %get3A_1714] {strides = array<i32>} : memref<128x256xf32, #tpu.memory_space<vmem>>, vector<1x16xf32>,
        %get3A_1716 = vector.shape_cast %get3A_1715 : vector<1x16xf32> to vector<16xf32>
        %max3A_1717 = arith.maximumf %max3A_1708, %get3A_1716 : vector<16xf32>
        %mul3A_1718 = arith.constant 16 : i32
        %mul3A_1719 = arith.muli %scan3A_18, %mul3A_1718 : i32
        %add3A_1720 = arith.constant 11 : i32
        %add3A_1721 = arith.addi %mul3A_1719, %add3A_1720 : i32
        %get3A_1722 = arith.index_cast %add3A_1721 : i32 to index
        %get3A_1723 = arith.constant 176 : index
        %get3A_1724 = tpu.vector_load %arg6[%get3A_1722, %get3A_1723] {strides = array<i32>} : memref<128x256xf32, #tpu.memory_space<vmem>>, vector<1x16xf32>,
        %get3A_1725 = vector.shape_cast %get3A_1724 : vector<1x16xf32> to vector<16xf32>
        %max3A_1726 = arith.maximumf %max3A_1717, %get3A_1725 : vector<16xf32>
        %mul3A_1727 = arith.constant 16 : i32
        %mul3A_1728 = arith.muli %scan3A_18, %mul3A_1727 : i32
        %add3A_1729 = arith.constant 12 : i32
        %add3A_1730 = arith.addi %mul3A_1728, %add3A_1729 : i32
        %get3A_1731 = arith.index_cast %add3A_1730 : i32 to index
        %get3A_1732 = arith.constant 176 : index
        %get3A_1733 = tpu.vector_load %arg6[%get3A_1731, %get3A_1732] {strides = array<i32>} : memref<128x256xf32, #tpu.memory_space<vmem>>, vector<1x16xf32>,
        %get3A_1734 = vector.shape_cast %get3A_1733 : vector<1x16xf32> to vector<16xf32>
        %max3A_1735 = arith.maximumf %max3A_1726, %get3A_1734 : vector<16xf32>
        %mul3A_1736 = arith.constant 16 : i32
        %mul3A_1737 = arith.muli %scan3A_18, %mul3A_1736 : i32
        %add3A_1738 = arith.constant 13 : i32
        %add3A_1739 = arith.addi %mul3A_1737, %add3A_1738 : i32
        %get3A_1740 = arith.index_cast %add3A_1739 : i32 to index
        %get3A_1741 = arith.constant 176 : index
        %get3A_1742 = tpu.vector_load %arg6[%get3A_1740, %get3A_1741] {strides = array<i32>} : memref<128x256xf32, #tpu.memory_space<vmem>>, vector<1x16xf32>,
        %get3A_1743 = vector.shape_cast %get3A_1742 : vector<1x16xf32> to vector<16xf32>
        %max3A_1744 = arith.maximumf %max3A_1735, %get3A_1743 : vector<16xf32>
        %mul3A_1745 = arith.constant 16 : i32
        %mul3A_1746 = arith.muli %scan3A_18, %mul3A_1745 : i32
        %add3A_1747 = arith.constant 14 : i32
        %add3A_1748 = arith.addi %mul3A_1746, %add3A_1747 : i32
        %get3A_1749 = arith.index_cast %add3A_1748 : i32 to index
        %get3A_1750 = arith.constant 176 : index
        %get3A_1751 = tpu.vector_load %arg6[%get3A_1749, %get3A_1750] {strides = array<i32>} : memref<128x256xf32, #tpu.memory_space<vmem>>, vector<1x16xf32>,
        %get3A_1752 = vector.shape_cast %get3A_1751 : vector<1x16xf32> to vector<16xf32>
        %max3A_1753 = arith.maximumf %max3A_1744, %get3A_1752 : vector<16xf32>
        %mul3A_1754 = arith.constant 16 : i32
        %mul3A_1755 = arith.muli %scan3A_18, %mul3A_1754 : i32
        %add3A_1756 = arith.constant 15 : i32
        %add3A_1757 = arith.addi %mul3A_1755, %add3A_1756 : i32
        %get3A_1758 = arith.index_cast %add3A_1757 : i32 to index
        %get3A_1759 = arith.constant 176 : index
        %get3A_1760 = tpu.vector_load %arg6[%get3A_1758, %get3A_1759] {strides = array<i32>} : memref<128x256xf32, #tpu.memory_space<vmem>>, vector<1x16xf32>,
        %get3A_1761 = vector.shape_cast %get3A_1760 : vector<1x16xf32> to vector<16xf32>
        %max3A_1762 = arith.maximumf %max3A_1753, %get3A_1761 : vector<16xf32>
        %swap3A_1763 = arith.index_cast %scan3A_18 : i32 to index
        %swap3A_1764 = arith.constant 176 : index
        %swap3A_1765 = tpu.vector_load %arg7[%swap3A_1763, %swap3A_1764] {strides = array<i32>} : memref<8x256xf32, #tpu.memory_space<vmem>>, vector<1x16xf32>,
        %swap3A_1766 = vector.shape_cast %swap3A_1765 : vector<1x16xf32> to vector<16xf32>
        %swap3A_1767 = vector.shape_cast %max3A_1762 : vector<16xf32> to vector<1x16xf32>
        tpu.vector_store %arg7[%swap3A_1763, %swap3A_1764], %swap3A_1767 {strides = array<i32>} : memref<8x256xf32, #tpu.memory_space<vmem>>, vector<1x16xf32>,
        %mul3A_1768 = arith.constant 16 : i32
        %mul3A_1769 = arith.muli %scan3A_18, %mul3A_1768 : i32
        %get3A_1770 = arith.index_cast %mul3A_1769 : i32 to index
        %get3A_1771 = arith.constant 192 : index
        %get3A_1772 = tpu.vector_load %arg6[%get3A_1770, %get3A_1771] {strides = array<i32>} : memref<128x256xf32, #tpu.memory_space<vmem>>, vector<1x16xf32>,
        %get3A_1773 = vector.shape_cast %get3A_1772 : vector<1x16xf32> to vector<16xf32>
        %mul3A_1774 = arith.constant 16 : i32
        %mul3A_1775 = arith.muli %scan3A_18, %mul3A_1774 : i32
        %add3A_1776 = arith.constant 1 : i32
        %add3A_1777 = arith.addi %mul3A_1775, %add3A_1776 : i32
        %get3A_1778 = arith.index_cast %add3A_1777 : i32 to index
        %get3A_1779 = arith.constant 192 : index
        %get3A_1780 = tpu.vector_load %arg6[%get3A_1778, %get3A_1779] {strides = array<i32>} : memref<128x256xf32, #tpu.memory_space<vmem>>, vector<1x16xf32>,
        %get3A_1781 = vector.shape_cast %get3A_1780 : vector<1x16xf32> to vector<16xf32>
        %max3A_1782 = arith.maximumf %get3A_1773, %get3A_1781 : vector<16xf32>
        %mul3A_1783 = arith.constant 16 : i32
        %mul3A_1784 = arith.muli %scan3A_18, %mul3A_1783 : i32
        %add3A_1785 = arith.constant 2 : i32
        %add3A_1786 = arith.addi %mul3A_1784, %add3A_1785 : i32
        %get3A_1787 = arith.index_cast %add3A_1786 : i32 to index
        %get3A_1788 = arith.constant 192 : index
        %get3A_1789 = tpu.vector_load %arg6[%get3A_1787, %get3A_1788] {strides = array<i32>} : memref<128x256xf32, #tpu.memory_space<vmem>>, vector<1x16xf32>,
        %get3A_1790 = vector.shape_cast %get3A_1789 : vector<1x16xf32> to vector<16xf32>
        %max3A_1791 = arith.maximumf %max3A_1782, %get3A_1790 : vector<16xf32>
        %mul3A_1792 = arith.constant 16 : i32
        %mul3A_1793 = arith.muli %scan3A_18, %mul3A_1792 : i32
        %add3A_1794 = arith.constant 3 : i32
        %add3A_1795 = arith.addi %mul3A_1793, %add3A_1794 : i32
        %get3A_1796 = arith.index_cast %add3A_1795 : i32 to index
        %get3A_1797 = arith.constant 192 : index
        %get3A_1798 = tpu.vector_load %arg6[%get3A_1796, %get3A_1797] {strides = array<i32>} : memref<128x256xf32, #tpu.memory_space<vmem>>, vector<1x16xf32>,
        %get3A_1799 = vector.shape_cast %get3A_1798 : vector<1x16xf32> to vector<16xf32>
        %max3A_1800 = arith.maximumf %max3A_1791, %get3A_1799 : vector<16xf32>
        %mul3A_1801 = arith.constant 16 : i32
        %mul3A_1802 = arith.muli %scan3A_18, %mul3A_1801 : i32
        %add3A_1803 = arith.constant 4 : i32
        %add3A_1804 = arith.addi %mul3A_1802, %add3A_1803 : i32
        %get3A_1805 = arith.index_cast %add3A_1804 : i32 to index
        %get3A_1806 = arith.constant 192 : index
        %get3A_1807 = tpu.vector_load %arg6[%get3A_1805, %get3A_1806] {strides = array<i32>} : memref<128x256xf32, #tpu.memory_space<vmem>>, vector<1x16xf32>,
        %get3A_1808 = vector.shape_cast %get3A_1807 : vector<1x16xf32> to vector<16xf32>
        %max3A_1809 = arith.maximumf %max3A_1800, %get3A_1808 : vector<16xf32>
        %mul3A_1810 = arith.constant 16 : i32
        %mul3A_1811 = arith.muli %scan3A_18, %mul3A_1810 : i32
        %add3A_1812 = arith.constant 5 : i32
        %add3A_1813 = arith.addi %mul3A_1811, %add3A_1812 : i32
        %get3A_1814 = arith.index_cast %add3A_1813 : i32 to index
        %get3A_1815 = arith.constant 192 : index
        %get3A_1816 = tpu.vector_load %arg6[%get3A_1814, %get3A_1815] {strides = array<i32>} : memref<128x256xf32, #tpu.memory_space<vmem>>, vector<1x16xf32>,
        %get3A_1817 = vector.shape_cast %get3A_1816 : vector<1x16xf32> to vector<16xf32>
        %max3A_1818 = arith.maximumf %max3A_1809, %get3A_1817 : vector<16xf32>
        %mul3A_1819 = arith.constant 16 : i32
        %mul3A_1820 = arith.muli %scan3A_18, %mul3A_1819 : i32
        %add3A_1821 = arith.constant 6 : i32
        %add3A_1822 = arith.addi %mul3A_1820, %add3A_1821 : i32
        %get3A_1823 = arith.index_cast %add3A_1822 : i32 to index
        %get3A_1824 = arith.constant 192 : index
        %get3A_1825 = tpu.vector_load %arg6[%get3A_1823, %get3A_1824] {strides = array<i32>} : memref<128x256xf32, #tpu.memory_space<vmem>>, vector<1x16xf32>,
        %get3A_1826 = vector.shape_cast %get3A_1825 : vector<1x16xf32> to vector<16xf32>
        %max3A_1827 = arith.maximumf %max3A_1818, %get3A_1826 : vector<16xf32>
        %mul3A_1828 = arith.constant 16 : i32
        %mul3A_1829 = arith.muli %scan3A_18, %mul3A_1828 : i32
        %add3A_1830 = arith.constant 7 : i32
        %add3A_1831 = arith.addi %mul3A_1829, %add3A_1830 : i32
        %get3A_1832 = arith.index_cast %add3A_1831 : i32 to index
        %get3A_1833 = arith.constant 192 : index
        %get3A_1834 = tpu.vector_load %arg6[%get3A_1832, %get3A_1833] {strides = array<i32>} : memref<128x256xf32, #tpu.memory_space<vmem>>, vector<1x16xf32>,
        %get3A_1835 = vector.shape_cast %get3A_1834 : vector<1x16xf32> to vector<16xf32>
        %max3A_1836 = arith.maximumf %max3A_1827, %get3A_1835 : vector<16xf32>
        %mul3A_1837 = arith.constant 16 : i32
        %mul3A_1838 = arith.muli %scan3A_18, %mul3A_1837 : i32
        %add3A_1839 = arith.constant 8 : i32
        %add3A_1840 = arith.addi %mul3A_1838, %add3A_1839 : i32
        %get3A_1841 = arith.index_cast %add3A_1840 : i32 to index
        %get3A_1842 = arith.constant 192 : index
        %get3A_1843 = tpu.vector_load %arg6[%get3A_1841, %get3A_1842] {strides = array<i32>} : memref<128x256xf32, #tpu.memory_space<vmem>>, vector<1x16xf32>,
        %get3A_1844 = vector.shape_cast %get3A_1843 : vector<1x16xf32> to vector<16xf32>
        %max3A_1845 = arith.maximumf %max3A_1836, %get3A_1844 : vector<16xf32>
        %mul3A_1846 = arith.constant 16 : i32
        %mul3A_1847 = arith.muli %scan3A_18, %mul3A_1846 : i32
        %add3A_1848 = arith.constant 9 : i32
        %add3A_1849 = arith.addi %mul3A_1847, %add3A_1848 : i32
        %get3A_1850 = arith.index_cast %add3A_1849 : i32 to index
        %get3A_1851 = arith.constant 192 : index
        %get3A_1852 = tpu.vector_load %arg6[%get3A_1850, %get3A_1851] {strides = array<i32>} : memref<128x256xf32, #tpu.memory_space<vmem>>, vector<1x16xf32>,
        %get3A_1853 = vector.shape_cast %get3A_1852 : vector<1x16xf32> to vector<16xf32>
        %max3A_1854 = arith.maximumf %max3A_1845, %get3A_1853 : vector<16xf32>
        %mul3A_1855 = arith.constant 16 : i32
        %mul3A_1856 = arith.muli %scan3A_18, %mul3A_1855 : i32
        %add3A_1857 = arith.constant 10 : i32
        %add3A_1858 = arith.addi %mul3A_1856, %add3A_1857 : i32
        %get3A_1859 = arith.index_cast %add3A_1858 : i32 to index
        %get3A_1860 = arith.constant 192 : index
        %get3A_1861 = tpu.vector_load %arg6[%get3A_1859, %get3A_1860] {strides = array<i32>} : memref<128x256xf32, #tpu.memory_space<vmem>>, vector<1x16xf32>,
        %get3A_1862 = vector.shape_cast %get3A_1861 : vector<1x16xf32> to vector<16xf32>
        %max3A_1863 = arith.maximumf %max3A_1854, %get3A_1862 : vector<16xf32>
        %mul3A_1864 = arith.constant 16 : i32
        %mul3A_1865 = arith.muli %scan3A_18, %mul3A_1864 : i32
        %add3A_1866 = arith.constant 11 : i32
        %add3A_1867 = arith.addi %mul3A_1865, %add3A_1866 : i32
        %get3A_1868 = arith.index_cast %add3A_1867 : i32 to index
        %get3A_1869 = arith.constant 192 : index
        %get3A_1870 = tpu.vector_load %arg6[%get3A_1868, %get3A_1869] {strides = array<i32>} : memref<128x256xf32, #tpu.memory_space<vmem>>, vector<1x16xf32>,
        %get3A_1871 = vector.shape_cast %get3A_1870 : vector<1x16xf32> to vector<16xf32>
        %max3A_1872 = arith.maximumf %max3A_1863, %get3A_1871 : vector<16xf32>
        %mul3A_1873 = arith.constant 16 : i32
        %mul3A_1874 = arith.muli %scan3A_18, %mul3A_1873 : i32
        %add3A_1875 = arith.constant 12 : i32
        %add3A_1876 = arith.addi %mul3A_1874, %add3A_1875 : i32
        %get3A_1877 = arith.index_cast %add3A_1876 : i32 to index
        %get3A_1878 = arith.constant 192 : index
        %get3A_1879 = tpu.vector_load %arg6[%get3A_1877, %get3A_1878] {strides = array<i32>} : memref<128x256xf32, #tpu.memory_space<vmem>>, vector<1x16xf32>,
        %get3A_1880 = vector.shape_cast %get3A_1879 : vector<1x16xf32> to vector<16xf32>
        %max3A_1881 = arith.maximumf %max3A_1872, %get3A_1880 : vector<16xf32>
        %mul3A_1882 = arith.constant 16 : i32
        %mul3A_1883 = arith.muli %scan3A_18, %mul3A_1882 : i32
        %add3A_1884 = arith.constant 13 : i32
        %add3A_1885 = arith.addi %mul3A_1883, %add3A_1884 : i32
        %get3A_1886 = arith.index_cast %add3A_1885 : i32 to index
        %get3A_1887 = arith.constant 192 : index
        %get3A_1888 = tpu.vector_load %arg6[%get3A_1886, %get3A_1887] {strides = array<i32>} : memref<128x256xf32, #tpu.memory_space<vmem>>, vector<1x16xf32>,
        %get3A_1889 = vector.shape_cast %get3A_1888 : vector<1x16xf32> to vector<16xf32>
        %max3A_1890 = arith.maximumf %max3A_1881, %get3A_1889 : vector<16xf32>
        %mul3A_1891 = arith.constant 16 : i32
        %mul3A_1892 = arith.muli %scan3A_18, %mul3A_1891 : i32
        %add3A_1893 = arith.constant 14 : i32
        %add3A_1894 = arith.addi %mul3A_1892, %add3A_1893 : i32
        %get3A_1895 = arith.index_cast %add3A_1894 : i32 to index
        %get3A_1896 = arith.constant 192 : index
        %get3A_1897 = tpu.vector_load %arg6[%get3A_1895, %get3A_1896] {strides = array<i32>} : memref<128x256xf32, #tpu.memory_space<vmem>>, vector<1x16xf32>,
        %get3A_1898 = vector.shape_cast %get3A_1897 : vector<1x16xf32> to vector<16xf32>
        %max3A_1899 = arith.maximumf %max3A_1890, %get3A_1898 : vector<16xf32>
        %mul3A_1900 = arith.constant 16 : i32
        %mul3A_1901 = arith.muli %scan3A_18, %mul3A_1900 : i32
        %add3A_1902 = arith.constant 15 : i32
        %add3A_1903 = arith.addi %mul3A_1901, %add3A_1902 : i32
        %get3A_1904 = arith.index_cast %add3A_1903 : i32 to index
        %get3A_1905 = arith.constant 192 : index
        %get3A_1906 = tpu.vector_load %arg6[%get3A_1904, %get3A_1905] {strides = array<i32>} : memref<128x256xf32, #tpu.memory_space<vmem>>, vector<1x16xf32>,
        %get3A_1907 = vector.shape_cast %get3A_1906 : vector<1x16xf32> to vector<16xf32>
        %max3A_1908 = arith.maximumf %max3A_1899, %get3A_1907 : vector<16xf32>
        %swap3A_1909 = arith.index_cast %scan3A_18 : i32 to index
        %swap3A_1910 = arith.constant 192 : index
        %swap3A_1911 = tpu.vector_load %arg7[%swap3A_1909, %swap3A_1910] {strides = array<i32>} : memref<8x256xf32, #tpu.memory_space<vmem>>, vector<1x16xf32>,
        %swap3A_1912 = vector.shape_cast %swap3A_1911 : vector<1x16xf32> to vector<16xf32>
        %swap3A_1913 = vector.shape_cast %max3A_1908 : vector<16xf32> to vector<1x16xf32>
        tpu.vector_store %arg7[%swap3A_1909, %swap3A_1910], %swap3A_1913 {strides = array<i32>} : memref<8x256xf32, #tpu.memory_space<vmem>>, vector<1x16xf32>,
        %mul3A_1914 = arith.constant 16 : i32
        %mul3A_1915 = arith.muli %scan3A_18, %mul3A_1914 : i32
        %get3A_1916 = arith.index_cast %mul3A_1915 : i32 to index
        %get3A_1917 = arith.constant 208 : index
        %get3A_1918 = tpu.vector_load %arg6[%get3A_1916, %get3A_1917] {strides = array<i32>} : memref<128x256xf32, #tpu.memory_space<vmem>>, vector<1x16xf32>,
        %get3A_1919 = vector.shape_cast %get3A_1918 : vector<1x16xf32> to vector<16xf32>
        %mul3A_1920 = arith.constant 16 : i32
        %mul3A_1921 = arith.muli %scan3A_18, %mul3A_1920 : i32
        %add3A_1922 = arith.constant 1 : i32
        %add3A_1923 = arith.addi %mul3A_1921, %add3A_1922 : i32
        %get3A_1924 = arith.index_cast %add3A_1923 : i32 to index
        %get3A_1925 = arith.constant 208 : index
        %get3A_1926 = tpu.vector_load %arg6[%get3A_1924, %get3A_1925] {strides = array<i32>} : memref<128x256xf32, #tpu.memory_space<vmem>>, vector<1x16xf32>,
        %get3A_1927 = vector.shape_cast %get3A_1926 : vector<1x16xf32> to vector<16xf32>
        %max3A_1928 = arith.maximumf %get3A_1919, %get3A_1927 : vector<16xf32>
        %mul3A_1929 = arith.constant 16 : i32
        %mul3A_1930 = arith.muli %scan3A_18, %mul3A_1929 : i32
        %add3A_1931 = arith.constant 2 : i32
        %add3A_1932 = arith.addi %mul3A_1930, %add3A_1931 : i32
        %get3A_1933 = arith.index_cast %add3A_1932 : i32 to index
        %get3A_1934 = arith.constant 208 : index
        %get3A_1935 = tpu.vector_load %arg6[%get3A_1933, %get3A_1934] {strides = array<i32>} : memref<128x256xf32, #tpu.memory_space<vmem>>, vector<1x16xf32>,
        %get3A_1936 = vector.shape_cast %get3A_1935 : vector<1x16xf32> to vector<16xf32>
        %max3A_1937 = arith.maximumf %max3A_1928, %get3A_1936 : vector<16xf32>
        %mul3A_1938 = arith.constant 16 : i32
        %mul3A_1939 = arith.muli %scan3A_18, %mul3A_1938 : i32
        %add3A_1940 = arith.constant 3 : i32
        %add3A_1941 = arith.addi %mul3A_1939, %add3A_1940 : i32
        %get3A_1942 = arith.index_cast %add3A_1941 : i32 to index
        %get3A_1943 = arith.constant 208 : index
        %get3A_1944 = tpu.vector_load %arg6[%get3A_1942, %get3A_1943] {strides = array<i32>} : memref<128x256xf32, #tpu.memory_space<vmem>>, vector<1x16xf32>,
        %get3A_1945 = vector.shape_cast %get3A_1944 : vector<1x16xf32> to vector<16xf32>
        %max3A_1946 = arith.maximumf %max3A_1937, %get3A_1945 : vector<16xf32>
        %mul3A_1947 = arith.constant 16 : i32
        %mul3A_1948 = arith.muli %scan3A_18, %mul3A_1947 : i32
        %add3A_1949 = arith.constant 4 : i32
        %add3A_1950 = arith.addi %mul3A_1948, %add3A_1949 : i32
        %get3A_1951 = arith.index_cast %add3A_1950 : i32 to index
        %get3A_1952 = arith.constant 208 : index
        %get3A_1953 = tpu.vector_load %arg6[%get3A_1951, %get3A_1952] {strides = array<i32>} : memref<128x256xf32, #tpu.memory_space<vmem>>, vector<1x16xf32>,
        %get3A_1954 = vector.shape_cast %get3A_1953 : vector<1x16xf32> to vector<16xf32>
        %max3A_1955 = arith.maximumf %max3A_1946, %get3A_1954 : vector<16xf32>
        %mul3A_1956 = arith.constant 16 : i32
        %mul3A_1957 = arith.muli %scan3A_18, %mul3A_1956 : i32
        %add3A_1958 = arith.constant 5 : i32
        %add3A_1959 = arith.addi %mul3A_1957, %add3A_1958 : i32
        %get3A_1960 = arith.index_cast %add3A_1959 : i32 to index
        %get3A_1961 = arith.constant 208 : index
        %get3A_1962 = tpu.vector_load %arg6[%get3A_1960, %get3A_1961] {strides = array<i32>} : memref<128x256xf32, #tpu.memory_space<vmem>>, vector<1x16xf32>,
        %get3A_1963 = vector.shape_cast %get3A_1962 : vector<1x16xf32> to vector<16xf32>
        %max3A_1964 = arith.maximumf %max3A_1955, %get3A_1963 : vector<16xf32>
        %mul3A_1965 = arith.constant 16 : i32
        %mul3A_1966 = arith.muli %scan3A_18, %mul3A_1965 : i32
        %add3A_1967 = arith.constant 6 : i32
        %add3A_1968 = arith.addi %mul3A_1966, %add3A_1967 : i32
        %get3A_1969 = arith.index_cast %add3A_1968 : i32 to index
        %get3A_1970 = arith.constant 208 : index
        %get3A_1971 = tpu.vector_load %arg6[%get3A_1969, %get3A_1970] {strides = array<i32>} : memref<128x256xf32, #tpu.memory_space<vmem>>, vector<1x16xf32>,
        %get3A_1972 = vector.shape_cast %get3A_1971 : vector<1x16xf32> to vector<16xf32>
        %max3A_1973 = arith.maximumf %max3A_1964, %get3A_1972 : vector<16xf32>
        %mul3A_1974 = arith.constant 16 : i32
        %mul3A_1975 = arith.muli %scan3A_18, %mul3A_1974 : i32
        %add3A_1976 = arith.constant 7 : i32
        %add3A_1977 = arith.addi %mul3A_1975, %add3A_1976 : i32
        %get3A_1978 = arith.index_cast %add3A_1977 : i32 to index
        %get3A_1979 = arith.constant 208 : index
        %get3A_1980 = tpu.vector_load %arg6[%get3A_1978, %get3A_1979] {strides = array<i32>} : memref<128x256xf32, #tpu.memory_space<vmem>>, vector<1x16xf32>,
        %get3A_1981 = vector.shape_cast %get3A_1980 : vector<1x16xf32> to vector<16xf32>
        %max3A_1982 = arith.maximumf %max3A_1973, %get3A_1981 : vector<16xf32>
        %mul3A_1983 = arith.constant 16 : i32
        %mul3A_1984 = arith.muli %scan3A_18, %mul3A_1983 : i32
        %add3A_1985 = arith.constant 8 : i32
        %add3A_1986 = arith.addi %mul3A_1984, %add3A_1985 : i32
        %get3A_1987 = arith.index_cast %add3A_1986 : i32 to index
        %get3A_1988 = arith.constant 208 : index
        %get3A_1989 = tpu.vector_load %arg6[%get3A_1987, %get3A_1988] {strides = array<i32>} : memref<128x256xf32, #tpu.memory_space<vmem>>, vector<1x16xf32>,
        %get3A_1990 = vector.shape_cast %get3A_1989 : vector<1x16xf32> to vector<16xf32>
        %max3A_1991 = arith.maximumf %max3A_1982, %get3A_1990 : vector<16xf32>
        %mul3A_1992 = arith.constant 16 : i32
        %mul3A_1993 = arith.muli %scan3A_18, %mul3A_1992 : i32
        %add3A_1994 = arith.constant 9 : i32
        %add3A_1995 = arith.addi %mul3A_1993, %add3A_1994 : i32
        %get3A_1996 = arith.index_cast %add3A_1995 : i32 to index
        %get3A_1997 = arith.constant 208 : index
        %get3A_1998 = tpu.vector_load %arg6[%get3A_1996, %get3A_1997] {strides = array<i32>} : memref<128x256xf32, #tpu.memory_space<vmem>>, vector<1x16xf32>,
        %get3A_1999 = vector.shape_cast %get3A_1998 : vector<1x16xf32> to vector<16xf32>
        %max3A_2000 = arith.maximumf %max3A_1991, %get3A_1999 : vector<16xf32>
        %mul3A_2001 = arith.constant 16 : i32
        %mul3A_2002 = arith.muli %scan3A_18, %mul3A_2001 : i32
        %add3A_2003 = arith.constant 10 : i32
        %add3A_2004 = arith.addi %mul3A_2002, %add3A_2003 : i32
        %get3A_2005 = arith.index_cast %add3A_2004 : i32 to index
        %get3A_2006 = arith.constant 208 : index
        %get3A_2007 = tpu.vector_load %arg6[%get3A_2005, %get3A_2006] {strides = array<i32>} : memref<128x256xf32, #tpu.memory_space<vmem>>, vector<1x16xf32>,
        %get3A_2008 = vector.shape_cast %get3A_2007 : vector<1x16xf32> to vector<16xf32>
        %max3A_2009 = arith.maximumf %max3A_2000, %get3A_2008 : vector<16xf32>
        %mul3A_2010 = arith.constant 16 : i32
        %mul3A_2011 = arith.muli %scan3A_18, %mul3A_2010 : i32
        %add3A_2012 = arith.constant 11 : i32
        %add3A_2013 = arith.addi %mul3A_2011, %add3A_2012 : i32
        %get3A_2014 = arith.index_cast %add3A_2013 : i32 to index
        %get3A_2015 = arith.constant 208 : index
        %get3A_2016 = tpu.vector_load %arg6[%get3A_2014, %get3A_2015] {strides = array<i32>} : memref<128x256xf32, #tpu.memory_space<vmem>>, vector<1x16xf32>,
        %get3A_2017 = vector.shape_cast %get3A_2016 : vector<1x16xf32> to vector<16xf32>
        %max3A_2018 = arith.maximumf %max3A_2009, %get3A_2017 : vector<16xf32>
        %mul3A_2019 = arith.constant 16 : i32
        %mul3A_2020 = arith.muli %scan3A_18, %mul3A_2019 : i32
        %add3A_2021 = arith.constant 12 : i32
        %add3A_2022 = arith.addi %mul3A_2020, %add3A_2021 : i32
        %get3A_2023 = arith.index_cast %add3A_2022 : i32 to index
        %get3A_2024 = arith.constant 208 : index
        %get3A_2025 = tpu.vector_load %arg6[%get3A_2023, %get3A_2024] {strides = array<i32>} : memref<128x256xf32, #tpu.memory_space<vmem>>, vector<1x16xf32>,
        %get3A_2026 = vector.shape_cast %get3A_2025 : vector<1x16xf32> to vector<16xf32>
        %max3A_2027 = arith.maximumf %max3A_2018, %get3A_2026 : vector<16xf32>
        %mul3A_2028 = arith.constant 16 : i32
        %mul3A_2029 = arith.muli %scan3A_18, %mul3A_2028 : i32
        %add3A_2030 = arith.constant 13 : i32
        %add3A_2031 = arith.addi %mul3A_2029, %add3A_2030 : i32
        %get3A_2032 = arith.index_cast %add3A_2031 : i32 to index
        %get3A_2033 = arith.constant 208 : index
        %get3A_2034 = tpu.vector_load %arg6[%get3A_2032, %get3A_2033] {strides = array<i32>} : memref<128x256xf32, #tpu.memory_space<vmem>>, vector<1x16xf32>,
        %get3A_2035 = vector.shape_cast %get3A_2034 : vector<1x16xf32> to vector<16xf32>
        %max3A_2036 = arith.maximumf %max3A_2027, %get3A_2035 : vector<16xf32>
        %mul3A_2037 = arith.constant 16 : i32
        %mul3A_2038 = arith.muli %scan3A_18, %mul3A_2037 : i32
        %add3A_2039 = arith.constant 14 : i32
        %add3A_2040 = arith.addi %mul3A_2038, %add3A_2039 : i32
        %get3A_2041 = arith.index_cast %add3A_2040 : i32 to index
        %get3A_2042 = arith.constant 208 : index
        %get3A_2043 = tpu.vector_load %arg6[%get3A_2041, %get3A_2042] {strides = array<i32>} : memref<128x256xf32, #tpu.memory_space<vmem>>, vector<1x16xf32>,
        %get3A_2044 = vector.shape_cast %get3A_2043 : vector<1x16xf32> to vector<16xf32>
        %max3A_2045 = arith.maximumf %max3A_2036, %get3A_2044 : vector<16xf32>
        %mul3A_2046 = arith.constant 16 : i32
        %mul3A_2047 = arith.muli %scan3A_18, %mul3A_2046 : i32
        %add3A_2048 = arith.constant 15 : i32
        %add3A_2049 = arith.addi %mul3A_2047, %add3A_2048 : i32
        %get3A_2050 = arith.index_cast %add3A_2049 : i32 to index
        %get3A_2051 = arith.constant 208 : index
        %get3A_2052 = tpu.vector_load %arg6[%get3A_2050, %get3A_2051] {strides = array<i32>} : memref<128x256xf32, #tpu.memory_space<vmem>>, vector<1x16xf32>,
        %get3A_2053 = vector.shape_cast %get3A_2052 : vector<1x16xf32> to vector<16xf32>
        %max3A_2054 = arith.maximumf %max3A_2045, %get3A_2053 : vector<16xf32>
        %swap3A_2055 = arith.index_cast %scan3A_18 : i32 to index
        %swap3A_2056 = arith.constant 208 : index
        %swap3A_2057 = tpu.vector_load %arg7[%swap3A_2055, %swap3A_2056] {strides = array<i32>} : memref<8x256xf32, #tpu.memory_space<vmem>>, vector<1x16xf32>,
        %swap3A_2058 = vector.shape_cast %swap3A_2057 : vector<1x16xf32> to vector<16xf32>
        %swap3A_2059 = vector.shape_cast %max3A_2054 : vector<16xf32> to vector<1x16xf32>
        tpu.vector_store %arg7[%swap3A_2055, %swap3A_2056], %swap3A_2059 {strides = array<i32>} : memref<8x256xf32, #tpu.memory_space<vmem>>, vector<1x16xf32>,
        %mul3A_2060 = arith.constant 16 : i32
        %mul3A_2061 = arith.muli %scan3A_18, %mul3A_2060 : i32
        %get3A_2062 = arith.index_cast %mul3A_2061 : i32 to index
        %get3A_2063 = arith.constant 224 : index
        %get3A_2064 = tpu.vector_load %arg6[%get3A_2062, %get3A_2063] {strides = array<i32>} : memref<128x256xf32, #tpu.memory_space<vmem>>, vector<1x16xf32>,
        %get3A_2065 = vector.shape_cast %get3A_2064 : vector<1x16xf32> to vector<16xf32>
        %mul3A_2066 = arith.constant 16 : i32
        %mul3A_2067 = arith.muli %scan3A_18, %mul3A_2066 : i32
        %add3A_2068 = arith.constant 1 : i32
        %add3A_2069 = arith.addi %mul3A_2067, %add3A_2068 : i32
        %get3A_2070 = arith.index_cast %add3A_2069 : i32 to index
        %get3A_2071 = arith.constant 224 : index
        %get3A_2072 = tpu.vector_load %arg6[%get3A_2070, %get3A_2071] {strides = array<i32>} : memref<128x256xf32, #tpu.memory_space<vmem>>, vector<1x16xf32>,
        %get3A_2073 = vector.shape_cast %get3A_2072 : vector<1x16xf32> to vector<16xf32>
        %max3A_2074 = arith.maximumf %get3A_2065, %get3A_2073 : vector<16xf32>
        %mul3A_2075 = arith.constant 16 : i32
        %mul3A_2076 = arith.muli %scan3A_18, %mul3A_2075 : i32
        %add3A_2077 = arith.constant 2 : i32
        %add3A_2078 = arith.addi %mul3A_2076, %add3A_2077 : i32
        %get3A_2079 = arith.index_cast %add3A_2078 : i32 to index
        %get3A_2080 = arith.constant 224 : index
        %get3A_2081 = tpu.vector_load %arg6[%get3A_2079, %get3A_2080] {strides = array<i32>} : memref<128x256xf32, #tpu.memory_space<vmem>>, vector<1x16xf32>,
        %get3A_2082 = vector.shape_cast %get3A_2081 : vector<1x16xf32> to vector<16xf32>
        %max3A_2083 = arith.maximumf %max3A_2074, %get3A_2082 : vector<16xf32>
        %mul3A_2084 = arith.constant 16 : i32
        %mul3A_2085 = arith.muli %scan3A_18, %mul3A_2084 : i32
        %add3A_2086 = arith.constant 3 : i32
        %add3A_2087 = arith.addi %mul3A_2085, %add3A_2086 : i32
        %get3A_2088 = arith.index_cast %add3A_2087 : i32 to index
        %get3A_2089 = arith.constant 224 : index
        %get3A_2090 = tpu.vector_load %arg6[%get3A_2088, %get3A_2089] {strides = array<i32>} : memref<128x256xf32, #tpu.memory_space<vmem>>, vector<1x16xf32>,
        %get3A_2091 = vector.shape_cast %get3A_2090 : vector<1x16xf32> to vector<16xf32>
        %max3A_2092 = arith.maximumf %max3A_2083, %get3A_2091 : vector<16xf32>
        %mul3A_2093 = arith.constant 16 : i32
        %mul3A_2094 = arith.muli %scan3A_18, %mul3A_2093 : i32
        %add3A_2095 = arith.constant 4 : i32
        %add3A_2096 = arith.addi %mul3A_2094, %add3A_2095 : i32
        %get3A_2097 = arith.index_cast %add3A_2096 : i32 to index
        %get3A_2098 = arith.constant 224 : index
        %get3A_2099 = tpu.vector_load %arg6[%get3A_2097, %get3A_2098] {strides = array<i32>} : memref<128x256xf32, #tpu.memory_space<vmem>>, vector<1x16xf32>,
        %get3A_2100 = vector.shape_cast %get3A_2099 : vector<1x16xf32> to vector<16xf32>
        %max3A_2101 = arith.maximumf %max3A_2092, %get3A_2100 : vector<16xf32>
        %mul3A_2102 = arith.constant 16 : i32
        %mul3A_2103 = arith.muli %scan3A_18, %mul3A_2102 : i32
        %add3A_2104 = arith.constant 5 : i32
        %add3A_2105 = arith.addi %mul3A_2103, %add3A_2104 : i32
        %get3A_2106 = arith.index_cast %add3A_2105 : i32 to index
        %get3A_2107 = arith.constant 224 : index
        %get3A_2108 = tpu.vector_load %arg6[%get3A_2106, %get3A_2107] {strides = array<i32>} : memref<128x256xf32, #tpu.memory_space<vmem>>, vector<1x16xf32>,
        %get3A_2109 = vector.shape_cast %get3A_2108 : vector<1x16xf32> to vector<16xf32>
        %max3A_2110 = arith.maximumf %max3A_2101, %get3A_2109 : vector<16xf32>
        %mul3A_2111 = arith.constant 16 : i32
        %mul3A_2112 = arith.muli %scan3A_18, %mul3A_2111 : i32
        %add3A_2113 = arith.constant 6 : i32
        %add3A_2114 = arith.addi %mul3A_2112, %add3A_2113 : i32
        %get3A_2115 = arith.index_cast %add3A_2114 : i32 to index
        %get3A_2116 = arith.constant 224 : index
        %get3A_2117 = tpu.vector_load %arg6[%get3A_2115, %get3A_2116] {strides = array<i32>} : memref<128x256xf32, #tpu.memory_space<vmem>>, vector<1x16xf32>,
        %get3A_2118 = vector.shape_cast %get3A_2117 : vector<1x16xf32> to vector<16xf32>
        %max3A_2119 = arith.maximumf %max3A_2110, %get3A_2118 : vector<16xf32>
        %mul3A_2120 = arith.constant 16 : i32
        %mul3A_2121 = arith.muli %scan3A_18, %mul3A_2120 : i32
        %add3A_2122 = arith.constant 7 : i32
        %add3A_2123 = arith.addi %mul3A_2121, %add3A_2122 : i32
        %get3A_2124 = arith.index_cast %add3A_2123 : i32 to index
        %get3A_2125 = arith.constant 224 : index
        %get3A_2126 = tpu.vector_load %arg6[%get3A_2124, %get3A_2125] {strides = array<i32>} : memref<128x256xf32, #tpu.memory_space<vmem>>, vector<1x16xf32>,
        %get3A_2127 = vector.shape_cast %get3A_2126 : vector<1x16xf32> to vector<16xf32>
        %max3A_2128 = arith.maximumf %max3A_2119, %get3A_2127 : vector<16xf32>
        %mul3A_2129 = arith.constant 16 : i32
        %mul3A_2130 = arith.muli %scan3A_18, %mul3A_2129 : i32
        %add3A_2131 = arith.constant 8 : i32
        %add3A_2132 = arith.addi %mul3A_2130, %add3A_2131 : i32
        %get3A_2133 = arith.index_cast %add3A_2132 : i32 to index
        %get3A_2134 = arith.constant 224 : index
        %get3A_2135 = tpu.vector_load %arg6[%get3A_2133, %get3A_2134] {strides = array<i32>} : memref<128x256xf32, #tpu.memory_space<vmem>>, vector<1x16xf32>,
        %get3A_2136 = vector.shape_cast %get3A_2135 : vector<1x16xf32> to vector<16xf32>
        %max3A_2137 = arith.maximumf %max3A_2128, %get3A_2136 : vector<16xf32>
        %mul3A_2138 = arith.constant 16 : i32
        %mul3A_2139 = arith.muli %scan3A_18, %mul3A_2138 : i32
        %add3A_2140 = arith.constant 9 : i32
        %add3A_2141 = arith.addi %mul3A_2139, %add3A_2140 : i32
        %get3A_2142 = arith.index_cast %add3A_2141 : i32 to index
        %get3A_2143 = arith.constant 224 : index
        %get3A_2144 = tpu.vector_load %arg6[%get3A_2142, %get3A_2143] {strides = array<i32>} : memref<128x256xf32, #tpu.memory_space<vmem>>, vector<1x16xf32>,
        %get3A_2145 = vector.shape_cast %get3A_2144 : vector<1x16xf32> to vector<16xf32>
        %max3A_2146 = arith.maximumf %max3A_2137, %get3A_2145 : vector<16xf32>
        %mul3A_2147 = arith.constant 16 : i32
        %mul3A_2148 = arith.muli %scan3A_18, %mul3A_2147 : i32
        %add3A_2149 = arith.constant 10 : i32
        %add3A_2150 = arith.addi %mul3A_2148, %add3A_2149 : i32
        %get3A_2151 = arith.index_cast %add3A_2150 : i32 to index
        %get3A_2152 = arith.constant 224 : index
        %get3A_2153 = tpu.vector_load %arg6[%get3A_2151, %get3A_2152] {strides = array<i32>} : memref<128x256xf32, #tpu.memory_space<vmem>>, vector<1x16xf32>,
        %get3A_2154 = vector.shape_cast %get3A_2153 : vector<1x16xf32> to vector<16xf32>
        %max3A_2155 = arith.maximumf %max3A_2146, %get3A_2154 : vector<16xf32>
        %mul3A_2156 = arith.constant 16 : i32
        %mul3A_2157 = arith.muli %scan3A_18, %mul3A_2156 : i32
        %add3A_2158 = arith.constant 11 : i32
        %add3A_2159 = arith.addi %mul3A_2157, %add3A_2158 : i32
        %get3A_2160 = arith.index_cast %add3A_2159 : i32 to index
        %get3A_2161 = arith.constant 224 : index
        %get3A_2162 = tpu.vector_load %arg6[%get3A_2160, %get3A_2161] {strides = array<i32>} : memref<128x256xf32, #tpu.memory_space<vmem>>, vector<1x16xf32>,
        %get3A_2163 = vector.shape_cast %get3A_2162 : vector<1x16xf32> to vector<16xf32>
        %max3A_2164 = arith.maximumf %max3A_2155, %get3A_2163 : vector<16xf32>
        %mul3A_2165 = arith.constant 16 : i32
        %mul3A_2166 = arith.muli %scan3A_18, %mul3A_2165 : i32
        %add3A_2167 = arith.constant 12 : i32
        %add3A_2168 = arith.addi %mul3A_2166, %add3A_2167 : i32
        %get3A_2169 = arith.index_cast %add3A_2168 : i32 to index
        %get3A_2170 = arith.constant 224 : index
        %get3A_2171 = tpu.vector_load %arg6[%get3A_2169, %get3A_2170] {strides = array<i32>} : memref<128x256xf32, #tpu.memory_space<vmem>>, vector<1x16xf32>,
        %get3A_2172 = vector.shape_cast %get3A_2171 : vector<1x16xf32> to vector<16xf32>
        %max3A_2173 = arith.maximumf %max3A_2164, %get3A_2172 : vector<16xf32>
        %mul3A_2174 = arith.constant 16 : i32
        %mul3A_2175 = arith.muli %scan3A_18, %mul3A_2174 : i32
        %add3A_2176 = arith.constant 13 : i32
        %add3A_2177 = arith.addi %mul3A_2175, %add3A_2176 : i32
        %get3A_2178 = arith.index_cast %add3A_2177 : i32 to index
        %get3A_2179 = arith.constant 224 : index
        %get3A_2180 = tpu.vector_load %arg6[%get3A_2178, %get3A_2179] {strides = array<i32>} : memref<128x256xf32, #tpu.memory_space<vmem>>, vector<1x16xf32>,
        %get3A_2181 = vector.shape_cast %get3A_2180 : vector<1x16xf32> to vector<16xf32>
        %max3A_2182 = arith.maximumf %max3A_2173, %get3A_2181 : vector<16xf32>
        %mul3A_2183 = arith.constant 16 : i32
        %mul3A_2184 = arith.muli %scan3A_18, %mul3A_2183 : i32
        %add3A_2185 = arith.constant 14 : i32
        %add3A_2186 = arith.addi %mul3A_2184, %add3A_2185 : i32
        %get3A_2187 = arith.index_cast %add3A_2186 : i32 to index
        %get3A_2188 = arith.constant 224 : index
        %get3A_2189 = tpu.vector_load %arg6[%get3A_2187, %get3A_2188] {strides = array<i32>} : memref<128x256xf32, #tpu.memory_space<vmem>>, vector<1x16xf32>,
        %get3A_2190 = vector.shape_cast %get3A_2189 : vector<1x16xf32> to vector<16xf32>
        %max3A_2191 = arith.maximumf %max3A_2182, %get3A_2190 : vector<16xf32>
        %mul3A_2192 = arith.constant 16 : i32
        %mul3A_2193 = arith.muli %scan3A_18, %mul3A_2192 : i32
        %add3A_2194 = arith.constant 15 : i32
        %add3A_2195 = arith.addi %mul3A_2193, %add3A_2194 : i32
        %get3A_2196 = arith.index_cast %add3A_2195 : i32 to index
        %get3A_2197 = arith.constant 224 : index
        %get3A_2198 = tpu.vector_load %arg6[%get3A_2196, %get3A_2197] {strides = array<i32>} : memref<128x256xf32, #tpu.memory_space<vmem>>, vector<1x16xf32>,
        %get3A_2199 = vector.shape_cast %get3A_2198 : vector<1x16xf32> to vector<16xf32>
        %max3A_2200 = arith.maximumf %max3A_2191, %get3A_2199 : vector<16xf32>
        %swap3A_2201 = arith.index_cast %scan3A_18 : i32 to index
        %swap3A_2202 = arith.constant 224 : index
        %swap3A_2203 = tpu.vector_load %arg7[%swap3A_2201, %swap3A_2202] {strides = array<i32>} : memref<8x256xf32, #tpu.memory_space<vmem>>, vector<1x16xf32>,
        %swap3A_2204 = vector.shape_cast %swap3A_2203 : vector<1x16xf32> to vector<16xf32>
        %swap3A_2205 = vector.shape_cast %max3A_2200 : vector<16xf32> to vector<1x16xf32>
        tpu.vector_store %arg7[%swap3A_2201, %swap3A_2202], %swap3A_2205 {strides = array<i32>} : memref<8x256xf32, #tpu.memory_space<vmem>>, vector<1x16xf32>,
        %mul3A_2206 = arith.constant 16 : i32
        %mul3A_2207 = arith.muli %scan3A_18, %mul3A_2206 : i32
        %get3A_2208 = arith.index_cast %mul3A_2207 : i32 to index
        %get3A_2209 = arith.constant 240 : index
        %get3A_2210 = tpu.vector_load %arg6[%get3A_2208, %get3A_2209] {strides = array<i32>} : memref<128x256xf32, #tpu.memory_space<vmem>>, vector<1x16xf32>,
        %get3A_2211 = vector.shape_cast %get3A_2210 : vector<1x16xf32> to vector<16xf32>
        %mul3A_2212 = arith.constant 16 : i32
        %mul3A_2213 = arith.muli %scan3A_18, %mul3A_2212 : i32
        %add3A_2214 = arith.constant 1 : i32
        %add3A_2215 = arith.addi %mul3A_2213, %add3A_2214 : i32
        %get3A_2216 = arith.index_cast %add3A_2215 : i32 to index
        %get3A_2217 = arith.constant 240 : index
        %get3A_2218 = tpu.vector_load %arg6[%get3A_2216, %get3A_2217] {strides = array<i32>} : memref<128x256xf32, #tpu.memory_space<vmem>>, vector<1x16xf32>,
        %get3A_2219 = vector.shape_cast %get3A_2218 : vector<1x16xf32> to vector<16xf32>
        %max3A_2220 = arith.maximumf %get3A_2211, %get3A_2219 : vector<16xf32>
        %mul3A_2221 = arith.constant 16 : i32
        %mul3A_2222 = arith.muli %scan3A_18, %mul3A_2221 : i32
        %add3A_2223 = arith.constant 2 : i32
        %add3A_2224 = arith.addi %mul3A_2222, %add3A_2223 : i32
        %get3A_2225 = arith.index_cast %add3A_2224 : i32 to index
        %get3A_2226 = arith.constant 240 : index
        %get3A_2227 = tpu.vector_load %arg6[%get3A_2225, %get3A_2226] {strides = array<i32>} : memref<128x256xf32, #tpu.memory_space<vmem>>, vector<1x16xf32>,
        %get3A_2228 = vector.shape_cast %get3A_2227 : vector<1x16xf32> to vector<16xf32>
        %max3A_2229 = arith.maximumf %max3A_2220, %get3A_2228 : vector<16xf32>
        %mul3A_2230 = arith.constant 16 : i32
        %mul3A_2231 = arith.muli %scan3A_18, %mul3A_2230 : i32
        %add3A_2232 = arith.constant 3 : i32
        %add3A_2233 = arith.addi %mul3A_2231, %add3A_2232 : i32
        %get3A_2234 = arith.index_cast %add3A_2233 : i32 to index
        %get3A_2235 = arith.constant 240 : index
        %get3A_2236 = tpu.vector_load %arg6[%get3A_2234, %get3A_2235] {strides = array<i32>} : memref<128x256xf32, #tpu.memory_space<vmem>>, vector<1x16xf32>,
        %get3A_2237 = vector.shape_cast %get3A_2236 : vector<1x16xf32> to vector<16xf32>
        %max3A_2238 = arith.maximumf %max3A_2229, %get3A_2237 : vector<16xf32>
        %mul3A_2239 = arith.constant 16 : i32
        %mul3A_2240 = arith.muli %scan3A_18, %mul3A_2239 : i32
        %add3A_2241 = arith.constant 4 : i32
        %add3A_2242 = arith.addi %mul3A_2240, %add3A_2241 : i32
        %get3A_2243 = arith.index_cast %add3A_2242 : i32 to index
        %get3A_2244 = arith.constant 240 : index
        %get3A_2245 = tpu.vector_load %arg6[%get3A_2243, %get3A_2244] {strides = array<i32>} : memref<128x256xf32, #tpu.memory_space<vmem>>, vector<1x16xf32>,
        %get3A_2246 = vector.shape_cast %get3A_2245 : vector<1x16xf32> to vector<16xf32>
        %max3A_2247 = arith.maximumf %max3A_2238, %get3A_2246 : vector<16xf32>
        %mul3A_2248 = arith.constant 16 : i32
        %mul3A_2249 = arith.muli %scan3A_18, %mul3A_2248 : i32
        %add3A_2250 = arith.constant 5 : i32
        %add3A_2251 = arith.addi %mul3A_2249, %add3A_2250 : i32
        %get3A_2252 = arith.index_cast %add3A_2251 : i32 to index
        %get3A_2253 = arith.constant 240 : index
        %get3A_2254 = tpu.vector_load %arg6[%get3A_2252, %get3A_2253] {strides = array<i32>} : memref<128x256xf32, #tpu.memory_space<vmem>>, vector<1x16xf32>,
        %get3A_2255 = vector.shape_cast %get3A_2254 : vector<1x16xf32> to vector<16xf32>
        %max3A_2256 = arith.maximumf %max3A_2247, %get3A_2255 : vector<16xf32>
        %mul3A_2257 = arith.constant 16 : i32
        %mul3A_2258 = arith.muli %scan3A_18, %mul3A_2257 : i32
        %add3A_2259 = arith.constant 6 : i32
        %add3A_2260 = arith.addi %mul3A_2258, %add3A_2259 : i32
        %get3A_2261 = arith.index_cast %add3A_2260 : i32 to index
        %get3A_2262 = arith.constant 240 : index
        %get3A_2263 = tpu.vector_load %arg6[%get3A_2261, %get3A_2262] {strides = array<i32>} : memref<128x256xf32, #tpu.memory_space<vmem>>, vector<1x16xf32>,
        %get3A_2264 = vector.shape_cast %get3A_2263 : vector<1x16xf32> to vector<16xf32>
        %max3A_2265 = arith.maximumf %max3A_2256, %get3A_2264 : vector<16xf32>
        %mul3A_2266 = arith.constant 16 : i32
        %mul3A_2267 = arith.muli %scan3A_18, %mul3A_2266 : i32
        %add3A_2268 = arith.constant 7 : i32
        %add3A_2269 = arith.addi %mul3A_2267, %add3A_2268 : i32
        %get3A_2270 = arith.index_cast %add3A_2269 : i32 to index
        %get3A_2271 = arith.constant 240 : index
        %get3A_2272 = tpu.vector_load %arg6[%get3A_2270, %get3A_2271] {strides = array<i32>} : memref<128x256xf32, #tpu.memory_space<vmem>>, vector<1x16xf32>,
        %get3A_2273 = vector.shape_cast %get3A_2272 : vector<1x16xf32> to vector<16xf32>
        %max3A_2274 = arith.maximumf %max3A_2265, %get3A_2273 : vector<16xf32>
        %mul3A_2275 = arith.constant 16 : i32
        %mul3A_2276 = arith.muli %scan3A_18, %mul3A_2275 : i32
        %add3A_2277 = arith.constant 8 : i32
        %add3A_2278 = arith.addi %mul3A_2276, %add3A_2277 : i32
        %get3A_2279 = arith.index_cast %add3A_2278 : i32 to index
        %get3A_2280 = arith.constant 240 : index
        %get3A_2281 = tpu.vector_load %arg6[%get3A_2279, %get3A_2280] {strides = array<i32>} : memref<128x256xf32, #tpu.memory_space<vmem>>, vector<1x16xf32>,
        %get3A_2282 = vector.shape_cast %get3A_2281 : vector<1x16xf32> to vector<16xf32>
        %max3A_2283 = arith.maximumf %max3A_2274, %get3A_2282 : vector<16xf32>
        %mul3A_2284 = arith.constant 16 : i32
        %mul3A_2285 = arith.muli %scan3A_18, %mul3A_2284 : i32
        %add3A_2286 = arith.constant 9 : i32
        %add3A_2287 = arith.addi %mul3A_2285, %add3A_2286 : i32
        %get3A_2288 = arith.index_cast %add3A_2287 : i32 to index
        %get3A_2289 = arith.constant 240 : index
        %get3A_2290 = tpu.vector_load %arg6[%get3A_2288, %get3A_2289] {strides = array<i32>} : memref<128x256xf32, #tpu.memory_space<vmem>>, vector<1x16xf32>,
        %get3A_2291 = vector.shape_cast %get3A_2290 : vector<1x16xf32> to vector<16xf32>
        %max3A_2292 = arith.maximumf %max3A_2283, %get3A_2291 : vector<16xf32>
        %mul3A_2293 = arith.constant 16 : i32
        %mul3A_2294 = arith.muli %scan3A_18, %mul3A_2293 : i32
        %add3A_2295 = arith.constant 10 : i32
        %add3A_2296 = arith.addi %mul3A_2294, %add3A_2295 : i32
        %get3A_2297 = arith.index_cast %add3A_2296 : i32 to index
        %get3A_2298 = arith.constant 240 : index
        %get3A_2299 = tpu.vector_load %arg6[%get3A_2297, %get3A_2298] {strides = array<i32>} : memref<128x256xf32, #tpu.memory_space<vmem>>, vector<1x16xf32>,
        %get3A_2300 = vector.shape_cast %get3A_2299 : vector<1x16xf32> to vector<16xf32>
        %max3A_2301 = arith.maximumf %max3A_2292, %get3A_2300 : vector<16xf32>
        %mul3A_2302 = arith.constant 16 : i32
        %mul3A_2303 = arith.muli %scan3A_18, %mul3A_2302 : i32
        %add3A_2304 = arith.constant 11 : i32
        %add3A_2305 = arith.addi %mul3A_2303, %add3A_2304 : i32
        %get3A_2306 = arith.index_cast %add3A_2305 : i32 to index
        %get3A_2307 = arith.constant 240 : index
        %get3A_2308 = tpu.vector_load %arg6[%get3A_2306, %get3A_2307] {strides = array<i32>} : memref<128x256xf32, #tpu.memory_space<vmem>>, vector<1x16xf32>,
        %get3A_2309 = vector.shape_cast %get3A_2308 : vector<1x16xf32> to vector<16xf32>
        %max3A_2310 = arith.maximumf %max3A_2301, %get3A_2309 : vector<16xf32>
        %mul3A_2311 = arith.constant 16 : i32
        %mul3A_2312 = arith.muli %scan3A_18, %mul3A_2311 : i32
        %add3A_2313 = arith.constant 12 : i32
        %add3A_2314 = arith.addi %mul3A_2312, %add3A_2313 : i32
        %get3A_2315 = arith.index_cast %add3A_2314 : i32 to index
        %get3A_2316 = arith.constant 240 : index
        %get3A_2317 = tpu.vector_load %arg6[%get3A_2315, %get3A_2316] {strides = array<i32>} : memref<128x256xf32, #tpu.memory_space<vmem>>, vector<1x16xf32>,
        %get3A_2318 = vector.shape_cast %get3A_2317 : vector<1x16xf32> to vector<16xf32>
        %max3A_2319 = arith.maximumf %max3A_2310, %get3A_2318 : vector<16xf32>
        %mul3A_2320 = arith.constant 16 : i32
        %mul3A_2321 = arith.muli %scan3A_18, %mul3A_2320 : i32
        %add3A_2322 = arith.constant 13 : i32
        %add3A_2323 = arith.addi %mul3A_2321, %add3A_2322 : i32
        %get3A_2324 = arith.index_cast %add3A_2323 : i32 to index
        %get3A_2325 = arith.constant 240 : index
        %get3A_2326 = tpu.vector_load %arg6[%get3A_2324, %get3A_2325] {strides = array<i32>} : memref<128x256xf32, #tpu.memory_space<vmem>>, vector<1x16xf32>,
        %get3A_2327 = vector.shape_cast %get3A_2326 : vector<1x16xf32> to vector<16xf32>
        %max3A_2328 = arith.maximumf %max3A_2319, %get3A_2327 : vector<16xf32>
        %mul3A_2329 = arith.constant 16 : i32
        %mul3A_2330 = arith.muli %scan3A_18, %mul3A_2329 : i32
        %add3A_2331 = arith.constant 14 : i32
        %add3A_2332 = arith.addi %mul3A_2330, %add3A_2331 : i32
        %get3A_2333 = arith.index_cast %add3A_2332 : i32 to index
        %get3A_2334 = arith.constant 240 : index
        %get3A_2335 = tpu.vector_load %arg6[%get3A_2333, %get3A_2334] {strides = array<i32>} : memref<128x256xf32, #tpu.memory_space<vmem>>, vector<1x16xf32>,
        %get3A_2336 = vector.shape_cast %get3A_2335 : vector<1x16xf32> to vector<16xf32>
        %max3A_2337 = arith.maximumf %max3A_2328, %get3A_2336 : vector<16xf32>
        %mul3A_2338 = arith.constant 16 : i32
        %mul3A_2339 = arith.muli %scan3A_18, %mul3A_2338 : i32
        %add3A_2340 = arith.constant 15 : i32
        %add3A_2341 = arith.addi %mul3A_2339, %add3A_2340 : i32
        %get3A_2342 = arith.index_cast %add3A_2341 : i32 to index
        %get3A_2343 = arith.constant 240 : index
        %get3A_2344 = tpu.vector_load %arg6[%get3A_2342, %get3A_2343] {strides = array<i32>} : memref<128x256xf32, #tpu.memory_space<vmem>>, vector<1x16xf32>,
        %get3A_2345 = vector.shape_cast %get3A_2344 : vector<1x16xf32> to vector<16xf32>
        %max3A_2346 = arith.maximumf %max3A_2337, %get3A_2345 : vector<16xf32>
        %swap3A_2347 = arith.index_cast %scan3A_18 : i32 to index
        %swap3A_2348 = arith.constant 240 : index
        %swap3A_2349 = tpu.vector_load %arg7[%swap3A_2347, %swap3A_2348] {strides = array<i32>} : memref<8x256xf32, #tpu.memory_space<vmem>>, vector<1x16xf32>,
        %swap3A_2350 = vector.shape_cast %swap3A_2349 : vector<1x16xf32> to vector<16xf32>
        %swap3A_2351 = vector.shape_cast %max3A_2346 : vector<16xf32> to vector<1x16xf32>
        tpu.vector_store %arg7[%swap3A_2347, %swap3A_2348], %swap3A_2351 {strides = array<i32>} : memref<8x256xf32, #tpu.memory_space<vmem>>, vector<1x16xf32>,
      }
      %scan3A_12 = arith.constant 8 : i32
      %mul3A_13 = arith.constant 256 : i32
      %mul3A_14 = arith.muli %add3A, %mul3A_13 : i32
      %mul3A_15 = arith.constant 8 : i32
      %mul3A_16 = arith.muli %scan3A_6, %mul3A_15 : i32
      %add3A_17 = arith.addi %mul3A_14, %mul3A_16 : i32
      "tpu.region"() ({
        %run_scoped3A = tpu.sem_alloc : memref<!tpu.dma_semaphore, #tpu.memory_space<semaphore_mem>>
        %dma_start3A = arith.constant 0 : i32
        %dma_start3A_18 = tpu.memref_slice %arg4[%add3A_17, %dma_start3A] : memref<8192x256xf32, #tpu.memory_space<hbm>> -> memref<8x256xf32, #tpu.memory_space<hbm>>
        %dma_start3A_19 = arith.constant 0 : i32
        %dma_start3A_20 = tpu.memref_slice %arg4[%add3A_17, %dma_start3A_19] : memref<8192x256xf32, #tpu.memory_space<hbm>> -> memref<8x256xf32, #tpu.memory_space<hbm>>
        tpu.enqueue_dma source(%arg7 : memref<8x256xf32, #tpu.memory_space<vmem>>) target(%dma_start3A_20 : memref<8x256xf32, #tpu.memory_space<hbm>>) target_semaphore(%run_scoped3A : memref<!tpu.dma_semaphore, #tpu.memory_space<semaphore_mem>>)
        %dma_wait3A = arith.constant 0 : i32
        %dma_wait3A_21 = tpu.memref_slice %arg4[%add3A_17, %dma_wait3A] : memref<8192x256xf32, #tpu.memory_space<hbm>> -> memref<8x256xf32, #tpu.memory_space<hbm>>
        %dma_wait3A_22 = arith.constant 0 : i32
        %dma_wait3A_23 = tpu.memref_slice %arg4[%add3A_17, %dma_wait3A_22] : memref<8192x256xf32, #tpu.memory_space<hbm>> -> memref<8x256xf32, #tpu.memory_space<hbm>>
        tpu.wait_dma2 semaphore(%run_scoped3A : memref<!tpu.dma_semaphore, #tpu.memory_space<semaphore_mem>>) src(%arg7 : memref<8x256xf32, #tpu.memory_space<vmem>>) dst(%dma_wait3A_23 : memref<8x256xf32, #tpu.memory_space<hbm>>)
        tpu.yield
      }) : () -> ()
    }
    %scan3A_5 = arith.constant 32 : i32
    return
  }
}

module attributes {stable_mosaic.version = 14 : i64} {
  func.func @_topk_body_g(%arg0: i32, %arg1: i32, %arg2: memref<128x3xf32, #tpu.memory_space<vmem>>, %arg3: memref<1x3x4096xf32, #tpu.memory_space<vmem>>, %arg4: memref<128x16xi32, #tpu.memory_space<vmem>>, %arg5: memref<128x3xf32, #tpu.memory_space<vmem>>) attributes {dimension_semantics = [#tpu.dimension_semantics<arbitrary>, #tpu.dimension_semantics<arbitrary>], iteration_bounds = array<i64: 8, 8>, scalar_prefetch = 0 : i64, scratch_operands = 0 : i64, tpu.core_type = #tpu.core_type<tc>, window_params = [{transform_indices = @transform_0, window_bounds = array<i64: 128, 3>}, {transform_indices = @transform_1, window_bounds = array<i64: 1, 3, 4096>}, {transform_indices = @transform_2, window_bounds = array<i64: 128, 16>}, {transform_indices = @transform_3, window_bounds = array<i64: 128, 3>}]} {
    %mul3A = arith.constant 4096 : i32
    %mul3A_0 = arith.muli %arg0, %mul3A : i32
    %get3A = arith.constant 0 : index
    %get3A_1 = arith.constant 0 : index
    %get3A_2 = vector.load %arg2[%get3A, %get3A_1] : memref<128x3xf32, #tpu.memory_space<vmem>>, vector<128x3xf32>
    %get3A_3 = arith.constant 0 : index
    %get3A_4 = arith.constant 0 : index
    %get3A_5 = arith.constant 0 : index
    %get3A_6 = vector.load %arg3[%get3A_3, %get3A_4, %get3A_5] : memref<1x3x4096xf32, #tpu.memory_space<vmem>>, vector<1x3x4096xf32>
    %get3A_7 = vector.shape_cast %get3A_6 : vector<1x3x4096xf32> to vector<3x4096xf32>
    %slice3A = vector.extract_strided_slice %get3A_2 {offsets = [0, 0], sizes = [128, 1], strides = [1, 1]} : vector<128x3xf32> to vector<128x1xf32>
    %slice3A_8 = vector.extract_strided_slice %get3A_7 {offsets = [0, 0], sizes = [1, 4096], strides = [1, 1]} : vector<3x4096xf32> to vector<1x4096xf32>
    %sub3A = vector.broadcast %slice3A : vector<128x1xf32> to vector<128x4096xf32>
    %sub3A_9 = vector.broadcast %slice3A_8 : vector<1x4096xf32> to vector<128x4096xf32>
    %sub3A_10 = arith.subf %sub3A, %sub3A_9 : vector<128x4096xf32>
    %mul3A_11 = arith.mulf %sub3A_10, %sub3A_10 : vector<128x4096xf32>
    %slice3A_12 = vector.extract_strided_slice %get3A_2 {offsets = [0, 1], sizes = [128, 1], strides = [1, 1]} : vector<128x3xf32> to vector<128x1xf32>
    %slice3A_13 = vector.extract_strided_slice %get3A_7 {offsets = [1, 0], sizes = [1, 4096], strides = [1, 1]} : vector<3x4096xf32> to vector<1x4096xf32>
    %sub3A_14 = vector.broadcast %slice3A_12 : vector<128x1xf32> to vector<128x4096xf32>
    %sub3A_15 = vector.broadcast %slice3A_13 : vector<1x4096xf32> to vector<128x4096xf32>
    %sub3A_16 = arith.subf %sub3A_14, %sub3A_15 : vector<128x4096xf32>
    %mul3A_17 = arith.mulf %sub3A_16, %sub3A_16 : vector<128x4096xf32>
    %add3A = arith.addf %mul3A_11, %mul3A_17 : vector<128x4096xf32>
    %slice3A_18 = vector.extract_strided_slice %get3A_2 {offsets = [0, 2], sizes = [128, 1], strides = [1, 1]} : vector<128x3xf32> to vector<128x1xf32>
    %slice3A_19 = vector.extract_strided_slice %get3A_7 {offsets = [2, 0], sizes = [1, 4096], strides = [1, 1]} : vector<3x4096xf32> to vector<1x4096xf32>
    %sub3A_20 = vector.broadcast %slice3A_18 : vector<128x1xf32> to vector<128x4096xf32>
    %sub3A_21 = vector.broadcast %slice3A_19 : vector<1x4096xf32> to vector<128x4096xf32>
    %sub3A_22 = arith.subf %sub3A_20, %sub3A_21 : vector<128x4096xf32>
    %mul3A_23 = arith.mulf %sub3A_22, %sub3A_22 : vector<128x4096xf32>
    %add3A_24 = arith.addf %add3A, %mul3A_23 : vector<128x4096xf32>
    %iota3A = tpu.iota {dimensions = array<i32: 1>} : vector<128x4096xi32>
    %argmin3A = tpu.reduce_index %add3A_24 {axis = 1 : i32, kind = #tpu.reduction_kind<arg_min>} : vector<128x4096xf32> -> vector<128xi32>
    %reshape3A = vector.shape_cast %argmin3A : vector<128xi32> to vector<128x1xi32>
    %eq3A = vector.broadcast %reshape3A : vector<128x1xi32> to vector<128x4096xi32>
    %eq3A_25 = arith.cmpi eq, %iota3A, %eq3A : vector<128x4096xi32>
    %jit3A = arith.constant 0x7F800000 : f32
    %broadcast_in_dim3A = vector.broadcast %jit3A : f32 to vector<128x4096xf32>
    %select_n3A = arith.select %eq3A_25, %broadcast_in_dim3A, %add3A_24 : vector<128x4096xi1>, vector<128x4096xf32>
    %add3A_26 = vector.broadcast %mul3A_0 : i32 to vector<128x1xi32>
    %add3A_27 = arith.addi %reshape3A, %add3A_26 : vector<128x1xi32>
    %swap3A = arith.constant 0 : index
    %swap3A_28 = arith.constant 0 : index
    %swap3A_29 = vector.load %arg4[%swap3A, %swap3A_28] : memref<128x16xi32, #tpu.memory_space<vmem>>, vector<128x1xi32>
    tpu.vector_store %arg4[%swap3A, %swap3A_28], %add3A_27 {strides = array<i32>} : memref<128x16xi32, #tpu.memory_space<vmem>>, vector<128x1xi32>,
    %argmin3A_30 = tpu.reduce_index %select_n3A {axis = 1 : i32, kind = #tpu.reduction_kind<arg_min>} : vector<128x4096xf32> -> vector<128xi32>
    %reshape3A_31 = vector.shape_cast %argmin3A_30 : vector<128xi32> to vector<128x1xi32>
    %eq3A_32 = vector.broadcast %reshape3A_31 : vector<128x1xi32> to vector<128x4096xi32>
    %eq3A_33 = arith.cmpi eq, %iota3A, %eq3A_32 : vector<128x4096xi32>
    %jit3A_34 = arith.constant 0x7F800000 : f32
    %broadcast_in_dim3A_35 = vector.broadcast %jit3A_34 : f32 to vector<128x4096xf32>
    %select_n3A_36 = arith.select %eq3A_33, %broadcast_in_dim3A_35, %select_n3A : vector<128x4096xi1>, vector<128x4096xf32>
    %add3A_37 = vector.broadcast %mul3A_0 : i32 to vector<128x1xi32>
    %add3A_38 = arith.addi %reshape3A_31, %add3A_37 : vector<128x1xi32>
    %swap3A_39 = arith.constant 0 : index
    %swap3A_40 = arith.constant 1 : index
    %swap3A_41 = vector.load %arg4[%swap3A_39, %swap3A_40] : memref<128x16xi32, #tpu.memory_space<vmem>>, vector<128x1xi32>
    tpu.vector_store %arg4[%swap3A_39, %swap3A_40], %add3A_38 {strides = array<i32>} : memref<128x16xi32, #tpu.memory_space<vmem>>, vector<128x1xi32>,
    %argmin3A_42 = tpu.reduce_index %select_n3A_36 {axis = 1 : i32, kind = #tpu.reduction_kind<arg_min>} : vector<128x4096xf32> -> vector<128xi32>
    %reshape3A_43 = vector.shape_cast %argmin3A_42 : vector<128xi32> to vector<128x1xi32>
    %eq3A_44 = vector.broadcast %reshape3A_43 : vector<128x1xi32> to vector<128x4096xi32>
    %eq3A_45 = arith.cmpi eq, %iota3A, %eq3A_44 : vector<128x4096xi32>
    %jit3A_46 = arith.constant 0x7F800000 : f32
    %broadcast_in_dim3A_47 = vector.broadcast %jit3A_46 : f32 to vector<128x4096xf32>
    %select_n3A_48 = arith.select %eq3A_45, %broadcast_in_dim3A_47, %select_n3A_36 : vector<128x4096xi1>, vector<128x4096xf32>
    %add3A_49 = vector.broadcast %mul3A_0 : i32 to vector<128x1xi32>
    %add3A_50 = arith.addi %reshape3A_43, %add3A_49 : vector<128x1xi32>
    %swap3A_51 = arith.constant 0 : index
    %swap3A_52 = arith.constant 2 : index
    %swap3A_53 = vector.load %arg4[%swap3A_51, %swap3A_52] : memref<128x16xi32, #tpu.memory_space<vmem>>, vector<128x1xi32>
    tpu.vector_store %arg4[%swap3A_51, %swap3A_52], %add3A_50 {strides = array<i32>} : memref<128x16xi32, #tpu.memory_space<vmem>>, vector<128x1xi32>,
    %argmin3A_54 = tpu.reduce_index %select_n3A_48 {axis = 1 : i32, kind = #tpu.reduction_kind<arg_min>} : vector<128x4096xf32> -> vector<128xi32>
    %reshape3A_55 = vector.shape_cast %argmin3A_54 : vector<128xi32> to vector<128x1xi32>
    %eq3A_56 = vector.broadcast %reshape3A_55 : vector<128x1xi32> to vector<128x4096xi32>
    %eq3A_57 = arith.cmpi eq, %iota3A, %eq3A_56 : vector<128x4096xi32>
    %jit3A_58 = arith.constant 0x7F800000 : f32
    %broadcast_in_dim3A_59 = vector.broadcast %jit3A_58 : f32 to vector<128x4096xf32>
    %select_n3A_60 = arith.select %eq3A_57, %broadcast_in_dim3A_59, %select_n3A_48 : vector<128x4096xi1>, vector<128x4096xf32>
    %add3A_61 = vector.broadcast %mul3A_0 : i32 to vector<128x1xi32>
    %add3A_62 = arith.addi %reshape3A_55, %add3A_61 : vector<128x1xi32>
    %swap3A_63 = arith.constant 0 : index
    %swap3A_64 = arith.constant 3 : index
    %swap3A_65 = vector.load %arg4[%swap3A_63, %swap3A_64] : memref<128x16xi32, #tpu.memory_space<vmem>>, vector<128x1xi32>
    tpu.vector_store %arg4[%swap3A_63, %swap3A_64], %add3A_62 {strides = array<i32>} : memref<128x16xi32, #tpu.memory_space<vmem>>, vector<128x1xi32>,
    %argmin3A_66 = tpu.reduce_index %select_n3A_60 {axis = 1 : i32, kind = #tpu.reduction_kind<arg_min>} : vector<128x4096xf32> -> vector<128xi32>
    %reshape3A_67 = vector.shape_cast %argmin3A_66 : vector<128xi32> to vector<128x1xi32>
    %eq3A_68 = vector.broadcast %reshape3A_67 : vector<128x1xi32> to vector<128x4096xi32>
    %eq3A_69 = arith.cmpi eq, %iota3A, %eq3A_68 : vector<128x4096xi32>
    %jit3A_70 = arith.constant 0x7F800000 : f32
    %broadcast_in_dim3A_71 = vector.broadcast %jit3A_70 : f32 to vector<128x4096xf32>
    %select_n3A_72 = arith.select %eq3A_69, %broadcast_in_dim3A_71, %select_n3A_60 : vector<128x4096xi1>, vector<128x4096xf32>
    %add3A_73 = vector.broadcast %mul3A_0 : i32 to vector<128x1xi32>
    %add3A_74 = arith.addi %reshape3A_67, %add3A_73 : vector<128x1xi32>
    %swap3A_75 = arith.constant 0 : index
    %swap3A_76 = arith.constant 4 : index
    %swap3A_77 = vector.load %arg4[%swap3A_75, %swap3A_76] : memref<128x16xi32, #tpu.memory_space<vmem>>, vector<128x1xi32>
    tpu.vector_store %arg4[%swap3A_75, %swap3A_76], %add3A_74 {strides = array<i32>} : memref<128x16xi32, #tpu.memory_space<vmem>>, vector<128x1xi32>,
    %argmin3A_78 = tpu.reduce_index %select_n3A_72 {axis = 1 : i32, kind = #tpu.reduction_kind<arg_min>} : vector<128x4096xf32> -> vector<128xi32>
    %reshape3A_79 = vector.shape_cast %argmin3A_78 : vector<128xi32> to vector<128x1xi32>
    %eq3A_80 = vector.broadcast %reshape3A_79 : vector<128x1xi32> to vector<128x4096xi32>
    %eq3A_81 = arith.cmpi eq, %iota3A, %eq3A_80 : vector<128x4096xi32>
    %jit3A_82 = arith.constant 0x7F800000 : f32
    %broadcast_in_dim3A_83 = vector.broadcast %jit3A_82 : f32 to vector<128x4096xf32>
    %select_n3A_84 = arith.select %eq3A_81, %broadcast_in_dim3A_83, %select_n3A_72 : vector<128x4096xi1>, vector<128x4096xf32>
    %add3A_85 = vector.broadcast %mul3A_0 : i32 to vector<128x1xi32>
    %add3A_86 = arith.addi %reshape3A_79, %add3A_85 : vector<128x1xi32>
    %swap3A_87 = arith.constant 0 : index
    %swap3A_88 = arith.constant 5 : index
    %swap3A_89 = vector.load %arg4[%swap3A_87, %swap3A_88] : memref<128x16xi32, #tpu.memory_space<vmem>>, vector<128x1xi32>
    tpu.vector_store %arg4[%swap3A_87, %swap3A_88], %add3A_86 {strides = array<i32>} : memref<128x16xi32, #tpu.memory_space<vmem>>, vector<128x1xi32>,
    %argmin3A_90 = tpu.reduce_index %select_n3A_84 {axis = 1 : i32, kind = #tpu.reduction_kind<arg_min>} : vector<128x4096xf32> -> vector<128xi32>
    %reshape3A_91 = vector.shape_cast %argmin3A_90 : vector<128xi32> to vector<128x1xi32>
    %eq3A_92 = vector.broadcast %reshape3A_91 : vector<128x1xi32> to vector<128x4096xi32>
    %eq3A_93 = arith.cmpi eq, %iota3A, %eq3A_92 : vector<128x4096xi32>
    %jit3A_94 = arith.constant 0x7F800000 : f32
    %broadcast_in_dim3A_95 = vector.broadcast %jit3A_94 : f32 to vector<128x4096xf32>
    %select_n3A_96 = arith.select %eq3A_93, %broadcast_in_dim3A_95, %select_n3A_84 : vector<128x4096xi1>, vector<128x4096xf32>
    %add3A_97 = vector.broadcast %mul3A_0 : i32 to vector<128x1xi32>
    %add3A_98 = arith.addi %reshape3A_91, %add3A_97 : vector<128x1xi32>
    %swap3A_99 = arith.constant 0 : index
    %swap3A_100 = arith.constant 6 : index
    %swap3A_101 = vector.load %arg4[%swap3A_99, %swap3A_100] : memref<128x16xi32, #tpu.memory_space<vmem>>, vector<128x1xi32>
    tpu.vector_store %arg4[%swap3A_99, %swap3A_100], %add3A_98 {strides = array<i32>} : memref<128x16xi32, #tpu.memory_space<vmem>>, vector<128x1xi32>,
    %argmin3A_102 = tpu.reduce_index %select_n3A_96 {axis = 1 : i32, kind = #tpu.reduction_kind<arg_min>} : vector<128x4096xf32> -> vector<128xi32>
    %reshape3A_103 = vector.shape_cast %argmin3A_102 : vector<128xi32> to vector<128x1xi32>
    %eq3A_104 = vector.broadcast %reshape3A_103 : vector<128x1xi32> to vector<128x4096xi32>
    %eq3A_105 = arith.cmpi eq, %iota3A, %eq3A_104 : vector<128x4096xi32>
    %jit3A_106 = arith.constant 0x7F800000 : f32
    %broadcast_in_dim3A_107 = vector.broadcast %jit3A_106 : f32 to vector<128x4096xf32>
    %select_n3A_108 = arith.select %eq3A_105, %broadcast_in_dim3A_107, %select_n3A_96 : vector<128x4096xi1>, vector<128x4096xf32>
    %add3A_109 = vector.broadcast %mul3A_0 : i32 to vector<128x1xi32>
    %add3A_110 = arith.addi %reshape3A_103, %add3A_109 : vector<128x1xi32>
    %swap3A_111 = arith.constant 0 : index
    %swap3A_112 = arith.constant 7 : index
    %swap3A_113 = vector.load %arg4[%swap3A_111, %swap3A_112] : memref<128x16xi32, #tpu.memory_space<vmem>>, vector<128x1xi32>
    tpu.vector_store %arg4[%swap3A_111, %swap3A_112], %add3A_110 {strides = array<i32>} : memref<128x16xi32, #tpu.memory_space<vmem>>, vector<128x1xi32>,
    %argmin3A_114 = tpu.reduce_index %select_n3A_108 {axis = 1 : i32, kind = #tpu.reduction_kind<arg_min>} : vector<128x4096xf32> -> vector<128xi32>
    %reshape3A_115 = vector.shape_cast %argmin3A_114 : vector<128xi32> to vector<128x1xi32>
    %eq3A_116 = vector.broadcast %reshape3A_115 : vector<128x1xi32> to vector<128x4096xi32>
    %eq3A_117 = arith.cmpi eq, %iota3A, %eq3A_116 : vector<128x4096xi32>
    %jit3A_118 = arith.constant 0x7F800000 : f32
    %broadcast_in_dim3A_119 = vector.broadcast %jit3A_118 : f32 to vector<128x4096xf32>
    %select_n3A_120 = arith.select %eq3A_117, %broadcast_in_dim3A_119, %select_n3A_108 : vector<128x4096xi1>, vector<128x4096xf32>
    %add3A_121 = vector.broadcast %mul3A_0 : i32 to vector<128x1xi32>
    %add3A_122 = arith.addi %reshape3A_115, %add3A_121 : vector<128x1xi32>
    %swap3A_123 = arith.constant 0 : index
    %swap3A_124 = arith.constant 8 : index
    %swap3A_125 = vector.load %arg4[%swap3A_123, %swap3A_124] : memref<128x16xi32, #tpu.memory_space<vmem>>, vector<128x1xi32>
    tpu.vector_store %arg4[%swap3A_123, %swap3A_124], %add3A_122 {strides = array<i32>} : memref<128x16xi32, #tpu.memory_space<vmem>>, vector<128x1xi32>,
    %argmin3A_126 = tpu.reduce_index %select_n3A_120 {axis = 1 : i32, kind = #tpu.reduction_kind<arg_min>} : vector<128x4096xf32> -> vector<128xi32>
    %reshape3A_127 = vector.shape_cast %argmin3A_126 : vector<128xi32> to vector<128x1xi32>
    %eq3A_128 = vector.broadcast %reshape3A_127 : vector<128x1xi32> to vector<128x4096xi32>
    %eq3A_129 = arith.cmpi eq, %iota3A, %eq3A_128 : vector<128x4096xi32>
    %jit3A_130 = arith.constant 0x7F800000 : f32
    %broadcast_in_dim3A_131 = vector.broadcast %jit3A_130 : f32 to vector<128x4096xf32>
    %select_n3A_132 = arith.select %eq3A_129, %broadcast_in_dim3A_131, %select_n3A_120 : vector<128x4096xi1>, vector<128x4096xf32>
    %add3A_133 = vector.broadcast %mul3A_0 : i32 to vector<128x1xi32>
    %add3A_134 = arith.addi %reshape3A_127, %add3A_133 : vector<128x1xi32>
    %swap3A_135 = arith.constant 0 : index
    %swap3A_136 = arith.constant 9 : index
    %swap3A_137 = vector.load %arg4[%swap3A_135, %swap3A_136] : memref<128x16xi32, #tpu.memory_space<vmem>>, vector<128x1xi32>
    tpu.vector_store %arg4[%swap3A_135, %swap3A_136], %add3A_134 {strides = array<i32>} : memref<128x16xi32, #tpu.memory_space<vmem>>, vector<128x1xi32>,
    %argmin3A_138 = tpu.reduce_index %select_n3A_132 {axis = 1 : i32, kind = #tpu.reduction_kind<arg_min>} : vector<128x4096xf32> -> vector<128xi32>
    %reshape3A_139 = vector.shape_cast %argmin3A_138 : vector<128xi32> to vector<128x1xi32>
    %eq3A_140 = vector.broadcast %reshape3A_139 : vector<128x1xi32> to vector<128x4096xi32>
    %eq3A_141 = arith.cmpi eq, %iota3A, %eq3A_140 : vector<128x4096xi32>
    %jit3A_142 = arith.constant 0x7F800000 : f32
    %broadcast_in_dim3A_143 = vector.broadcast %jit3A_142 : f32 to vector<128x4096xf32>
    %select_n3A_144 = arith.select %eq3A_141, %broadcast_in_dim3A_143, %select_n3A_132 : vector<128x4096xi1>, vector<128x4096xf32>
    %add3A_145 = vector.broadcast %mul3A_0 : i32 to vector<128x1xi32>
    %add3A_146 = arith.addi %reshape3A_139, %add3A_145 : vector<128x1xi32>
    %swap3A_147 = arith.constant 0 : index
    %swap3A_148 = arith.constant 10 : index
    %swap3A_149 = vector.load %arg4[%swap3A_147, %swap3A_148] : memref<128x16xi32, #tpu.memory_space<vmem>>, vector<128x1xi32>
    tpu.vector_store %arg4[%swap3A_147, %swap3A_148], %add3A_146 {strides = array<i32>} : memref<128x16xi32, #tpu.memory_space<vmem>>, vector<128x1xi32>,
    %argmin3A_150 = tpu.reduce_index %select_n3A_144 {axis = 1 : i32, kind = #tpu.reduction_kind<arg_min>} : vector<128x4096xf32> -> vector<128xi32>
    %reshape3A_151 = vector.shape_cast %argmin3A_150 : vector<128xi32> to vector<128x1xi32>
    %eq3A_152 = vector.broadcast %reshape3A_151 : vector<128x1xi32> to vector<128x4096xi32>
    %eq3A_153 = arith.cmpi eq, %iota3A, %eq3A_152 : vector<128x4096xi32>
    %jit3A_154 = arith.constant 0x7F800000 : f32
    %broadcast_in_dim3A_155 = vector.broadcast %jit3A_154 : f32 to vector<128x4096xf32>
    %select_n3A_156 = arith.select %eq3A_153, %broadcast_in_dim3A_155, %select_n3A_144 : vector<128x4096xi1>, vector<128x4096xf32>
    %add3A_157 = vector.broadcast %mul3A_0 : i32 to vector<128x1xi32>
    %add3A_158 = arith.addi %reshape3A_151, %add3A_157 : vector<128x1xi32>
    %swap3A_159 = arith.constant 0 : index
    %swap3A_160 = arith.constant 11 : index
    %swap3A_161 = vector.load %arg4[%swap3A_159, %swap3A_160] : memref<128x16xi32, #tpu.memory_space<vmem>>, vector<128x1xi32>
    tpu.vector_store %arg4[%swap3A_159, %swap3A_160], %add3A_158 {strides = array<i32>} : memref<128x16xi32, #tpu.memory_space<vmem>>, vector<128x1xi32>,
    %argmin3A_162 = tpu.reduce_index %select_n3A_156 {axis = 1 : i32, kind = #tpu.reduction_kind<arg_min>} : vector<128x4096xf32> -> vector<128xi32>
    %reshape3A_163 = vector.shape_cast %argmin3A_162 : vector<128xi32> to vector<128x1xi32>
    %eq3A_164 = vector.broadcast %reshape3A_163 : vector<128x1xi32> to vector<128x4096xi32>
    %eq3A_165 = arith.cmpi eq, %iota3A, %eq3A_164 : vector<128x4096xi32>
    %jit3A_166 = arith.constant 0x7F800000 : f32
    %broadcast_in_dim3A_167 = vector.broadcast %jit3A_166 : f32 to vector<128x4096xf32>
    %select_n3A_168 = arith.select %eq3A_165, %broadcast_in_dim3A_167, %select_n3A_156 : vector<128x4096xi1>, vector<128x4096xf32>
    %add3A_169 = vector.broadcast %mul3A_0 : i32 to vector<128x1xi32>
    %add3A_170 = arith.addi %reshape3A_163, %add3A_169 : vector<128x1xi32>
    %swap3A_171 = arith.constant 0 : index
    %swap3A_172 = arith.constant 12 : index
    %swap3A_173 = vector.load %arg4[%swap3A_171, %swap3A_172] : memref<128x16xi32, #tpu.memory_space<vmem>>, vector<128x1xi32>
    tpu.vector_store %arg4[%swap3A_171, %swap3A_172], %add3A_170 {strides = array<i32>} : memref<128x16xi32, #tpu.memory_space<vmem>>, vector<128x1xi32>,
    %argmin3A_174 = tpu.reduce_index %select_n3A_168 {axis = 1 : i32, kind = #tpu.reduction_kind<arg_min>} : vector<128x4096xf32> -> vector<128xi32>
    %reshape3A_175 = vector.shape_cast %argmin3A_174 : vector<128xi32> to vector<128x1xi32>
    %eq3A_176 = vector.broadcast %reshape3A_175 : vector<128x1xi32> to vector<128x4096xi32>
    %eq3A_177 = arith.cmpi eq, %iota3A, %eq3A_176 : vector<128x4096xi32>
    %jit3A_178 = arith.constant 0x7F800000 : f32
    %broadcast_in_dim3A_179 = vector.broadcast %jit3A_178 : f32 to vector<128x4096xf32>
    %select_n3A_180 = arith.select %eq3A_177, %broadcast_in_dim3A_179, %select_n3A_168 : vector<128x4096xi1>, vector<128x4096xf32>
    %add3A_181 = vector.broadcast %mul3A_0 : i32 to vector<128x1xi32>
    %add3A_182 = arith.addi %reshape3A_175, %add3A_181 : vector<128x1xi32>
    %swap3A_183 = arith.constant 0 : index
    %swap3A_184 = arith.constant 13 : index
    %swap3A_185 = vector.load %arg4[%swap3A_183, %swap3A_184] : memref<128x16xi32, #tpu.memory_space<vmem>>, vector<128x1xi32>
    tpu.vector_store %arg4[%swap3A_183, %swap3A_184], %add3A_182 {strides = array<i32>} : memref<128x16xi32, #tpu.memory_space<vmem>>, vector<128x1xi32>,
    %argmin3A_186 = tpu.reduce_index %select_n3A_180 {axis = 1 : i32, kind = #tpu.reduction_kind<arg_min>} : vector<128x4096xf32> -> vector<128xi32>
    %reshape3A_187 = vector.shape_cast %argmin3A_186 : vector<128xi32> to vector<128x1xi32>
    %eq3A_188 = vector.broadcast %reshape3A_187 : vector<128x1xi32> to vector<128x4096xi32>
    %eq3A_189 = arith.cmpi eq, %iota3A, %eq3A_188 : vector<128x4096xi32>
    %jit3A_190 = arith.constant 0x7F800000 : f32
    %broadcast_in_dim3A_191 = vector.broadcast %jit3A_190 : f32 to vector<128x4096xf32>
    %select_n3A_192 = arith.select %eq3A_189, %broadcast_in_dim3A_191, %select_n3A_180 : vector<128x4096xi1>, vector<128x4096xf32>
    %add3A_193 = vector.broadcast %mul3A_0 : i32 to vector<128x1xi32>
    %add3A_194 = arith.addi %reshape3A_187, %add3A_193 : vector<128x1xi32>
    %swap3A_195 = arith.constant 0 : index
    %swap3A_196 = arith.constant 14 : index
    %swap3A_197 = vector.load %arg4[%swap3A_195, %swap3A_196] : memref<128x16xi32, #tpu.memory_space<vmem>>, vector<128x1xi32>
    tpu.vector_store %arg4[%swap3A_195, %swap3A_196], %add3A_194 {strides = array<i32>} : memref<128x16xi32, #tpu.memory_space<vmem>>, vector<128x1xi32>,
    %argmin3A_198 = tpu.reduce_index %select_n3A_192 {axis = 1 : i32, kind = #tpu.reduction_kind<arg_min>} : vector<128x4096xf32> -> vector<128xi32>
    %reshape3A_199 = vector.shape_cast %argmin3A_198 : vector<128xi32> to vector<128x1xi32>
    %eq3A_200 = vector.broadcast %reshape3A_199 : vector<128x1xi32> to vector<128x4096xi32>
    %eq3A_201 = arith.cmpi eq, %iota3A, %eq3A_200 : vector<128x4096xi32>
    %jit3A_202 = arith.constant 0x7F800000 : f32
    %broadcast_in_dim3A_203 = vector.broadcast %jit3A_202 : f32 to vector<128x4096xf32>
    %select_n3A_204 = arith.select %eq3A_201, %broadcast_in_dim3A_203, %select_n3A_192 : vector<128x4096xi1>, vector<128x4096xf32>
    %add3A_205 = vector.broadcast %mul3A_0 : i32 to vector<128x1xi32>
    %add3A_206 = arith.addi %reshape3A_199, %add3A_205 : vector<128x1xi32>
    %swap3A_207 = arith.constant 0 : index
    %swap3A_208 = arith.constant 15 : index
    %swap3A_209 = vector.load %arg4[%swap3A_207, %swap3A_208] : memref<128x16xi32, #tpu.memory_space<vmem>>, vector<128x1xi32>
    tpu.vector_store %arg4[%swap3A_207, %swap3A_208], %add3A_206 {strides = array<i32>} : memref<128x16xi32, #tpu.memory_space<vmem>>, vector<128x1xi32>,
    %abs3A = math.absf %select_n3A_204 : vector<128x4096xf32>
    %eq3A_210 = arith.constant 0x7F800000 : f32
    %eq3A_211 = vector.broadcast %eq3A_210 : f32 to vector<128x4096xf32>
    %eq3A_212 = arith.cmpf oeq, %abs3A, %eq3A_211 : vector<128x4096xf32>
    %slice3A_213 = vector.extract_strided_slice %get3A_7 {offsets = [0, 0], sizes = [1, 4096], strides = [1, 1]} : vector<3x4096xf32> to vector<1x4096xf32>
    %neg3A = arith.constant 0.000000e+00 : f32
    %neg3A_214 = arith.constant 0x7F800000 : f32
    %neg3A_215 = arith.subf %neg3A, %neg3A_214 : f32
    %broadcast_in_dim3A_216 = vector.shape_cast %slice3A_213 : vector<1x4096xf32> to vector<1x4096xf32>
    %broadcast_in_dim3A_217 = vector.broadcast %broadcast_in_dim3A_216 : vector<1x4096xf32> to vector<128x4096xf32>
    %broadcast_in_dim3A_218 = vector.broadcast %neg3A_215 : f32 to vector<128x4096xf32>
    %select_n3A_219 = arith.select %eq3A_212, %broadcast_in_dim3A_217, %broadcast_in_dim3A_218 : vector<128x4096xi1>, vector<128x4096xf32>
    %reduce_max3A = arith.constant dense<0xFF800000> : vector<128xf32>
    %reduce_max3A_220 = vector.multi_reduction <maximumf>, %select_n3A_219, %reduce_max3A [1] : vector<128x4096xf32> to vector<128xf32>
    %broadcast_in_dim3A_221 = vector.shape_cast %reduce_max3A_220 : vector<128xf32> to vector<128x1xf32>
    %slice3A_222 = vector.extract_strided_slice %get3A_2 {offsets = [0, 0], sizes = [128, 1], strides = [1, 1]} : vector<128x3xf32> to vector<128x1xf32>
    %sub3A_223 = arith.subf %broadcast_in_dim3A_221, %slice3A_222 : vector<128x1xf32>
    %swap3A_224 = arith.constant 0 : index
    %swap3A_225 = arith.constant 0 : index
    %swap3A_226 = vector.load %arg5[%swap3A_224, %swap3A_225] : memref<128x3xf32, #tpu.memory_space<vmem>>, vector<128x1xf32>
    tpu.vector_store %arg5[%swap3A_224, %swap3A_225], %sub3A_223 {strides = array<i32>} : memref<128x3xf32, #tpu.memory_space<vmem>>, vector<128x1xf32>,
    %slice3A_227 = vector.extract_strided_slice %get3A_7 {offsets = [1, 0], sizes = [1, 4096], strides = [1, 1]} : vector<3x4096xf32> to vector<1x4096xf32>
    %neg3A_228 = arith.constant 0.000000e+00 : f32
    %neg3A_229 = arith.constant 0x7F800000 : f32
    %neg3A_230 = arith.subf %neg3A_228, %neg3A_229 : f32
    %broadcast_in_dim3A_231 = vector.shape_cast %slice3A_227 : vector<1x4096xf32> to vector<1x4096xf32>
    %broadcast_in_dim3A_232 = vector.broadcast %broadcast_in_dim3A_231 : vector<1x4096xf32> to vector<128x4096xf32>
    %broadcast_in_dim3A_233 = vector.broadcast %neg3A_230 : f32 to vector<128x4096xf32>
    %select_n3A_234 = arith.select %eq3A_212, %broadcast_in_dim3A_232, %broadcast_in_dim3A_233 : vector<128x4096xi1>, vector<128x4096xf32>
    %reduce_max3A_235 = arith.constant dense<0xFF800000> : vector<128xf32>
    %reduce_max3A_236 = vector.multi_reduction <maximumf>, %select_n3A_234, %reduce_max3A_235 [1] : vector<128x4096xf32> to vector<128xf32>
    %broadcast_in_dim3A_237 = vector.shape_cast %reduce_max3A_236 : vector<128xf32> to vector<128x1xf32>
    %slice3A_238 = vector.extract_strided_slice %get3A_2 {offsets = [0, 1], sizes = [128, 1], strides = [1, 1]} : vector<128x3xf32> to vector<128x1xf32>
    %sub3A_239 = arith.subf %broadcast_in_dim3A_237, %slice3A_238 : vector<128x1xf32>
    %swap3A_240 = arith.constant 0 : index
    %swap3A_241 = arith.constant 1 : index
    %swap3A_242 = vector.load %arg5[%swap3A_240, %swap3A_241] : memref<128x3xf32, #tpu.memory_space<vmem>>, vector<128x1xf32>
    tpu.vector_store %arg5[%swap3A_240, %swap3A_241], %sub3A_239 {strides = array<i32>} : memref<128x3xf32, #tpu.memory_space<vmem>>, vector<128x1xf32>,
    %slice3A_243 = vector.extract_strided_slice %get3A_7 {offsets = [2, 0], sizes = [1, 4096], strides = [1, 1]} : vector<3x4096xf32> to vector<1x4096xf32>
    %neg3A_244 = arith.constant 0.000000e+00 : f32
    %neg3A_245 = arith.constant 0x7F800000 : f32
    %neg3A_246 = arith.subf %neg3A_244, %neg3A_245 : f32
    %broadcast_in_dim3A_247 = vector.shape_cast %slice3A_243 : vector<1x4096xf32> to vector<1x4096xf32>
    %broadcast_in_dim3A_248 = vector.broadcast %broadcast_in_dim3A_247 : vector<1x4096xf32> to vector<128x4096xf32>
    %broadcast_in_dim3A_249 = vector.broadcast %neg3A_246 : f32 to vector<128x4096xf32>
    %select_n3A_250 = arith.select %eq3A_212, %broadcast_in_dim3A_248, %broadcast_in_dim3A_249 : vector<128x4096xi1>, vector<128x4096xf32>
    %reduce_max3A_251 = arith.constant dense<0xFF800000> : vector<128xf32>
    %reduce_max3A_252 = vector.multi_reduction <maximumf>, %select_n3A_250, %reduce_max3A_251 [1] : vector<128x4096xf32> to vector<128xf32>
    %broadcast_in_dim3A_253 = vector.shape_cast %reduce_max3A_252 : vector<128xf32> to vector<128x1xf32>
    %slice3A_254 = vector.extract_strided_slice %get3A_2 {offsets = [0, 2], sizes = [128, 1], strides = [1, 1]} : vector<128x3xf32> to vector<128x1xf32>
    %sub3A_255 = arith.subf %broadcast_in_dim3A_253, %slice3A_254 : vector<128x1xf32>
    %swap3A_256 = arith.constant 0 : index
    %swap3A_257 = arith.constant 2 : index
    %swap3A_258 = vector.load %arg5[%swap3A_256, %swap3A_257] : memref<128x3xf32, #tpu.memory_space<vmem>>, vector<128x1xf32>
    tpu.vector_store %arg5[%swap3A_256, %swap3A_257], %sub3A_255 {strides = array<i32>} : memref<128x3xf32, #tpu.memory_space<vmem>>, vector<128x1xf32>,
    return
  }
  func.func @transform_0(%arg0: i32, %arg1: i32) -> (i32, i32) {
    %mul3A = arith.constant 8 : i32
    %mul3A_0 = arith.muli %arg0, %mul3A : i32
    %add3A = arith.addi %mul3A_0, %arg1 : i32
    %c0_i32 = arith.constant 0 : i32
    %c0_i32_1 = arith.constant 0 : i32
    return %add3A, %c0_i32 : i32, i32
  }
  func.func @transform_1(%arg0: i32, %arg1: i32) -> (i32, i32, i32) {
    %c0_i32 = arith.constant 0 : i32
    %c0_i32_0 = arith.constant 0 : i32
    %c0_i32_1 = arith.constant 0 : i32
    return %arg0, %c0_i32, %c0_i32_0 : i32, i32, i32
  }
  func.func @transform_2(%arg0: i32, %arg1: i32) -> (i32, i32) {
    %mul3A = arith.constant 8 : i32
    %mul3A_0 = arith.muli %arg0, %mul3A : i32
    %add3A = arith.addi %mul3A_0, %arg1 : i32
    %c0_i32 = arith.constant 0 : i32
    %c0_i32_1 = arith.constant 0 : i32
    return %add3A, %c0_i32 : i32, i32
  }
  func.func @transform_3(%arg0: i32, %arg1: i32) -> (i32, i32) {
    %mul3A = arith.constant 8 : i32
    %mul3A_0 = arith.muli %arg0, %mul3A : i32
    %add3A = arith.addi %mul3A_0, %arg1 : i32
    %c0_i32 = arith.constant 0 : i32
    %c0_i32_1 = arith.constant 0 : i32
    return %add3A, %c0_i32 : i32, i32
  }
}

module attributes {stable_mosaic.version = 14 : i64} {
  func.func @_mlp_body(%arg0: i32, %arg1: memref<512x8xf32, #tpu.memory_space<vmem>>, %arg2: memref<512x256xf32, #tpu.memory_space<vmem>>, %arg3: memref<8x512xf32, #tpu.memory_space<vmem>>, %arg4: memref<256x512xf32, #tpu.memory_space<vmem>>, %arg5: memref<512x512xf32, #tpu.memory_space<vmem>>, %arg6: memref<2x512xf32, #tpu.memory_space<vmem>>) attributes {dimension_semantics = [#tpu.dimension_semantics<arbitrary>], iteration_bounds = array<i64: 16>, scalar_prefetch = 0 : i64, scratch_operands = 0 : i64, tpu.core_type = #tpu.core_type<tc>, window_params = [{transform_indices = @transform_0, window_bounds = array<i64: 512, 8>}, {transform_indices = @transform_1, window_bounds = array<i64: 512, 256>}, {pipeline_mode = #tpu.pipeline_mode<synchronous>, transform_indices = @transform_2, window_bounds = array<i64: 8, 512>}, {pipeline_mode = #tpu.pipeline_mode<synchronous>, transform_indices = @transform_3, window_bounds = array<i64: 256, 512>}, {transform_indices = @transform_4, window_bounds = array<i64: 512, 512>}, {pipeline_mode = #tpu.pipeline_mode<synchronous>, transform_indices = @transform_5, window_bounds = array<i64: 2, 512>}]} {
    %get3A = arith.constant 0 : index
    %get3A_0 = arith.constant 0 : index
    %get3A_1 = vector.load %arg2[%get3A, %get3A_0] : memref<512x256xf32, #tpu.memory_space<vmem>>, vector<512x256xf32>
    %get3A_2 = arith.constant 0 : index
    %get3A_3 = arith.constant 0 : index
    %get3A_4 = vector.load %arg4[%get3A_2, %get3A_3] : memref<256x512xf32, #tpu.memory_space<vmem>>, vector<256x512xf32>
    %dot_general3A = arith.constant dense<0.000000e+00> : vector<512x512xf32>
    %dot_general3A_5 = tpu.matmul %get3A_1, %get3A_4, %dot_general3A {dimension_numbers = #tpu.dot_dimension_numbers<[1], [0], [0], [1], [0, 0, 1, 1], [], []>, transpose_lhs_hint = false} : vector<512x256xf32>, vector<256x512xf32>, vector<512x512xf32> -> vector<512x512xf32>
    %get3A_6 = arith.constant 0 : index
    %get3A_7 = arith.constant 0 : index
    %get3A_8 = vector.load %arg1[%get3A_6, %get3A_7] : memref<512x8xf32, #tpu.memory_space<vmem>>, vector<512x8xf32>
    %get3A_9 = arith.constant 0 : index
    %get3A_10 = arith.constant 0 : index
    %get3A_11 = vector.load %arg3[%get3A_9, %get3A_10] : memref<8x512xf32, #tpu.memory_space<vmem>>, vector<8x512xf32>
    %dot_general3A_12 = arith.constant dense<0.000000e+00> : vector<512x512xf32>
    %dot_general3A_13 = tpu.matmul %get3A_8, %get3A_11, %dot_general3A_12 {dimension_numbers = #tpu.dot_dimension_numbers<[1], [0], [0], [1], [0, 0, 1, 1], [], []>, transpose_lhs_hint = false} : vector<512x8xf32>, vector<8x512xf32>, vector<512x512xf32> -> vector<512x512xf32>
    %add3A = arith.addf %dot_general3A_5, %dot_general3A_13 : vector<512x512xf32>
    %swap3A = arith.constant 0 : index
    %swap3A_14 = arith.constant 0 : index
    %swap3A_15 = vector.load %arg5[%swap3A, %swap3A_14] : memref<512x512xf32, #tpu.memory_space<vmem>>, vector<512x512xf32>
    tpu.vector_store %arg5[%swap3A, %swap3A_14], %add3A {strides = array<i32>} : memref<512x512xf32, #tpu.memory_space<vmem>>, vector<512x512xf32>,
    %reduce_sum3A = arith.constant dense<0.000000e+00> : vector<512xf32>
    %reduce_sum3A_16 = vector.multi_reduction <add>, %add3A, %reduce_sum3A [0] : vector<512x512xf32> to vector<512xf32>
    %broadcast_in_dim3A = vector.shape_cast %reduce_sum3A_16 : vector<512xf32> to vector<1x512xf32>
    %mul3A = arith.mulf %add3A, %add3A : vector<512x512xf32>
    %reduce_sum3A_17 = arith.constant dense<0.000000e+00> : vector<512xf32>
    %reduce_sum3A_18 = vector.multi_reduction <add>, %mul3A, %reduce_sum3A_17 [0] : vector<512x512xf32> to vector<512xf32>
    %broadcast_in_dim3A_19 = vector.shape_cast %reduce_sum3A_18 : vector<512xf32> to vector<1x512xf32>
    %concatenate3A = tpu.concatenate %broadcast_in_dim3A, %broadcast_in_dim3A_19 in 0 : vector<1x512xf32>, vector<1x512xf32> -> vector<2x512xf32>
    %eq3A = arith.constant 0 : i32
    %eq3A_20 = arith.cmpi eq, %arg0, %eq3A : i32
    %convert_element_type3A = arith.extui %eq3A_20 : i1 to i32
    %cond3A = arith.constant 0 : i32
    %cond3A_21 = arith.cmpi ne, %convert_element_type3A, %cond3A : i32
    scf.if %cond3A_21 {
      %swap3A_26 = arith.constant 0 : index
      %swap3A_27 = arith.constant 0 : index
      %swap3A_28 = vector.load %arg6[%swap3A_26, %swap3A_27] : memref<2x512xf32, #tpu.memory_space<vmem>>, vector<2x512xf32>
      tpu.vector_store %arg6[%swap3A_26, %swap3A_27], %concatenate3A {strides = array<i32>} : memref<2x512xf32, #tpu.memory_space<vmem>>, vector<2x512xf32>,
    } else {
    }
    %ne3A = arith.constant 0 : i32
    %ne3A_22 = arith.cmpi ne, %arg0, %ne3A : i32
    %convert_element_type3A_23 = arith.extui %ne3A_22 : i1 to i32
    %cond3A_24 = arith.constant 0 : i32
    %cond3A_25 = arith.cmpi ne, %convert_element_type3A_23, %cond3A_24 : i32
    scf.if %cond3A_25 {
      %get3A_26 = arith.constant 0 : index
      %get3A_27 = arith.constant 0 : index
      %get3A_28 = vector.load %arg6[%get3A_26, %get3A_27] : memref<2x512xf32, #tpu.memory_space<vmem>>, vector<2x512xf32>
      %add3A_29 = arith.addf %get3A_28, %concatenate3A : vector<2x512xf32>
      %swap3A_30 = arith.constant 0 : index
      %swap3A_31 = arith.constant 0 : index
      %swap3A_32 = vector.load %arg6[%swap3A_30, %swap3A_31] : memref<2x512xf32, #tpu.memory_space<vmem>>, vector<2x512xf32>
      tpu.vector_store %arg6[%swap3A_30, %swap3A_31], %add3A_29 {strides = array<i32>} : memref<2x512xf32, #tpu.memory_space<vmem>>, vector<2x512xf32>,
    } else {
    }
    return
  }
  func.func @transform_0(%arg0: i32) -> (i32, i32) {
    %c0_i32 = arith.constant 0 : i32
    %c0_i32_0 = arith.constant 0 : i32
    return %arg0, %c0_i32 : i32, i32
  }
  func.func @transform_1(%arg0: i32) -> (i32, i32) {
    %c0_i32 = arith.constant 0 : i32
    %c0_i32_0 = arith.constant 0 : i32
    return %arg0, %c0_i32 : i32, i32
  }
  func.func @transform_2(%arg0: i32) -> (i32, i32) {
    %c0_i32 = arith.constant 0 : i32
    %c0_i32_0 = arith.constant 0 : i32
    %c0_i32_1 = arith.constant 0 : i32
    return %c0_i32, %c0_i32_0 : i32, i32
  }
  func.func @transform_3(%arg0: i32) -> (i32, i32) {
    %c0_i32 = arith.constant 0 : i32
    %c0_i32_0 = arith.constant 0 : i32
    %c0_i32_1 = arith.constant 0 : i32
    return %c0_i32, %c0_i32_0 : i32, i32
  }
  func.func @transform_4(%arg0: i32) -> (i32, i32) {
    %c0_i32 = arith.constant 0 : i32
    %c0_i32_0 = arith.constant 0 : i32
    return %arg0, %c0_i32 : i32, i32
  }
  func.func @transform_5(%arg0: i32) -> (i32, i32) {
    %c0_i32 = arith.constant 0 : i32
    %c0_i32_0 = arith.constant 0 : i32
    %c0_i32_1 = arith.constant 0 : i32
    return %c0_i32, %c0_i32_0 : i32, i32
  }
}

module attributes {stable_mosaic.version = 14 : i64} {
  func.func @_bn_body(%arg0: i32, %arg1: memref<512x512xf32, #tpu.memory_space<vmem>>, %arg2: memref<2x512xf32, #tpu.memory_space<vmem>>, %arg3: memref<1x512xf32, #tpu.memory_space<vmem>>, %arg4: memref<1x512xf32, #tpu.memory_space<vmem>>, %arg5: memref<512x512xf32, #tpu.memory_space<vmem>>) attributes {dimension_semantics = [#tpu.dimension_semantics<arbitrary>], iteration_bounds = array<i64: 16>, scalar_prefetch = 0 : i64, scratch_operands = 0 : i64, tpu.core_type = #tpu.core_type<tc>, window_params = [{transform_indices = @transform_0, window_bounds = array<i64: 512, 512>}, {pipeline_mode = #tpu.pipeline_mode<synchronous>, transform_indices = @transform_1, window_bounds = array<i64: 2, 512>}, {pipeline_mode = #tpu.pipeline_mode<synchronous>, transform_indices = @transform_2, window_bounds = array<i64: 1, 512>}, {pipeline_mode = #tpu.pipeline_mode<synchronous>, transform_indices = @transform_3, window_bounds = array<i64: 1, 512>}, {transform_indices = @transform_4, window_bounds = array<i64: 512, 512>}]} {
    %get3A = arith.constant 0 : index
    %get3A_0 = arith.constant 0 : index
    %get3A_1 = vector.load %arg2[%get3A, %get3A_0] : memref<2x512xf32, #tpu.memory_space<vmem>>, vector<1x512xf32>
    %mul3A = arith.constant 1.22070313E-4 : f32
    %mul3A_2 = vector.broadcast %mul3A : f32 to vector<1x512xf32>
    %mul3A_3 = arith.mulf %get3A_1, %mul3A_2 : vector<1x512xf32>
    %get3A_4 = arith.constant 1 : index
    %get3A_5 = arith.constant 0 : index
    %get3A_6 = vector.load %arg2[%get3A_4, %get3A_5] : memref<2x512xf32, #tpu.memory_space<vmem>>, vector<1x512xf32>
    %mul3A_7 = arith.constant 1.22070313E-4 : f32
    %mul3A_8 = vector.broadcast %mul3A_7 : f32 to vector<1x512xf32>
    %mul3A_9 = arith.mulf %get3A_6, %mul3A_8 : vector<1x512xf32>
    %mul3A_10 = arith.mulf %mul3A_3, %mul3A_3 : vector<1x512xf32>
    %sub3A = arith.subf %mul3A_9, %mul3A_10 : vector<1x512xf32>
    %get3A_11 = arith.constant 0 : index
    %get3A_12 = arith.constant 0 : index
    %get3A_13 = vector.load %arg3[%get3A_11, %get3A_12] : memref<1x512xf32, #tpu.memory_space<vmem>>, vector<1x512xf32>
    %add3A = arith.constant 9.99999974E-6 : f32
    %add3A_14 = vector.broadcast %add3A : f32 to vector<1x512xf32>
    %add3A_15 = arith.addf %sub3A, %add3A_14 : vector<1x512xf32>
    %sqrt3A = math.sqrt %add3A_15 : vector<1x512xf32>
    %div3A = arith.divf %get3A_13, %sqrt3A : vector<1x512xf32>
    %get3A_16 = arith.constant 0 : index
    %get3A_17 = arith.constant 0 : index
    %get3A_18 = vector.load %arg1[%get3A_16, %get3A_17] : memref<512x512xf32, #tpu.memory_space<vmem>>, vector<512x512xf32>
    %sub3A_19 = vector.broadcast %mul3A_3 : vector<1x512xf32> to vector<512x512xf32>
    %sub3A_20 = arith.subf %get3A_18, %sub3A_19 : vector<512x512xf32>
    %mul3A_21 = vector.broadcast %div3A : vector<1x512xf32> to vector<512x512xf32>
    %mul3A_22 = arith.mulf %sub3A_20, %mul3A_21 : vector<512x512xf32>
    %get3A_23 = arith.constant 0 : index
    %get3A_24 = arith.constant 0 : index
    %get3A_25 = vector.load %arg4[%get3A_23, %get3A_24] : memref<1x512xf32, #tpu.memory_space<vmem>>, vector<1x512xf32>
    %add3A_26 = vector.broadcast %get3A_25 : vector<1x512xf32> to vector<512x512xf32>
    %add3A_27 = arith.addf %mul3A_22, %add3A_26 : vector<512x512xf32>
    %max3A = arith.constant 0.000000e+00 : f32
    %max3A_28 = vector.broadcast %max3A : f32 to vector<512x512xf32>
    %max3A_29 = arith.maximumf %add3A_27, %max3A_28 : vector<512x512xf32>
    %swap3A = arith.constant 0 : index
    %swap3A_30 = arith.constant 0 : index
    %swap3A_31 = vector.load %arg5[%swap3A, %swap3A_30] : memref<512x512xf32, #tpu.memory_space<vmem>>, vector<512x512xf32>
    tpu.vector_store %arg5[%swap3A, %swap3A_30], %max3A_29 {strides = array<i32>} : memref<512x512xf32, #tpu.memory_space<vmem>>, vector<512x512xf32>,
    return
  }
  func.func @transform_0(%arg0: i32) -> (i32, i32) {
    %c0_i32 = arith.constant 0 : i32
    %c0_i32_0 = arith.constant 0 : i32
    return %arg0, %c0_i32 : i32, i32
  }
  func.func @transform_1(%arg0: i32) -> (i32, i32) {
    %c0_i32 = arith.constant 0 : i32
    %c0_i32_0 = arith.constant 0 : i32
    %c0_i32_1 = arith.constant 0 : i32
    return %c0_i32, %c0_i32_0 : i32, i32
  }
  func.func @transform_2(%arg0: i32) -> (i32, i32) {
    %c0_i32 = arith.constant 0 : i32
    %c0_i32_0 = arith.constant 0 : i32
    %c0_i32_1 = arith.constant 0 : i32
    return %c0_i32, %c0_i32_0 : i32, i32
  }
  func.func @transform_3(%arg0: i32) -> (i32, i32) {
    %c0_i32 = arith.constant 0 : i32
    %c0_i32_0 = arith.constant 0 : i32
    %c0_i32_1 = arith.constant 0 : i32
    return %c0_i32, %c0_i32_0 : i32, i32
  }
  func.func @transform_4(%arg0: i32) -> (i32, i32) {
    %c0_i32 = arith.constant 0 : i32
    %c0_i32_0 = arith.constant 0 : i32
    return %arg0, %c0_i32 : i32, i32
  }
}

</mosaic_0001>

<sc_bundles>
// kernel: kernel.6.cloned.1.call-start
scs
__scs_entry_jumppad:
0x0: {  	(pc) =	sbr.rel $0x88, $3  }
0x1: {  	(tag) =	ssettag $0x0;
	lr =	simm.s32 $0x1  }
0x2: {  	[smem:$0x3F9B] =	sst lr;
	_ =	strace $0xD0000000  }
0x3: {  	_ = 	snop  }
0x4: {  	_ = 	snop  }
0x5: {  	_ = 	snop  }
0x6: {  	_ = 	snop  }
0x7: {  	_ = 	snop  }
__scs_overlays_trampoline_lowered:
0x8: {  	[smem:$0x3FAA] =	sst s0  }
0x9: {  	[smem:$0x3FAB] =	sst s1  }
0xa: {  	[smem:$0x3FAC] =	sst s2  }
0xb: {  	[smem:$0x3FAD] =	sst s3  }
0xc: {  	[smem:$0x3FAE] =	sst s4  }
0xd: {  	[smem:$0x3FAF] =	sst s5  }
0xe: {  	[smem:$0x3FB0] =	sst s6  }
0xf: {  	[smem:$0x3FB1] =	sst s7  }
0x10: {  	[smem:$0x3FB2] =	sst s8  }
0x11: {  	[smem:$0x3FB3] =	sst s9;
	s0 =	simm.s32 @!p0 $0x0  }
0x12: {  	s1 =	sld [smem:$0x3F99];
	s0 =	simm.s32 @p0 $0x1  }
0x13: {  	[smem:$0x3FB4] =	sst s0;
	s0 =	simm.s32 @!p1 $0x0  }
0x14: {  	s2 =	sld [smem:$0x3F98];
	s0 =	simm.s32 @p1 $0x1  }
0x15: {  	[smem:$0x3FB5] =	sst s0;
	s0 =	simm.s32 @!p2 $0x0  }
0x16: {  	s3 =	sld [smem:$0x3FDB];
	s0 =	simm.s32 @p2 $0x1  }
0x17: {  	s4 =	simm.s32 $0x1BF5;
	[smem:$0x3FB7] =	sst s0  }
0x18: {  	s0 =	sld [smem:$0x3F9A];
	_ =	swait.ge [sflag:s4], $0x0  }
0x19: {  	s7 =	sld [smem:$0x3F9B]  }
0x1a: {  	s8 =	sadd.s32 $0xFFFFE003, lr  }
0x1b: {  	s9 =	sadd.s32 $0xFFFFFEF7, lr;
	s5 =	simm.s32 $0xFFFFFFFF;
	p2 =	slt.u32 s8, $0xFFFFF086  }
0x1c: {  	p1 =	slt.u32 s9, $0xF7A;
	s5 =	simm.s32 @!p2 $0x0  }
0x1d: {  	s5 =	simm.s32 @p1 $0x1;
	p0 =	seq.s32 s7, s2  }
0x1e: {  	s7 =	smul.u32 @!p0 $0xF7A, s2;
	p2 =	seq.s32 @!p0 s5, $0x0  }
0x1f: {  	s9 =	smul.u32 $0xF7A, s1;
	s8 =	simm.s32 @!p0 $0x1BF5;
	p2 =	por !p2, p0  }
0x20: {  	[sflag:s8] =	ssyncset.s32 @!p0 $0xFFFFF086;
	s6 =	sadd.s32 @!p0 s3, s7;
	s7 =	simm.s32 @!p0 $0x108  }
0x21: {  	s3 =	sadd.s32 s3, s9;
	s6 =	sadd.s32 @!p0 $0x88, s6;
	s7 =	simm.s32 @p2 $0x1082  }
0x22: {  	[simem:s7], [sflag:s8] =	dma.local @!p0 [hbm:s6], $0xF7A  }
0x23: {  	s9 =	sor.u32 $0xD0000000, s2;
	s6 =	simm.s32 $0x108;
	_ =	swait.ge @!p0 [sflag:s8], $0x0  }
0x24: {  	s3 =	sadd.s32 $0x88, s3;
	s6 =	simm.s32 @!p1 $0x1082;
	[sflag:s4] =	ssyncset.s32 $0xFFFFF086  }
0x25: {  	[simem:s6], [sflag:s4] =	dma.local [hbm:s3], $0xF7A  }
0x26: {  	[smem:$0x3F9B] =	sst s1;
	(tag) =	ssettag s2;
	_ =	strace s9  }
0x27: {  	s1 =	sld [smem:$0x3FAB]  }
0x28: {  	s2 =	sld [smem:$0x3FAC]  }
0x29: {  	s4 =	sld [smem:$0x3FAE]  }
0x2a: {  	p0 =	seq.s32 s5, $0x0;
	s5 =	sld [smem:$0x3FAF]  }
0x2b: {  	s6 =	sld [smem:$0x3FB0]  }
0x2c: {  	s7 =	sld [smem:$0x3FB1]  }
0x2d: {  	s3 =	simm.s32 $0x108;
	s8 =	sld [smem:$0x3FB2]  }
0x2e: {  	s3 =	simm.s32 @!p0 $0x1082;
	s9 =	sld [smem:$0x3FB3]  }
0x2f: {  	lr =	sadd.s32 s0, s3;
	s0 =	sld [smem:$0x3FAA]  }
0x30: {  	s3 =	sld [smem:$0x3FAD]  }
0x31: {  	[smem:$0x3FB6] =	sst s10  }
0x32: {  	s10 =	sld [smem:$0x3FB4];
	_ =	sdelay $0x3  }
0x33: {  	p0 =	seq.s32 s10, $0x1;
	s10 =	sld [smem:$0x3FB6];
	_ =	sdelay $0x3  }
0x34: {  	[smem:$0x3FB6] =	sst s10  }
0x35: {  	s10 =	sld [smem:$0x3FB5];
	_ =	sdelay $0x3  }
0x36: {  	p1 =	seq.s32 s10, $0x1;
	s10 =	sld [smem:$0x3FB6];
	_ =	sdelay $0x3  }
0x37: {  	[smem:$0x3FB6] =	sst s10  }
0x38: {  	s10 =	sld [smem:$0x3FB7]  }
0x39: {  	_ = 	snop;
	(pc) =	sbr.ind lr, $3  }
0x3a: {  	_ = 	snop  }
0x3b: {  	_ = 	snop  }
0x3c: {  	p2 =	seq.s32 s10, $0x1;
	s10 =	sld [smem:$0x3FB6]  }
0x3d: {  	_ =	shalt  }
0x3e: {  	_ =	shalt  }
0x3f: {  	_ =	shalt  }
0x40: {  	_ =	shalt  }
0x41: {  	_ =	shalt  }
0x42: {  	_ =	shalt  }
0x43: {  	_ =	shalt  }
0x44: {  	_ =	shalt  }
0x45: {  	_ =	shalt  }
0x46: {  	_ =	shalt  }
0x47: {  	_ =	shalt  }
0x48: {  	_ =	shalt  }
0x49: {  	_ =	shalt  }
0x4a: {  	_ =	shalt  }
0x4b: {  	_ =	shalt  }
0x4c: {  	_ =	shalt  }
0x4d: {  	_ =	shalt  }
0x4e: {  	_ =	shalt  }
0x4f: {  	_ =	shalt  }
0x50: {  	_ =	shalt  }
0x51: {  	_ =	shalt  }
0x52: {  	_ =	shalt  }
0x53: {  	_ =	shalt  }
0x54: {  	_ =	shalt  }
0x55: {  	_ =	shalt  }
0x56: {  	_ =	shalt  }
0x57: {  	_ =	shalt  }
0x58: {  	_ =	shalt  }
0x59: {  	_ =	shalt  }
0x5a: {  	_ =	shalt  }
0x5b: {  	_ =	shalt  }
0x5c: {  	_ =	shalt  }
0x5d: {  	_ =	shalt  }
0x5e: {  	_ =	shalt  }
0x5f: {  	_ =	shalt  }
0x60: {  	_ =	shalt  }
0x61: {  	_ =	shalt  }
0x62: {  	_ =	shalt  }
0x63: {  	_ =	shalt  }
0x64: {  	_ =	shalt  }
0x65: {  	_ =	shalt  }
0x66: {  	_ =	shalt  }
0x67: {  	_ =	shalt  }
0x68: {  	_ =	shalt  }
0x69: {  	_ =	shalt  }
0x6a: {  	_ =	shalt  }
0x6b: {  	_ =	shalt  }
0x6c: {  	_ =	shalt  }
0x6d: {  	_ =	shalt  }
0x6e: {  	_ =	shalt  }
0x6f: {  	_ =	shalt  }
0x70: {  	_ =	shalt  }
0x71: {  	_ =	shalt  }
0x72: {  	_ =	shalt  }
0x73: {  	_ =	shalt  }
0x74: {  	_ =	shalt  }
0x75: {  	_ =	shalt  }
0x76: {  	_ =	shalt  }
0x77: {  	_ =	shalt  }
0x78: {  	_ =	shalt  }
0x79: {  	_ =	shalt  }
0x7a: {  	_ =	shalt  }
0x7b: {  	_ =	shalt  }
0x7c: {  	_ =	shalt  }
0x7d: {  	_ =	shalt  }
0x7e: {  	_ =	shalt  }
0x7f: {  	_ =	shalt  }
0x80: {  	_ =	shalt  }
0x81: {  	_ =	shalt  }
0x82: {  	_ =	shalt  }
0x83: {  	_ =	shalt  }
0x84: {  	_ =	shalt  }
0x85: {  	_ =	shalt  }
0x86: {  	_ =	shalt  }
0x87: {  	_ =	shalt  }
.Lfunc_end0:
.L_simem_size_0:
called_computation_lowered:
.L_overlay_start_0:
0x88: {  	s2 =	sld [smem:$0x3FD9]  }
0x89: {  	s3 =	sld [smem:$0x3FFE];
	_ =	sdelay $0x1  }
0x8a: {  	s1 =	srdreg.scid  }
0x8b: {  	s0 =	sand.u32 $0x1, s1  }
0x8c: {  	s14 =	sshll.u32 s0, $0xA;
	s2 =	sadd.s32 s3, s2  }
0x8d: {  	s2 =	sadd.s32 s2, s14  }
0x8e: {  	[smem:$0x3FC2] =	sst s2  }
0x8f: {  	_ = 	snop  }
0x90: {  	s2 =	sld [smem:$0x3FD0];
	_ =	sdelay $0x2  }
0x91: {  	s4 =	simm.s32 $0xA;
	s5 =	simm.s32 $0x10;
	s15 =	sld [smem:$0x3FC8]  }
0x92: {  	[smem:s5], [sflag:s4] =	dma.local [hbm:s2], $0x1  }
0x93: {  	_ =	swait.eq [sflag:s4], $0x1  }
0x94: {  	[sflag:s4] =	ssyncset.done $0x0  }
0x95: {  	[sflag:s4] =	ssyncadd.s32 $0xFFFFFFFF  }
0x96: {  	s16 =	sld [smem:$0x11];
	(tm) =	ssettm $0x1  }
0x97: {  	s17 =	sld [smem:$0x3FFB];
	_ =	sdelay $0x3  }
0x98: {  	_ =	strace s17  }
0x99: {  	s4 =	sld [smem:$0x3FFC];
	_ =	sdelay $0x3  }
0x9a: {  	_ =	strace s4  }
0x9b: {  	s4 =	sld [smem:$0x3FFD];
	_ =	sdelay $0x3  }
0x9c: {  	_ =	strace s4  }
0x9d: {  	_ =	strace $0x8FFFFFFF  }
0x9e: {  	s18 =	sld [smem:$0x3FDB];
	_ =	sdelay $0x1  }
0x9f: {  	s19 =	simm.s32 $_scs_section_size  }
0xa0: {  	s6 =	simm.s32 $_size__tile_overlayer_lowered;
	s7 =	simm.s32 $_tile_overlayer_lowered  }
0xa1: {  	s22 =	simm.s32 $0x1BFF;
	s21 =	sshll.u32 s7, $0x1;
	s4 =	sadd.s32 s19, s18  }
0xa2: {  	s8 =	simm.s32 $0x0;
	s20 =	sshll.u32 s6, $0x1;
	s6 =	sadd.s32 s21, s4  }
0xa3: {  	[timem:s8], [sflag:s22] =	dma.local [hbm:s6], s20  }
0xa4: {  	_ =	swait.ge [sflag:s22], s20  }
0xa5: {  	s5 =	ssub.s32 $0x0, s20;
	[sflag:s22] =	ssyncset.done $0x0  }
0xa6: {  	[sflag:s22] =	ssyncadd.s32 s5;
	_ =	sdelay $0x1  }
0xa7: {  	s23 =	simm.s32 $0x1B8B  }
0xa8: {  	_ =	swait.ge [sflag:s23], $0x1  }
0xa9: {  	[sflag:s23] =	ssyncset.done $0x0  }
0xaa: {  	s25 =	simm.s32 $0x1B8E;
	s24 =	sld [smem:$0x3FFE];
	[sflag:s23] =	ssyncadd.s32 $0xFFFFFFFF  }
0xab: {  	s26 =	simm.s32 $execute0_lowered;
	[smem:$0x3FD2] =	sst s25  }
0xac: {  	s6 =	sshll.u32 s26, $0x1;
	_ =	strace $0x80000046;
	[dreg:$0x1] =	wrdreg $0xFFFFFFFF  }
0xad: {  	s28 =	simm.s32 $_size_execute0_lowered;
	s4 =	sadd.s32 s4, s6;
	[dreg:$0x0] =	wrdreg $0x0  }
0xae: {  	s6 =	sshll.u32 s28, $0x1;
	[dreg:$0x2] =	wrdreg s4  }
0xaf: {  	[dreg:$0x3] =	wrdreg s6  }
0xb0: {  	[dreg:$0x4] =	wrdreg $0xC0  }
0xb1: {  	_ =	task [dreg:s8], $0x5FFFF  }
0xb2: {  	[dreg:$0x1] =	wrdreg $0xFFFFFFFF  }
0xb3: {  	[dreg:$0x0] =	wrdreg $0x60  }
0xb4: {  	[dreg:$0x2] =	wrdreg s15  }
0xb5: {  	[dreg:$0x3] =	wrdreg s24  }
0xb6: {  	[dreg:$0x4] =	wrdreg s16  }
0xb7: {  	[dreg:$0x5] =	wrdreg $0x9  }
0xb8: {  	_ =	task.clear_ibuf [dreg:s8], $0x6FFFF;
	_ =	strace $0x90000046  }
0xb9: {  	s29 =	simm.s32 $0x9;
	_ =	strace $0x80000048  }
0xba: {  	_ =	swait.ge [sflag:s29], $0x1  }
0xbb: {  	[sflag:s29] =	ssyncadd.s32 $0xFFFFFFFF  }
0xbc: {  	_ =	strace $0x90000048  }
0xbd: {  	_ =	sfence  }
0xbe: {  	s30 =	sld [smem:$0x0];
	_ =	sdelay $0x2  }
0xbf: {  	s31 =	sshll.u32 s1, $0xD;
	s1 =	sshrl.u32 s1, $0x2  }
0xc0: {  	s3 =	sand.u32 $0x4000, s31;
	s1 =	sadd.s32 s1, s30  }
0xc1: {  	s0 =	sor.u32 s3, s0;
	s1 =	sshll.u32 s1, $0x11  }
0xc2: {  	s0 =	sor.u32 s1, s0  }
0xc3: {  	s0 =	sadd.s32 $0x8F2B, s0  }
0xc4: {  	[sflag:s0] =	ssyncadd.remote.s32 $0x1  }
0xc5: {  	_ =	sfence.sel $0xFFFF  }
0xc6: {  	[dreg:$0x0] =	wrdreg $0xFFFFFFFF;
	(pc) =	sbr.abs _section_cstart, $3  }
0xc7: {  	[dreg:$0x1] =	wrdreg $0xFFFFFFFF  }
0xc8: {  	_ =	task.clear_ibuf [dreg:s8], $0x2FFFF;
	_ =	strace $0x9FFFFFFF  }
0xc9: {  	(tm) =	ssettm $0x7FFFFFFF  }
tec
execute0_lowered:
.L_overlay_start_1:
0x0: {  	(tag) =	ssettag $0x1  }
0x1: {  	s1 =	rddreg [dreg:$0x0]  }
0x2: {  	s4 =	rddreg [dreg:$0x1]  }
0x3: {  	s2 =	srdreg.scid;
	s0 =	stileid.u32  }
0x4: {  	s5 =	rddreg [dreg:$0x2];
	s3 =	simm.s32 $0x0;
	s9 =	simm.s32 $0x1800  }
0x5: {  	s10 =	simm.s32 $0x2000;
	s11 =	simm.s32 $0x2800;
	s12 =	simm.s32 $0x3000  }
0x6: {  	s13 =	simm.s32 $0x3800;
	s14 =	simm.s32 $0x4000;
	s15 =	simm.s32 $0x4800  }
0x7: {  	s16 =	simm.s32 $0x5000;
	s17 =	simm.s32 $0x5800;
	s18 =	simm.s32 $0x6000  }
0x8: {  	s19 =	simm.s32 $0x6800;
	s20 =	simm.s32 $0x7000;
	s21 =	simm.s32 $0x7800  }
0x9: {  	s22 =	simm.s32 $0x8000;
	s23 =	simm.s32 $0x8800;
	s24 =	simm.s32 $0x9000  }
0xa: {  	s6 =	sand.u32 $0x1, s2;
	s7 =	sshll.u32 s0, $0x1;
	s2 =	rddreg [dreg:$0x3]  }
0xb: {  	s25 =	simm.s32 $0x0;
	[smem:$0x7FF] =	sst s3;
	s7 =	sor.u32 s6, s7  }
0xc: {  	s6 =	ssub.s32 $0x2, s6;
	_ =	strace $0x80000047;
	s8 =	sshll.u32 s7, $0x9  }
0xd: {  	v2 =	vlaneseq.u32;
	s31 =	sshrl.u32 s6, $0x1;
	s7 =	sshll.u32 s7, $0xD;
	s4 =	sadd.s32 s8, s4  }
0xe: {  	vm0 =	vmmov $0xffff;
	v1 =	vshrl.u32 v2, $0x3;
	s6 =	ssub.s32 s6, s31;
	s5 =	sadd.s32 s5, s7;
	s7 =	simm.s32 $0x1  }
0xf: {  	v0 =	vand.u32 $0x7, v2;
	v2 =	vor.u32 $0x8, v2;
	v1 =	vmul.u32 $0x8, v1;
	s8 =	simm.s32 $0x1000;
	s4 =	sadd.s32 $0x1A00, s4;
	s6 =	smax.u32 s6, $0x1  }
.LBB2_1:
0x10: {  	[tilespmem:s3], [sflag:$0x1] =	stream.linear.gather [hbm4b:s4+s3], $0x1000, $0x38;
	[tilespmem:$0x9800] =	vst v63  }
0x11: {  	_ =	swait.ge [sflag:s7], $0x1000  }
0x12: {  	[sflag:s7] =	ssyncset.done $0x0  }
0x13: {  	s26 =	simm.s32 $0x0;
	[sflag:s7] =	ssyncadd.s32 $0xFFFFF000  }
.LBB2_2:
0x14: {  	s28 =	sshll.u32 s26, $0x7  }
0x15: {  	s29 =	sand.u32 $0x3FFFFF80, s28  }
0x16: {  	v3 =	vld [tilespmem:s29+$0x0];
	_ =	sdelay $0x4  }
0x17: {  	v4 =	vshll.u32 v3, $0x1  }
0x18: {  	v3 =	vand.u32 $0x7, v3;
	v4 =	vand.u32 $0xFFFFFFF0, v4  }
0x19: {  	v3 =	vor.u32 v3, v4  }
0x1a: {  	v4 =	vperm.xlane v3, v0;
	_ =	sdelay $0x1  }
0x1b: {  	v3 =	vperm.xlane v3, v2;
	v4 =	vadd.s32 v1, v4;
	_ =	sdelay $0x1  }
0x1c: {  	v3 =	vadd.s32 v1, v3;
	_ =	sdelay $0x1  }
0x1d: {  	s28 =	simm.s32 $0x0  }
0x1e: {  	[tilespmem:s8], [sflag:$0x1] =	stream.indirect_vreg.gather [hbm4b:s1+s28], $0x80, v4, vm0, $0xb8;
	[tilespmem:$0x9800] =	vst v63  }
0x1f: {  	_ = 	snop  }
0x20: {  	[tilespmem:s9], [sflag:$0x1] =	stream.indirect_vreg.gather [hbm4b:s1+s28], $0x80, v3, vm0, $0xb8;
	[tilespmem:$0x9800] =	vst v63  }
0x21: {  	v3 =	vld [tilespmem:s29+$0x10];
	_ =	sdelay $0x4  }
0x22: {  	v57 =	vshll.u32 v3, $0x1  }
0x23: {  	v3 =	vand.u32 $0x7, v3;
	v4 =	vand.u32 $0xFFFFFFF0, v57  }
0x24: {  	v3 =	vor.u32 v3, v4  }
0x25: {  	v4 =	vperm.xlane v3, v0;
	_ =	sdelay $0x1  }
0x26: {  	v3 =	vperm.xlane v3, v2;
	v4 =	vadd.s32 v1, v4;
	_ =	sdelay $0x1  }
0x27: {  	v3 =	vadd.s32 v1, v3;
	_ =	sdelay $0x2  }
0x28: {  	[tilespmem:s10], [sflag:$0x1] =	stream.indirect_vreg.gather [hbm4b:s1+s28], $0x80, v4, vm0, $0xb8;
	[tilespmem:$0x9800] =	vst v63  }
0x29: {  	_ = 	snop  }
0x2a: {  	[tilespmem:s11], [sflag:$0x1] =	stream.indirect_vreg.gather [hbm4b:s1+s28], $0x80, v3, vm0, $0xb8;
	[tilespmem:$0x9800] =	vst v63  }
0x2b: {  	v3 =	vld [tilespmem:s29+$0x20];
	_ =	sdelay $0x4  }
0x2c: {  	v58 =	vshll.u32 v3, $0x1  }
0x2d: {  	v3 =	vand.u32 $0x7, v3;
	v4 =	vand.u32 $0xFFFFFFF0, v58  }
0x2e: {  	v3 =	vor.u32 v3, v4  }
0x2f: {  	v4 =	vperm.xlane v3, v0;
	_ =	sdelay $0x1  }
0x30: {  	v3 =	vperm.xlane v3, v2;
	v4 =	vadd.s32 v1, v4;
	_ =	sdelay $0x1  }
0x31: {  	v3 =	vadd.s32 v1, v3;
	_ =	sdelay $0x2  }
0x32: {  	[tilespmem:s12], [sflag:$0x1] =	stream.indirect_vreg.gather [hbm4b:s1+s28], $0x80, v4, vm0, $0xb8;
	[tilespmem:$0x9800] =	vst v63  }
0x33: {  	_ = 	snop  }
0x34: {  	[tilespmem:s13], [sflag:$0x1] =	stream.indirect_vreg.gather [hbm4b:s1+s28], $0x80, v3, vm0, $0xb8;
	[tilespmem:$0x9800] =	vst v63  }
0x35: {  	v3 =	vld [tilespmem:s29+$0x30];
	_ =	sdelay $0x4  }
0x36: {  	v59 =	vshll.u32 v3, $0x1  }
0x37: {  	v3 =	vand.u32 $0x7, v3;
	v4 =	vand.u32 $0xFFFFFFF0, v59  }
0x38: {  	v3 =	vor.u32 v3, v4  }
0x39: {  	v4 =	vperm.xlane v3, v0;
	_ =	sdelay $0x1  }
0x3a: {  	v3 =	vperm.xlane v3, v2;
	v4 =	vadd.s32 v1, v4;
	_ =	sdelay $0x1  }
0x3b: {  	v3 =	vadd.s32 v1, v3;
	_ =	sdelay $0x2  }
0x3c: {  	[tilespmem:s14], [sflag:$0x1] =	stream.indirect_vreg.gather [hbm4b:s1+s28], $0x80, v4, vm0, $0xb8;
	[tilespmem:$0x9800] =	vst v63  }
0x3d: {  	_ = 	snop  }
0x3e: {  	[tilespmem:s15], [sflag:$0x1] =	stream.indirect_vreg.gather [hbm4b:s1+s28], $0x80, v3, vm0, $0xb8;
	[tilespmem:$0x9800] =	vst v63  }
0x3f: {  	v3 =	vld [tilespmem:s29+$0x40];
	_ =	sdelay $0x4  }
0x40: {  	v60 =	vshll.u32 v3, $0x1  }
0x41: {  	v3 =	vand.u32 $0x7, v3;
	v4 =	vand.u32 $0xFFFFFFF0, v60  }
0x42: {  	v3 =	vor.u32 v3, v4  }
0x43: {  	v4 =	vperm.xlane v3, v0;
	_ =	sdelay $0x1  }
0x44: {  	v3 =	vperm.xlane v3, v2;
	v4 =	vadd.s32 v1, v4;
	_ =	sdelay $0x1  }
0x45: {  	v3 =	vadd.s32 v1, v3;
	_ =	sdelay $0x2  }
0x46: {  	[tilespmem:s16], [sflag:$0x1] =	stream.indirect_vreg.gather [hbm4b:s1+s28], $0x80, v4, vm0, $0xb8;
	[tilespmem:$0x9800] =	vst v63  }
0x47: {  	_ = 	snop  }
0x48: {  	[tilespmem:s17], [sflag:$0x1] =	stream.indirect_vreg.gather [hbm4b:s1+s28], $0x80, v3, vm0, $0xb8;
	[tilespmem:$0x9800] =	vst v63  }
0x49: {  	v3 =	vld [tilespmem:s29+$0x50];
	_ =	sdelay $0x4  }
0x4a: {  	v61 =	vshll.u32 v3, $0x1  }
0x4b: {  	v3 =	vand.u32 $0x7, v3;
	v4 =	vand.u32 $0xFFFFFFF0, v61  }
0x4c: {  	v3 =	vor.u32 v3, v4  }
0x4d: {  	v4 =	vperm.xlane v3, v0;
	_ =	sdelay $0x1  }
0x4e: {  	v3 =	vperm.xlane v3, v2;
	v4 =	vadd.s32 v1, v4;
	_ =	sdelay $0x1  }
0x4f: {  	v3 =	vadd.s32 v1, v3;
	_ =	sdelay $0x2  }
0x50: {  	[tilespmem:s18], [sflag:$0x1] =	stream.indirect_vreg.gather [hbm4b:s1+s28], $0x80, v4, vm0, $0xb8;
	[tilespmem:$0x9800] =	vst v63  }
0x51: {  	_ = 	snop  }
0x52: {  	[tilespmem:s19], [sflag:$0x1] =	stream.indirect_vreg.gather [hbm4b:s1+s28], $0x80, v3, vm0, $0xb8;
	[tilespmem:$0x9800] =	vst v63  }
0x53: {  	v3 =	vld [tilespmem:s29+$0x60];
	_ =	sdelay $0x4  }
0x54: {  	v62 =	vshll.u32 v3, $0x1  }
0x55: {  	v3 =	vand.u32 $0x7, v3;
	v4 =	vand.u32 $0xFFFFFFF0, v62  }
0x56: {  	v3 =	vor.u32 v3, v4  }
0x57: {  	v4 =	vperm.xlane v3, v0;
	_ =	sdelay $0x1  }
0x58: {  	v3 =	vperm.xlane v3, v2;
	v4 =	vadd.s32 v1, v4;
	_ =	sdelay $0x1  }
0x59: {  	v3 =	vadd.s32 v1, v3;
	_ =	sdelay $0x2  }
0x5a: {  	[tilespmem:s20], [sflag:$0x1] =	stream.indirect_vreg.gather [hbm4b:s1+s28], $0x80, v4, vm0, $0xb8;
	[tilespmem:$0x9800] =	vst v63  }
0x5b: {  	_ = 	snop  }
0x5c: {  	[tilespmem:s21], [sflag:$0x1] =	stream.indirect_vreg.gather [hbm4b:s1+s28], $0x80, v3, vm0, $0xb8;
	[tilespmem:$0x9800] =	vst v63  }
0x5d: {  	v3 =	vld [tilespmem:s29+$0x70];
	_ =	sdelay $0x4  }
0x5e: {  	v63 =	vshll.u32 v3, $0x1  }
0x5f: {  	v3 =	vand.u32 $0x7, v3;
	v4 =	vand.u32 $0xFFFFFFF0, v63  }
0x60: {  	v3 =	vor.u32 v3, v4  }
0x61: {  	v4 =	vperm.xlane v3, v0;
	_ =	sdelay $0x1  }
0x62: {  	v3 =	vperm.xlane v3, v2;
	v4 =	vadd.s32 v1, v4;
	_ =	sdelay $0x1  }
0x63: {  	v3 =	vadd.s32 v1, v3;
	_ =	sdelay $0x2  }
0x64: {  	[tilespmem:s22], [sflag:$0x1] =	stream.indirect_vreg.gather [hbm4b:s1+s28], $0x80, v4, vm0, $0xb8;
	[tilespmem:$0x9800] =	vst v63  }
0x65: {  	_ = 	snop  }
0x66: {  	[tilespmem:s23], [sflag:$0x1] =	stream.indirect_vreg.gather [hbm4b:s1+s28], $0x80, v3, vm0, $0xb8;
	[tilespmem:$0x9800] =	vst v63  }
0x67: {  	_ =	swait.ge [sflag:s7], $0x8000  }
0x68: {  	[sflag:s7] =	ssyncset.done $0x0  }
0x69: {  	[sflag:s7] =	ssyncadd.s32 $0xFFFF8000  }
.LBB2_3:
0x6a: {  	s29 =	sshll.u32 s28, $0xC  }
0x6b: {  	s29 =	sand.u32 $0x3FFFF000, s29  }
0x6c: {  	v3 =	vld [tilespmem:s29+$0x1000]  }
0x6d: {  	v4 =	vld [tilespmem:s29+$0x1080]  }
0x6e: {  	v5 =	vld [tilespmem:s29+$0x1100]  }
0x6f: {  	v6 =	vld [tilespmem:s29+$0x1180]  }
0x70: {  	v7 =	vld [tilespmem:s29+$0x1200]  }
0x71: {  	v8 =	vld [tilespmem:s29+$0x1280]  }
0x72: {  	v37 =	vld [tilespmem:s29+$0x1300];
	v3 =	vmax.f32 v3, v4  }
0x73: {  	v38 =	vld [tilespmem:s29+$0x1380];
	v3 =	vmax.f32 v3, v5  }
0x74: {  	v39 =	vld [tilespmem:s29+$0x1800];
	v3 =	vmax.f32 v3, v6  }
0x75: {  	v40 =	vld [tilespmem:s29+$0x1880];
	v3 =	vmax.f32 v3, v7  }
0x76: {  	v41 =	vld [tilespmem:s29+$0x1900];
	v3 =	vmax.f32 v3, v8  }
0x77: {  	v42 =	vld [tilespmem:s29+$0x1980];
	v3 =	vmax.f32 v3, v37  }
0x78: {  	v43 =	vld [tilespmem:s29+$0x1A00];
	v3 =	vmax.f32 v3, v38  }
0x79: {  	v44 =	vld [tilespmem:s29+$0x1A80];
	v3 =	vmax.f32 v3, v39  }
0x7a: {  	v45 =	vld [tilespmem:s29+$0x1B00];
	v3 =	vmax.f32 v3, v40  }
0x7b: {  	v46 =	vld [tilespmem:s29+$0x1B80];
	v3 =	vmax.f32 v3, v41  }
0x7c: {  	v3 =	vmax.f32 v3, v42  }
0x7d: {  	v3 =	vmax.f32 v3, v43  }
0x7e: {  	v3 =	vmax.f32 v3, v44  }
0x7f: {  	s30 =	sshll.u32 s28, $0x7;
	v3 =	vmax.f32 v3, v45  }
0x80: {  	s30 =	sand.u32 $0x3FFFFF80, s30;
	v3 =	vmax.f32 v3, v46  }
0x81: {  	[tilespmem:s30+$0x9000] =	vst v3  }
0x82: {  	v3 =	vld [tilespmem:s29+$0x1010]  }
0x83: {  	v47 =	vld [tilespmem:s29+$0x1090]  }
0x84: {  	v48 =	vld [tilespmem:s29+$0x1110]  }
0x85: {  	v49 =	vld [tilespmem:s29+$0x1190]  }
0x86: {  	v50 =	vld [tilespmem:s29+$0x1210]  }
0x87: {  	v51 =	vld [tilespmem:s29+$0x1290]  }
0x88: {  	v52 =	vld [tilespmem:s29+$0x1310];
	v3 =	vmax.f32 v3, v47  }
0x89: {  	v53 =	vld [tilespmem:s29+$0x1390];
	v3 =	vmax.f32 v3, v48  }
0x8a: {  	v54 =	vld [tilespmem:s29+$0x1810];
	v3 =	vmax.f32 v3, v49  }
0x8b: {  	v55 =	vld [tilespmem:s29+$0x1890];
	v3 =	vmax.f32 v3, v50  }
0x8c: {  	v56 =	vld [tilespmem:s29+$0x1910];
	v3 =	vmax.f32 v3, v51  }
0x8d: {  	v57 =	vld [tilespmem:s29+$0x1990];
	v3 =	vmax.f32 v3, v52  }
0x8e: {  	v58 =	vld [tilespmem:s29+$0x1A10];
	v3 =	vmax.f32 v3, v53  }
0x8f: {  	v59 =	vld [tilespmem:s29+$0x1A90];
	v3 =	vmax.f32 v3, v54  }
0x90: {  	v60 =	vld [tilespmem:s29+$0x1B10];
	v3 =	vmax.f32 v3, v55  }
0x91: {  	v61 =	vld [tilespmem:s29+$0x1B90];
	v3 =	vmax.f32 v3, v56  }
0x92: {  	v3 =	vmax.f32 v3, v57  }
0x93: {  	v3 =	vmax.f32 v3, v58  }
0x94: {  	v3 =	vmax.f32 v3, v59  }
0x95: {  	v3 =	vmax.f32 v3, v60  }
0x96: {  	v3 =	vmax.f32 v3, v61  }
0x97: {  	[tilespmem:s30+$0x9010] =	vst v3  }
0x98: {  	v3 =	vld [tilespmem:s29+$0x1020]  }
0x99: {  	v62 =	vld [tilespmem:s29+$0x10A0]  }
0x9a: {  	v63 =	vld [tilespmem:s29+$0x1120]  }
0x9b: {  	v12 =	vld [tilespmem:s29+$0x11A0]  }
0x9c: {  	v13 =	vld [tilespmem:s29+$0x1220]  }
0x9d: {  	v14 =	vld [tilespmem:s29+$0x12A0]  }
0x9e: {  	v15 =	vld [tilespmem:s29+$0x1320];
	v3 =	vmax.f32 v3, v62  }
0x9f: {  	v16 =	vld [tilespmem:s29+$0x13A0];
	v3 =	vmax.f32 v3, v63  }
0xa0: {  	v17 =	vld [tilespmem:s29+$0x1820];
	v3 =	vmax.f32 v3, v12  }
0xa1: {  	v18 =	vld [tilespmem:s29+$0x18A0];
	v3 =	vmax.f32 v3, v13  }
0xa2: {  	v19 =	vld [tilespmem:s29+$0x1920];
	v3 =	vmax.f32 v3, v14  }
0xa3: {  	v20 =	vld [tilespmem:s29+$0x19A0];
	v3 =	vmax.f32 v3, v15  }
0xa4: {  	v21 =	vld [tilespmem:s29+$0x1A20];
	v3 =	vmax.f32 v3, v16  }
0xa5: {  	v22 =	vld [tilespmem:s29+$0x1AA0];
	v3 =	vmax.f32 v3, v17  }
0xa6: {  	v23 =	vld [tilespmem:s29+$0x1B20];
	v3 =	vmax.f32 v3, v18  }
0xa7: {  	v24 =	vld [tilespmem:s29+$0x1BA0];
	v3 =	vmax.f32 v3, v19  }
0xa8: {  	v3 =	vmax.f32 v3, v20  }
0xa9: {  	v3 =	vmax.f32 v3, v21  }
0xaa: {  	v3 =	vmax.f32 v3, v22  }
0xab: {  	v3 =	vmax.f32 v3, v23  }
0xac: {  	v3 =	vmax.f32 v3, v24  }
0xad: {  	[tilespmem:s30+$0x9020] =	vst v3  }
0xae: {  	v3 =	vld [tilespmem:s29+$0x1030]  }
0xaf: {  	v25 =	vld [tilespmem:s29+$0x10B0]  }
0xb0: {  	v26 =	vld [tilespmem:s29+$0x1130]  }
0xb1: {  	v27 =	vld [tilespmem:s29+$0x11B0]  }
0xb2: {  	v28 =	vld [tilespmem:s29+$0x1230]  }
0xb3: {  	v29 =	vld [tilespmem:s29+$0x12B0]  }
0xb4: {  	v30 =	vld [tilespmem:s29+$0x1330];
	v3 =	vmax.f32 v3, v25  }
0xb5: {  	v31 =	vld [tilespmem:s29+$0x13B0];
	v3 =	vmax.f32 v3, v26  }
0xb6: {  	v32 =	vld [tilespmem:s29+$0x1830];
	v3 =	vmax.f32 v3, v27  }
0xb7: {  	v33 =	vld [tilespmem:s29+$0x18B0];
	v3 =	vmax.f32 v3, v28  }
0xb8: {  	v34 =	vld [tilespmem:s29+$0x1930];
	v3 =	vmax.f32 v3, v29  }
0xb9: {  	v35 =	vld [tilespmem:s29+$0x19B0];
	v3 =	vmax.f32 v3, v30  }
0xba: {  	v36 =	vld [tilespmem:s29+$0x1A30];
	v3 =	vmax.f32 v3, v31  }
0xbb: {  	v37 =	vld [tilespmem:s29+$0x1AB0];
	v3 =	vmax.f32 v3, v32  }
0xbc: {  	v38 =	vld [tilespmem:s29+$0x1B30];
	v3 =	vmax.f32 v3, v33  }
0xbd: {  	v39 =	vld [tilespmem:s29+$0x1BB0];
	v3 =	vmax.f32 v3, v34  }
0xbe: {  	v3 =	vmax.f32 v3, v35  }
0xbf: {  	v3 =	vmax.f32 v3, v36  }
0xc0: {  	v3 =	vmax.f32 v3, v37  }
0xc1: {  	v3 =	vmax.f32 v3, v38  }
0xc2: {  	v3 =	vmax.f32 v3, v39  }
0xc3: {  	[tilespmem:s30+$0x9030] =	vst v3  }
0xc4: {  	v3 =	vld [tilespmem:s29+$0x1040]  }
0xc5: {  	v40 =	vld [tilespmem:s29+$0x10C0]  }
0xc6: {  	v41 =	vld [tilespmem:s29+$0x1140]  }
0xc7: {  	v42 =	vld [tilespmem:s29+$0x11C0]  }
0xc8: {  	v43 =	vld [tilespmem:s29+$0x1240]  }
0xc9: {  	v44 =	vld [tilespmem:s29+$0x12C0]  }
0xca: {  	v45 =	vld [tilespmem:s29+$0x1340];
	v3 =	vmax.f32 v3, v40  }
0xcb: {  	v46 =	vld [tilespmem:s29+$0x13C0];
	v3 =	vmax.f32 v3, v41  }
0xcc: {  	v47 =	vld [tilespmem:s29+$0x1840];
	v3 =	vmax.f32 v3, v42  }
0xcd: {  	v48 =	vld [tilespmem:s29+$0x18C0];
	v3 =	vmax.f32 v3, v43  }
0xce: {  	v49 =	vld [tilespmem:s29+$0x1940];
	v3 =	vmax.f32 v3, v44  }
0xcf: {  	v50 =	vld [tilespmem:s29+$0x19C0];
	v3 =	vmax.f32 v3, v45  }
0xd0: {  	v51 =	vld [tilespmem:s29+$0x1A40];
	v3 =	vmax.f32 v3, v46  }
0xd1: {  	v52 =	vld [tilespmem:s29+$0x1AC0];
	v3 =	vmax.f32 v3, v47  }
0xd2: {  	v53 =	vld [tilespmem:s29+$0x1B40];
	v3 =	vmax.f32 v3, v48  }
0xd3: {  	v54 =	vld [tilespmem:s29+$0x1BC0];
	v3 =	vmax.f32 v3, v49  }
0xd4: {  	v3 =	vmax.f32 v3, v50  }
0xd5: {  	v3 =	vmax.f32 v3, v51  }
0xd6: {  	v3 =	vmax.f32 v3, v52  }
0xd7: {  	v3 =	vmax.f32 v3, v53  }
0xd8: {  	v3 =	vmax.f32 v3, v54  }
0xd9: {  	[tilespmem:s30+$0x9040] =	vst v3  }
0xda: {  	v3 =	vld [tilespmem:s29+$0x1050]  }
0xdb: {  	v55 =	vld [tilespmem:s29+$0x10D0]  }
0xdc: {  	v56 =	vld [tilespmem:s29+$0x1150]  }
0xdd: {  	v57 =	vld [tilespmem:s29+$0x11D0]  }
0xde: {  	v58 =	vld [tilespmem:s29+$0x1250]  }
0xdf: {  	v59 =	vld [tilespmem:s29+$0x12D0]  }
0xe0: {  	v60 =	vld [tilespmem:s29+$0x1350];
	v3 =	vmax.f32 v3, v55  }
0xe1: {  	v61 =	vld [tilespmem:s29+$0x13D0];
	v3 =	vmax.f32 v3, v56  }
0xe2: {  	v62 =	vld [tilespmem:s29+$0x1850];
	v3 =	vmax.f32 v3, v57  }
0xe3: {  	v63 =	vld [tilespmem:s29+$0x18D0];
	v3 =	vmax.f32 v3, v58  }
0xe4: {  	v12 =	vld [tilespmem:s29+$0x1950];
	v3 =	vmax.f32 v3, v59  }
0xe5: {  	v13 =	vld [tilespmem:s29+$0x19D0];
	v3 =	vmax.f32 v3, v60  }
0xe6: {  	v14 =	vld [tilespmem:s29+$0x1A50];
	v3 =	vmax.f32 v3, v61  }
0xe7: {  	v15 =	vld [tilespmem:s29+$0x1AD0];
	v3 =	vmax.f32 v3, v62  }
0xe8: {  	v16 =	vld [tilespmem:s29+$0x1B50];
	v3 =	vmax.f32 v3, v63  }
0xe9: {  	v17 =	vld [tilespmem:s29+$0x1BD0];
	v3 =	vmax.f32 v3, v12  }
0xea: {  	v3 =	vmax.f32 v3, v13  }
0xeb: {  	v3 =	vmax.f32 v3, v14  }
0xec: {  	v3 =	vmax.f32 v3, v15  }
0xed: {  	v3 =	vmax.f32 v3, v16  }
0xee: {  	v3 =	vmax.f32 v3, v17  }
0xef: {  	[tilespmem:s30+$0x9050] =	vst v3  }
0xf0: {  	v3 =	vld [tilespmem:s29+$0x1060]  }
0xf1: {  	v18 =	vld [tilespmem:s29+$0x10E0]  }
0xf2: {  	v19 =	vld [tilespmem:s29+$0x1160]  }
0xf3: {  	v20 =	vld [tilespmem:s29+$0x11E0]  }
0xf4: {  	v21 =	vld [tilespmem:s29+$0x1260]  }
0xf5: {  	v22 =	vld [tilespmem:s29+$0x12E0]  }
0xf6: {  	v23 =	vld [tilespmem:s29+$0x1360];
	v3 =	vmax.f32 v3, v18  }
0xf7: {  	v24 =	vld [tilespmem:s29+$0x13E0];
	v3 =	vmax.f32 v3, v19  }
0xf8: {  	v25 =	vld [tilespmem:s29+$0x1860];
	v3 =	vmax.f32 v3, v20  }
0xf9: {  	v26 =	vld [tilespmem:s29+$0x18E0];
	v3 =	vmax.f32 v3, v21  }
0xfa: {  	v27 =	vld [tilespmem:s29+$0x1960];
	v3 =	vmax.f32 v3, v22  }
0xfb: {  	v28 =	vld [tilespmem:s29+$0x19E0];
	v3 =	vmax.f32 v3, v23  }
0xfc: {  	v29 =	vld [tilespmem:s29+$0x1A60];
	v3 =	vmax.f32 v3, v24  }
0xfd: {  	v30 =	vld [tilespmem:s29+$0x1AE0];
	v3 =	vmax.f32 v3, v25  }
0xfe: {  	v31 =	vld [tilespmem:s29+$0x1B60];
	v3 =	vmax.f32 v3, v26  }
0xff: {  	v32 =	vld [tilespmem:s29+$0x1BE0];
	v3 =	vmax.f32 v3, v27  }
0x100: {  	v3 =	vmax.f32 v3, v28  }
0x101: {  	v3 =	vmax.f32 v3, v29  }
0x102: {  	v3 =	vmax.f32 v3, v30  }
0x103: {  	v3 =	vmax.f32 v3, v31  }
0x104: {  	v3 =	vmax.f32 v3, v32  }
0x105: {  	[tilespmem:s30+$0x9060] =	vst v3  }
0x106: {  	v3 =	vld [tilespmem:s29+$0x1070]  }
0x107: {  	v33 =	vld [tilespmem:s29+$0x10F0]  }
0x108: {  	v34 =	vld [tilespmem:s29+$0x1170]  }
0x109: {  	v35 =	vld [tilespmem:s29+$0x11F0]  }
0x10a: {  	v36 =	vld [tilespmem:s29+$0x1270]  }
0x10b: {  	v37 =	vld [tilespmem:s29+$0x12F0]  }
0x10c: {  	v38 =	vld [tilespmem:s29+$0x1370];
	v3 =	vmax.f32 v3, v33  }
0x10d: {  	v39 =	vld [tilespmem:s29+$0x13F0];
	v3 =	vmax.f32 v3, v34  }
0x10e: {  	v40 =	vld [tilespmem:s29+$0x1870];
	v3 =	vmax.f32 v3, v35  }
0x10f: {  	v41 =	vld [tilespmem:s29+$0x18F0];
	v3 =	vmax.f32 v3, v36  }
0x110: {  	v42 =	vld [tilespmem:s29+$0x1970];
	v3 =	vmax.f32 v3, v37  }
0x111: {  	v43 =	vld [tilespmem:s29+$0x19F0];
	v3 =	vmax.f32 v3, v38  }
0x112: {  	v44 =	vld [tilespmem:s29+$0x1A70];
	v3 =	vmax.f32 v3, v39  }
0x113: {  	v45 =	vld [tilespmem:s29+$0x1AF0];
	v3 =	vmax.f32 v3, v40  }
0x114: {  	v46 =	vld [tilespmem:s29+$0x1B70];
	v3 =	vmax.f32 v3, v41  }
0x115: {  	v47 =	vld [tilespmem:s29+$0x1BF0];
	v3 =	vmax.f32 v3, v42  }
0x116: {  	v3 =	vmax.f32 v3, v43  }
0x117: {  	v3 =	vmax.f32 v3, v44  }
0x118: {  	v3 =	vmax.f32 v3, v45  }
0x119: {  	v3 =	vmax.f32 v3, v46  }
0x11a: {  	v3 =	vmax.f32 v3, v47  }
0x11b: {  	[tilespmem:s30+$0x9070] =	vst v3  }
0x11c: {  	v3 =	vld [tilespmem:s29+$0x1400]  }
0x11d: {  	v48 =	vld [tilespmem:s29+$0x1480]  }
0x11e: {  	v49 =	vld [tilespmem:s29+$0x1500]  }
0x11f: {  	v50 =	vld [tilespmem:s29+$0x1580]  }
0x120: {  	v51 =	vld [tilespmem:s29+$0x1600]  }
0x121: {  	v52 =	vld [tilespmem:s29+$0x1680]  }
0x122: {  	v53 =	vld [tilespmem:s29+$0x1700];
	v3 =	vmax.f32 v3, v48  }
0x123: {  	v54 =	vld [tilespmem:s29+$0x1780];
	v3 =	vmax.f32 v3, v49  }
0x124: {  	v55 =	vld [tilespmem:s29+$0x1C00];
	v3 =	vmax.f32 v3, v50  }
0x125: {  	v56 =	vld [tilespmem:s29+$0x1C80];
	v3 =	vmax.f32 v3, v51  }
0x126: {  	v57 =	vld [tilespmem:s29+$0x1D00];
	v3 =	vmax.f32 v3, v52  }
0x127: {  	v58 =	vld [tilespmem:s29+$0x1D80];
	v3 =	vmax.f32 v3, v53  }
0x128: {  	v59 =	vld [tilespmem:s29+$0x1E00];
	v3 =	vmax.f32 v3, v54  }
0x129: {  	v60 =	vld [tilespmem:s29+$0x1E80];
	v3 =	vmax.f32 v3, v55  }
0x12a: {  	v61 =	vld [tilespmem:s29+$0x1F00];
	v3 =	vmax.f32 v3, v56  }
0x12b: {  	v62 =	vld [tilespmem:s29+$0x1F80];
	v3 =	vmax.f32 v3, v57  }
0x12c: {  	v3 =	vmax.f32 v3, v58  }
0x12d: {  	v3 =	vmax.f32 v3, v59  }
0x12e: {  	v3 =	vmax.f32 v3, v60  }
0x12f: {  	v3 =	vmax.f32 v3, v61  }
0x130: {  	v3 =	vmax.f32 v3, v62  }
0x131: {  	[tilespmem:s30+$0x9400] =	vst v3  }
0x132: {  	v3 =	vld [tilespmem:s29+$0x1410]  }
0x133: {  	v63 =	vld [tilespmem:s29+$0x1490]  }
0x134: {  	v12 =	vld [tilespmem:s29+$0x1510]  }
0x135: {  	v13 =	vld [tilespmem:s29+$0x1590]  }
0x136: {  	v14 =	vld [tilespmem:s29+$0x1610]  }
0x137: {  	v15 =	vld [tilespmem:s29+$0x1690]  }
0x138: {  	v16 =	vld [tilespmem:s29+$0x1710];
	v3 =	vmax.f32 v3, v63  }
0x139: {  	v17 =	vld [tilespmem:s29+$0x1790];
	v3 =	vmax.f32 v3, v12  }
0x13a: {  	v18 =	vld [tilespmem:s29+$0x1C10];
	v3 =	vmax.f32 v3, v13  }
0x13b: {  	v19 =	vld [tilespmem:s29+$0x1C90];
	v3 =	vmax.f32 v3, v14  }
0x13c: {  	v20 =	vld [tilespmem:s29+$0x1D10];
	v3 =	vmax.f32 v3, v15  }
0x13d: {  	v21 =	vld [tilespmem:s29+$0x1D90];
	v3 =	vmax.f32 v3, v16  }
0x13e: {  	v22 =	vld [tilespmem:s29+$0x1E10];
	v3 =	vmax.f32 v3, v17  }
0x13f: {  	v23 =	vld [tilespmem:s29+$0x1E90];
	v3 =	vmax.f32 v3, v18  }
0x140: {  	v24 =	vld [tilespmem:s29+$0x1F10];
	v3 =	vmax.f32 v3, v19  }
0x141: {  	v25 =	vld [tilespmem:s29+$0x1F90];
	v3 =	vmax.f32 v3, v20  }
0x142: {  	v3 =	vmax.f32 v3, v21  }
0x143: {  	v3 =	vmax.f32 v3, v22  }
0x144: {  	v3 =	vmax.f32 v3, v23  }
0x145: {  	v3 =	vmax.f32 v3, v24  }
0x146: {  	v3 =	vmax.f32 v3, v25  }
0x147: {  	[tilespmem:s30+$0x9410] =	vst v3  }
0x148: {  	v3 =	vld [tilespmem:s29+$0x1420]  }
0x149: {  	v26 =	vld [tilespmem:s29+$0x14A0]  }
0x14a: {  	v27 =	vld [tilespmem:s29+$0x1520]  }
0x14b: {  	v28 =	vld [tilespmem:s29+$0x15A0]  }
0x14c: {  	v29 =	vld [tilespmem:s29+$0x1620]  }
0x14d: {  	v30 =	vld [tilespmem:s29+$0x16A0]  }
0x14e: {  	v31 =	vld [tilespmem:s29+$0x1720];
	v3 =	vmax.f32 v3, v26  }
0x14f: {  	v32 =	vld [tilespmem:s29+$0x17A0];
	v3 =	vmax.f32 v3, v27  }
0x150: {  	v33 =	vld [tilespmem:s29+$0x1C20];
	v3 =	vmax.f32 v3, v28  }
0x151: {  	v34 =	vld [tilespmem:s29+$0x1CA0];
	v3 =	vmax.f32 v3, v29  }
0x152: {  	v35 =	vld [tilespmem:s29+$0x1D20];
	v3 =	vmax.f32 v3, v30  }
0x153: {  	v36 =	vld [tilespmem:s29+$0x1DA0];
	v3 =	vmax.f32 v3, v31  }
0x154: {  	v37 =	vld [tilespmem:s29+$0x1E20];
	v3 =	vmax.f32 v3, v32  }
0x155: {  	v38 =	vld [tilespmem:s29+$0x1EA0];
	v3 =	vmax.f32 v3, v33  }
0x156: {  	v39 =	vld [tilespmem:s29+$0x1F20];
	v3 =	vmax.f32 v3, v34  }
0x157: {  	v40 =	vld [tilespmem:s29+$0x1FA0];
	v3 =	vmax.f32 v3, v35  }
0x158: {  	v3 =	vmax.f32 v3, v36  }
0x159: {  	v3 =	vmax.f32 v3, v37  }
0x15a: {  	v3 =	vmax.f32 v3, v38  }
0x15b: {  	v3 =	vmax.f32 v3, v39  }
0x15c: {  	v3 =	vmax.f32 v3, v40  }
0x15d: {  	[tilespmem:s30+$0x9420] =	vst v3  }
0x15e: {  	v3 =	vld [tilespmem:s29+$0x1430]  }
0x15f: {  	v41 =	vld [tilespmem:s29+$0x14B0]  }
0x160: {  	v42 =	vld [tilespmem:s29+$0x1530]  }
0x161: {  	v43 =	vld [tilespmem:s29+$0x15B0]  }
0x162: {  	v44 =	vld [tilespmem:s29+$0x1630]  }
0x163: {  	v45 =	vld [tilespmem:s29+$0x16B0]  }
0x164: {  	v46 =	vld [tilespmem:s29+$0x1730];
	v3 =	vmax.f32 v3, v41  }
0x165: {  	v47 =	vld [tilespmem:s29+$0x17B0];
	v3 =	vmax.f32 v3, v42  }
0x166: {  	v48 =	vld [tilespmem:s29+$0x1C30];
	v3 =	vmax.f32 v3, v43  }
0x167: {  	v49 =	vld [tilespmem:s29+$0x1CB0];
	v3 =	vmax.f32 v3, v44  }
0x168: {  	v50 =	vld [tilespmem:s29+$0x1D30];
	v3 =	vmax.f32 v3, v45  }
0x169: {  	v51 =	vld [tilespmem:s29+$0x1DB0];
	v3 =	vmax.f32 v3, v46  }
0x16a: {  	v52 =	vld [tilespmem:s29+$0x1E30];
	v3 =	vmax.f32 v3, v47  }
0x16b: {  	v53 =	vld [tilespmem:s29+$0x1EB0];
	v3 =	vmax.f32 v3, v48  }
0x16c: {  	v54 =	vld [tilespmem:s29+$0x1F30];
	v3 =	vmax.f32 v3, v49  }
0x16d: {  	v55 =	vld [tilespmem:s29+$0x1FB0];
	v3 =	vmax.f32 v3, v50  }
0x16e: {  	v3 =	vmax.f32 v3, v51  }
0x16f: {  	v3 =	vmax.f32 v3, v52  }
0x170: {  	v3 =	vmax.f32 v3, v53  }
0x171: {  	v3 =	vmax.f32 v3, v54  }
0x172: {  	v3 =	vmax.f32 v3, v55  }
0x173: {  	[tilespmem:s30+$0x9430] =	vst v3  }
0x174: {  	v3 =	vld [tilespmem:s29+$0x1440]  }
0x175: {  	v56 =	vld [tilespmem:s29+$0x14C0]  }
0x176: {  	v57 =	vld [tilespmem:s29+$0x1540]  }
0x177: {  	v58 =	vld [tilespmem:s29+$0x15C0]  }
0x178: {  	v59 =	vld [tilespmem:s29+$0x1640]  }
0x179: {  	v60 =	vld [tilespmem:s29+$0x16C0]  }
0x17a: {  	v61 =	vld [tilespmem:s29+$0x1740];
	v3 =	vmax.f32 v3, v56  }
0x17b: {  	v62 =	vld [tilespmem:s29+$0x17C0];
	v3 =	vmax.f32 v3, v57  }
0x17c: {  	v63 =	vld [tilespmem:s29+$0x1C40];
	v3 =	vmax.f32 v3, v58  }
0x17d: {  	v12 =	vld [tilespmem:s29+$0x1CC0];
	v3 =	vmax.f32 v3, v59  }
0x17e: {  	v13 =	vld [tilespmem:s29+$0x1D40];
	v3 =	vmax.f32 v3, v60  }
0x17f: {  	v14 =	vld [tilespmem:s29+$0x1DC0];
	v3 =	vmax.f32 v3, v61  }
0x180: {  	v15 =	vld [tilespmem:s29+$0x1E40];
	v3 =	vmax.f32 v3, v62  }
0x181: {  	v16 =	vld [tilespmem:s29+$0x1EC0];
	v3 =	vmax.f32 v3, v63  }
0x182: {  	v17 =	vld [tilespmem:s29+$0x1F40];
	v3 =	vmax.f32 v3, v12  }
0x183: {  	v18 =	vld [tilespmem:s29+$0x1FC0];
	v3 =	vmax.f32 v3, v13  }
0x184: {  	v3 =	vmax.f32 v3, v14  }
0x185: {  	v3 =	vmax.f32 v3, v15  }
0x186: {  	v3 =	vmax.f32 v3, v16  }
0x187: {  	v3 =	vmax.f32 v3, v17  }
0x188: {  	v3 =	vmax.f32 v3, v18  }
0x189: {  	[tilespmem:s30+$0x9440] =	vst v3  }
0x18a: {  	v3 =	vld [tilespmem:s29+$0x1450]  }
0x18b: {  	v19 =	vld [tilespmem:s29+$0x14D0]  }
0x18c: {  	v20 =	vld [tilespmem:s29+$0x1550]  }
0x18d: {  	v21 =	vld [tilespmem:s29+$0x15D0]  }
0x18e: {  	v22 =	vld [tilespmem:s29+$0x1650]  }
0x18f: {  	v23 =	vld [tilespmem:s29+$0x16D0]  }
0x190: {  	v24 =	vld [tilespmem:s29+$0x1750];
	v3 =	vmax.f32 v3, v19  }
0x191: {  	v25 =	vld [tilespmem:s29+$0x17D0];
	v3 =	vmax.f32 v3, v20  }
0x192: {  	v26 =	vld [tilespmem:s29+$0x1C50];
	v3 =	vmax.f32 v3, v21  }
0x193: {  	v27 =	vld [tilespmem:s29+$0x1CD0];
	v3 =	vmax.f32 v3, v22  }
0x194: {  	v28 =	vld [tilespmem:s29+$0x1D50];
	v3 =	vmax.f32 v3, v23  }
0x195: {  	v29 =	vld [tilespmem:s29+$0x1DD0];
	v3 =	vmax.f32 v3, v24  }
0x196: {  	v30 =	vld [tilespmem:s29+$0x1E50];
	v3 =	vmax.f32 v3, v25  }
0x197: {  	v31 =	vld [tilespmem:s29+$0x1ED0];
	v3 =	vmax.f32 v3, v26  }
0x198: {  	v32 =	vld [tilespmem:s29+$0x1F50];
	v3 =	vmax.f32 v3, v27  }
0x199: {  	v33 =	vld [tilespmem:s29+$0x1FD0];
	v3 =	vmax.f32 v3, v28  }
0x19a: {  	v3 =	vmax.f32 v3, v29  }
0x19b: {  	v3 =	vmax.f32 v3, v30  }
0x19c: {  	v3 =	vmax.f32 v3, v31  }
0x19d: {  	v3 =	vmax.f32 v3, v32  }
0x19e: {  	v3 =	vmax.f32 v3, v33  }
0x19f: {  	[tilespmem:s30+$0x9450] =	vst v3  }
0x1a0: {  	v3 =	vld [tilespmem:s29+$0x1460]  }
0x1a1: {  	v34 =	vld [tilespmem:s29+$0x14E0]  }
0x1a2: {  	v35 =	vld [tilespmem:s29+$0x1560]  }
0x1a3: {  	v36 =	vld [tilespmem:s29+$0x15E0]  }
0x1a4: {  	v37 =	vld [tilespmem:s29+$0x1660]  }
0x1a5: {  	v38 =	vld [tilespmem:s29+$0x16E0]  }
0x1a6: {  	v39 =	vld [tilespmem:s29+$0x1760];
	v3 =	vmax.f32 v3, v34  }
0x1a7: {  	v40 =	vld [tilespmem:s29+$0x17E0];
	v3 =	vmax.f32 v3, v35  }
0x1a8: {  	v41 =	vld [tilespmem:s29+$0x1C60];
	v3 =	vmax.f32 v3, v36  }
0x1a9: {  	v42 =	vld [tilespmem:s29+$0x1CE0];
	v3 =	vmax.f32 v3, v37  }
0x1aa: {  	v43 =	vld [tilespmem:s29+$0x1D60];
	v3 =	vmax.f32 v3, v38  }
0x1ab: {  	v44 =	vld [tilespmem:s29+$0x1DE0];
	v3 =	vmax.f32 v3, v39  }
0x1ac: {  	v45 =	vld [tilespmem:s29+$0x1E60];
	v3 =	vmax.f32 v3, v40  }
0x1ad: {  	v46 =	vld [tilespmem:s29+$0x1EE0];
	v3 =	vmax.f32 v3, v41  }
0x1ae: {  	v47 =	vld [tilespmem:s29+$0x1F60];
	v3 =	vmax.f32 v3, v42  }
0x1af: {  	v48 =	vld [tilespmem:s29+$0x1FE0];
	v3 =	vmax.f32 v3, v43  }
0x1b0: {  	v3 =	vmax.f32 v3, v44  }
0x1b1: {  	v3 =	vmax.f32 v3, v45  }
0x1b2: {  	v3 =	vmax.f32 v3, v46  }
0x1b3: {  	v3 =	vmax.f32 v3, v47  }
0x1b4: {  	v3 =	vmax.f32 v3, v48  }
0x1b5: {  	[tilespmem:s30+$0x9460] =	vst v3  }
0x1b6: {  	v3 =	vld [tilespmem:s29+$0x1470]  }
0x1b7: {  	v49 =	vld [tilespmem:s29+$0x14F0]  }
0x1b8: {  	v50 =	vld [tilespmem:s29+$0x1570]  }
0x1b9: {  	v51 =	vld [tilespmem:s29+$0x15F0]  }
0x1ba: {  	v52 =	vld [tilespmem:s29+$0x1670]  }
0x1bb: {  	v53 =	vld [tilespmem:s29+$0x16F0]  }
0x1bc: {  	v54 =	vld [tilespmem:s29+$0x1770];
	v3 =	vmax.f32 v3, v49  }
0x1bd: {  	v55 =	vld [tilespmem:s29+$0x17F0];
	v3 =	vmax.f32 v3, v50  }
0x1be: {  	v56 =	vld [tilespmem:s29+$0x1C70];
	v3 =	vmax.f32 v3, v51  }
0x1bf: {  	v57 =	vld [tilespmem:s29+$0x1CF0];
	v3 =	vmax.f32 v3, v52  }
0x1c0: {  	v58 =	vld [tilespmem:s29+$0x1D70];
	v3 =	vmax.f32 v3, v53  }
0x1c1: {  	v59 =	vld [tilespmem:s29+$0x1DF0];
	v3 =	vmax.f32 v3, v54  }
0x1c2: {  	v60 =	vld [tilespmem:s29+$0x1E70];
	v3 =	vmax.f32 v3, v55  }
0x1c3: {  	v61 =	vld [tilespmem:s29+$0x1EF0];
	v3 =	vmax.f32 v3, v56  }
0x1c4: {  	v62 =	vld [tilespmem:s29+$0x1F70];
	v3 =	vmax.f32 v3, v57  }
0x1c5: {  	v63 =	vld [tilespmem:s29+$0x1FF0];
	v3 =	vmax.f32 v3, v58  }
0x1c6: {  	p0 =	sne.s32 s28, $0x7;
	v3 =	vmax.f32 v3, v59  }
.Ltmp0:
0x1c7: {  	v3 =	vmax.f32 v3, v60;
	(pc) =	sbr.rel @p0 .LBB2_3-.Ltmp0, $4  }
0x1c8: {  	v3 =	vmax.f32 v3, v61  }
0x1c9: {  	v3 =	vmax.f32 v3, v62  }
0x1ca: {  	v3 =	vmax.f32 v3, v63  }
0x1cb: {  	s28 =	sadd.s32 $0x1, s28;
	[tilespmem:s30+$0x9470] =	vst v3  }
0x1cc: {  	s28 =	sshll.u32 s26, $0x8;
	s26 =	sadd.s32 $0x1, s26  }
0x1cd: {  	p0 =	sne.s32 s26, $0x20  }
.Ltmp1:
0x1ce: {  	s28 =	sadd.s32 s28, s5;
	(pc) =	sbr.rel @p0 .LBB2_2-.Ltmp1, $4  }
0x1cf: {  	[hbm4b:s28+s3] =	stream.linear.scatter [tilespmem:s24], [sflag:$0x1], $0x800, $0x38;
	[tilespmem:$0x9800] =	vst v63  }
0x1d0: {  	_ =	swait.ge [sflag:s7], $0x800  }
0x1d1: {  	[sflag:s7] =	ssyncset.done $0x0  }
0x1d2: {  	[sflag:s7] =	ssyncadd.s32 $0xFFFFF800  }
0x1d3: {  	s25 =	sadd.s32 $0x1, s25  }
0x1d4: {  	p0 =	sne.s32 s25, s6  }
.Ltmp2:
0x1d5: {  	_ = 	snop;
	(pc) =	sbr.rel @p0 .LBB2_1-.Ltmp2, $1  }
0x1d6: {  	_ =	sdelay $0x3  }
0x1d7: {  	_ =	sfence.sel $0x180000  }
0x1d8: {  	[bflag:$0x0] =	sbarrier.arrive $0xFFFF  }
0x1d9: {  	p0 =	sne.s32 s0, $0x0;
	_ =	strace $0x90000047  }
0x1da: {  	s0 =	sadd.s32 @!p0 $0x100000, s2;
	[bflag:$0x2] =	sbarrier.arrive $0xFFFF  }
0x1db: {  	[sflag:s0] =	ssyncadd.tile.s32 @!p0 $0x1;
	_ =	shalt  }
.Lfunc_end2:
_tile_overlayer_lowered:
.L_overlay_start_2:
0x1dc: {  	(tag) =	ssettag $0x2  }
0x1dd: {  	s0 =	rddreg [dreg:$0x0];
	s2 =	stileid.u32  }
0x1de: {  	s1 =	rddreg [dreg:$0x1];
	p0 =	sne.s32 s2, $0x0  }
0x1df: {  	s3 =	rddreg [dreg:$0x2];
	[bflag:$0x3] =	sbarrier.arrive $0xFFFF;
	s2 =	simm.s32 @!p0 $0x1C01  }
0x1e0: {  	[timem:s3], [sflag:s2] =	dma.local @!p0 [hbm:s0], s1  }
0x1e1: {  	s0 =	simm.s32 @!p0 $0x1  }
0x1e2: {  	_ =	swait.ge @!p0 [sflag:s0], s1  }
0x1e3: {  	s1 =	ssub.s32 @!p0 $0x0, s1;
	[sflag:s0] =	ssyncset.done @!p0 $0x0  }
0x1e4: {  	[sflag:s0] =	ssyncadd.s32 @!p0 s1  }
0x1e5: {  	[bflag:$0x3] =	sbarrier.arrive $0xFFFF  }
0x1e6: {  	_ =	shalt  }

</sc_bundles>
